<compile_context>
chip_gen: v7x
topology: tpu7x:2x2x1
jax: 0.10.2.dev20260603
libtpu: 0.0.44.dev20260713+nightly
codegen_flags: <defaults>
</compile_context>

<pallas_src>
import jax
import jax.numpy as jnp
from jax import lax
from jax.experimental import pallas as pl
from jax.experimental.pallas import tpu as pltpu
from jax.experimental.pallas import tpu_sc as plsc

NC = 2
NS = 16
NW = NC * NS
LANES = 16
CHUNK = 2000


def _sc_forces(n_nodes, n_elem):
    ew = n_elem // NW
    nchunk = ew // CHUNK
    groups = CHUNK // LANES
    npt = -(-n_nodes // NS // 128) * 128
    accn = NS * npt

    def body(ux, uz, uth, na, nb, el, pe, pa, pi, ecs, esn, uc16, th16, zsrc,
             out, *scr):
        i32 = jnp.int32
        cid = lax.axis_index("c")
        sid = lax.axis_index("s")
        wid = cid * i32(NS) + sid

        setA = scr[0:24]
        setB = scr[24:48]
        uc_v, th_v, zv, ax, az, at = scr[48:54]

        pltpu.sync_copy(zsrc, zv)
        sl0 = pl.ds(sid * i32(npt), npt)
        pltpu.sync_copy(zv, ax.at[sl0])
        pltpu.sync_copy(zv, az.at[sl0])
        pltpu.sync_copy(zv, at.at[sl0])
        pltpu.sync_copy(uc16, uc_v)
        pltpu.sync_copy(th16, th_v)
        plsc.subcore_barrier()
        uc = uc_v[...]
        th = th_v[...]

        def unpack(S):
            return dict(na_v=S[0], nb_v=S[1], l_v=S[2], e_v=S[3], a_v=S[4],
                        i_v=S[5], cs_v=S[6], sn_v=S[7],
                        g=S[8:14], f=S[14:20],
                        sem_n=S[20], sem_l=S[21], sem_g=S[22], sem_s=S[23])

        def start_idx_loads(S, k):
            base = wid * i32(ew) + k * i32(CHUNK)
            pltpu.async_copy(na.at[pl.ds(base, CHUNK)], S["na_v"], S["sem_n"])
            pltpu.async_copy(nb.at[pl.ds(base, CHUNK)], S["nb_v"], S["sem_n"])

        def start_elem_loads(S, k):
            base = wid * i32(ew) + k * i32(CHUNK)
            for src, dst in ((el, S["l_v"]), (pe, S["e_v"]), (pa, S["a_v"]),
                             (pi, S["i_v"])):
                pltpu.async_copy(src.at[pl.ds(base, CHUNK)], dst, S["sem_l"])
            pltpu.async_copy(ecs.at[pl.ds(base, CHUNK)], S["cs_v"],
                             S["sem_l"])
            pltpu.async_copy(esn.at[pl.ds(base, CHUNK)], S["sn_v"],
                             S["sem_l"])

        def wait_idx_loads(S):
            base = pl.ds(0, CHUNK)
            pltpu.make_async_copy(na.at[base], S["na_v"], S["sem_n"]).wait()
            pltpu.make_async_copy(nb.at[base], S["nb_v"], S["sem_n"]).wait()

        def wait_elem_loads(S):
            base = pl.ds(0, CHUNK)
            for src, dst in ((el, S["l_v"]), (pe, S["e_v"]), (pa, S["a_v"]),
                             (pi, S["i_v"])):
                pltpu.make_async_copy(src.at[base], dst, S["sem_l"]).wait()
            pltpu.make_async_copy(ecs.at[base], S["cs_v"], S["sem_l"]).wait()
            pltpu.make_async_copy(esn.at[base], S["sn_v"], S["sem_l"]).wait()

        def gather_list(S):
            return ((ux, S["na_v"], S["g"][0]), (uz, S["na_v"], S["g"][1]),
                    (uth, S["na_v"], S["g"][2]), (ux, S["nb_v"], S["g"][3]),
                    (uz, S["nb_v"], S["g"][4]), (uth, S["nb_v"], S["g"][5]))

        def scatter_list(S):
            return ((S["f"][0], S["na_v"], ax), (S["f"][1], S["na_v"], az),
                    (S["f"][2], S["na_v"], at), (S["f"][3], S["nb_v"], ax),
                    (S["f"][4], S["nb_v"], az), (S["f"][5], S["nb_v"], at))

        def start_gathers(S):
            for tab, ixr, dst in gather_list(S):
                pltpu.async_copy(tab.at[ixr], dst, S["sem_g"])

        def wait_gathers(S):
            for tab, ixr, dst in gather_list(S):
                pltpu.make_async_copy(tab.at[ixr], dst, S["sem_g"]).wait()

        def start_scatters(S):
            for src, ixr, accr in scatter_list(S):
                pltpu.async_copy(src, accr.at[ixr], S["sem_s"], add=True)

        def wait_scatters(S):
            for src, ixr, accr in scatter_list(S):
                pltpu.make_async_copy(src, accr.at[ixr], S["sem_s"]).wait()

        def compute(S):
            gax, gaz, gat, gbx, gbz, gbt = S["g"]
            fax, faz, fat, fbx, fbz, fbt = S["f"]
            cs_v, sn_v, l_v, e_v, a_v, i_v = (S["cs_v"], S["sn_v"], S["l_v"],
                                              S["e_v"], S["a_v"], S["i_v"])

            @plsc.parallel_loop(jnp.int32(0), jnp.int32(groups), jnp.int32(1),
                                unroll=2)
            def group(g):
                sl = pl.ds(g * i32(LANES), LANES)
                uxA = gax[sl] * uc
                uzA = gaz[sl] * uc
                thA = gat[sl] * th
                uxB = gbx[sl] * uc
                uzB = gbz[sl] * uc
                thB = gbt[sl] * th
                cc = cs_v[sl]
                ss = sn_v[sl]
                rl = 1.0 / l_v[sl]
                eg = e_v[sl]
                ea_l = eg * a_v[sl] * rl
                ei_l = eg * i_v[sl] * rl
                ei_l2 = ei_l * rl
                ei_l3 = ei_l2 * rl
                dx = uxA - uxB
                dz = uzA - uzB
                du = cc * dx + ss * dz
                dw = cc * dz - ss * dx
                tA = -thA
                tB = -thB
                f0 = ea_l * du
                f1 = 12.0 * ei_l3 * dw + 6.0 * ei_l2 * (tA + tB)
                sdw = 6.0 * ei_l2 * dw
                f2 = sdw + ei_l * (4.0 * tA + 2.0 * tB)
                f5 = sdw + ei_l * (2.0 * tA + 4.0 * tB)
                fx = cc * f0 - ss * f1
                fz = ss * f0 + cc * f1
                fax[sl] = fx
                faz[sl] = fz
                fat[sl] = -f2
                fbx[sl] = -fx
                fbz[sl] = -fz
                fbt[sl] = -f5

        A = unpack(setA)
        B = unpack(setB)

        def stage(s, X, Y):
            wait_elem_loads(X)
            wait_gathers(X)

            @pl.when(s + 1 < i32(nchunk))
            def _():
                @pl.when(s >= 1)
                def _():
                    wait_scatters(Y)
                start_idx_loads(Y, s + 1)
                start_elem_loads(Y, s + 1)
                wait_idx_loads(Y)
                start_gathers(Y)
            compute(X)
            start_scatters(X)

        start_idx_loads(A, jnp.int32(0))
        start_elem_loads(A, jnp.int32(0))
        wait_idx_loads(A)
        start_gathers(A)

        def step(s, _):
            @pl.when(s % 2 == 0)
            def _():
                stage(s, A, B)

            @pl.when(s % 2 == 1)
            def _():
                stage(s, B, A)
            return 0
        lax.fori_loop(jnp.int32(0), jnp.int32(nchunk), step, 0)

        wait_scatters(A if nchunk % 2 == 1 else B)
        wait_scatters(B if nchunk % 2 == 1 else A)

        plsc.subcore_barrier()
        obase = cid * i32(3 * accn) + sid * i32(npt)
        for j, accr in enumerate((ax, az, at)):
            pltpu.sync_copy(accr.at[sl0], zv)
            pltpu.sync_copy(zv, out.at[pl.ds(obase + i32(j * accn), npt)])

    mesh = plsc.VectorSubcoreMesh(
        core_axis_name="c", subcore_axis_name="s",
        num_cores=NC, num_subcores=NS)
    cvec = lambda dt: pltpu.VMEM((CHUNK,), dt)
    bufset = ([cvec(jnp.int32)] * 2 + [cvec(jnp.float32)] * 18
              + [pltpu.SemaphoreType.DMA] * 4)
    return pl.kernel(
        body,
        out_type=jax.ShapeDtypeStruct((NC * 3 * accn,), jnp.float32),
        mesh=mesh,
        scratch_types=(
            bufset + bufset
            + [pltpu.VMEM((16,), jnp.float32)] * 2
            + [pltpu.VMEM((npt,), jnp.float32)]
            + [pltpu.VMEM_SHARED((accn,), jnp.float32)] * 3
        ),
    )


def _loss_tc(fint_r, fe_r, m_r):
    half = fint_r.shape[0] // 2

    def body(fi_ref, fe_ref, m_ref, o_ref):
        f = fi_ref[:half, :] + fi_ref[half:, :]
        fe = fe_ref[...]
        m = m_ref[...]
        r = (f - fe) * m
        ff = fe * m
        num = jnp.sum(r * r)
        den = jnp.maximum(jnp.sum(ff * ff), 1e-30)
        o_ref[...] = jnp.reshape(num / den, (1, 1))

    return pl.pallas_call(
        body,
        out_shape=jax.ShapeDtypeStruct((1, 1), jnp.float32),
    )(fint_r, fe_r, m_r)


def kernel(pred_raw, u_c, theta_c, connectivity, elem_lengths, prop_E,
           prop_A, prop_I22, elem_directions, F_ext, bc_disp, bc_rot):
    f32 = jnp.float32
    n_nodes = pred_raw.shape[0]
    n_elem = connectivity.shape[0]
    npt = -(-n_nodes // NS // 128) * 128
    accn = NS * npt

    conn = connectivity.astype(jnp.int32)
    na = conn[:, 0]
    nb = conn[:, 1]
    cs = elem_directions[:, 0].astype(f32)
    sn = elem_directions[:, 2].astype(f32)
    pr = pred_raw.astype(f32)
    ux, uz, uth = pr[:, 0], pr[:, 1], pr[:, 2]
    uc16 = jnp.broadcast_to(u_c.astype(f32), (16,))
    th16 = jnp.broadcast_to(theta_c.astype(f32), (16,))
    zsrc = jnp.zeros((npt,), f32)

    fint2 = _sc_forces(n_nodes, n_elem)(
        ux, uz, uth, na, nb, elem_lengths.astype(f32), prop_E.astype(f32),
        prop_A.astype(f32), prop_I22.astype(f32), cs, sn, uc16, th16, zsrc)

    pad = ((0, 0), (0, accn - n_nodes))
    fe_cm = jnp.pad(F_ext.astype(f32).T, pad)
    free_d = 1.0 - bc_disp.astype(f32)[:, 0]
    free_r = 1.0 - bc_rot.astype(f32)[:, 0]
    m_cm = jnp.pad(jnp.stack([free_d, free_d, free_r]), pad)

    rows = 3 * accn // 128
    loss = _loss_tc(fint2.reshape(2 * rows, 128),
                    fe_cm.reshape(rows, 128), m_cm.reshape(rows, 128))
    return loss[0, 0].astype(f32)

# --- scband reference (transcript-rebuilt; emitter-appended) ---
"""Pipeline reference for scband-residual-loss-12146167513806 (READ-ONLY COPY).

The authoritative reference and input builder live on the scoring server;
editing this copy changes nothing except your own understanding.
"""

import jax, jax.numpy as jnp
import numpy as np
jax.config.update("jax_enable_x64", True)


def setup_inputs(seed: int = 0) -> dict:
    key = jax.random.key(seed)
    ks = jax.random.split(key, 12)
    n_nodes = 100000
    n_elem = 1600000
    pred_raw = jax.random.normal(ks[0], (n_nodes, 3), dtype=jnp.float32)
    u_c = jax.random.uniform(ks[1], (1,), dtype=jnp.float32) + 0.5
    theta_c = jax.random.uniform(ks[2], (1,), dtype=jnp.float32) + 0.5
    connectivity = jax.random.randint(ks[3], (n_elem, 2), 0, n_nodes, dtype=jnp.int64)
    elem_lengths = jax.random.uniform(ks[4], (n_elem,), dtype=jnp.float32) + 0.5
    prop_E = jax.random.uniform(ks[5], (n_elem,), dtype=jnp.float32) * 100.0 + 1.0
    prop_A = jax.random.uniform(ks[6], (n_elem,), dtype=jnp.float32) + 0.1
    prop_I22 = jax.random.uniform(ks[7], (n_elem,), dtype=jnp.float32) + 0.1
    ang = jax.random.uniform(ks[8], (n_elem,), dtype=jnp.float32) * (2.0 * np.pi)
    elem_directions = jnp.stack([jnp.cos(ang), jnp.zeros_like(ang), jnp.sin(ang)], axis=1)
    F_ext = jax.random.normal(ks[9], (n_nodes, 3), dtype=jnp.float32)
    bc_disp = (jax.random.uniform(ks[10], (n_nodes, 1)) < 0.05).astype(jnp.float32)
    bc_rot = (jax.random.uniform(ks[11], (n_nodes, 1)) < 0.05).astype(jnp.float32)
    return {"pred_raw": pred_raw, "u_c": u_c, "theta_c": theta_c, "connectivity": connectivity, "elem_lengths": elem_lengths, "prop_E": prop_E, "prop_A": prop_A, "prop_I22": prop_I22, "elem_directions": elem_directions, "F_ext": F_ext, "bc_disp": bc_disp, "bc_rot": bc_rot}


def reference(pred_raw, u_c, theta_c, connectivity, elem_lengths, prop_E, prop_A, prop_I22, elem_directions, F_ext, bc_disp, bc_rot):
    axial_weight = 1.0
    u_phys = jnp.stack([pred_raw[:, 0] * u_c[0], pred_raw[:, 1] * u_c[0], pred_raw[:, 2] * theta_c[0]], axis=1)
    u64 = u_phys.astype(jnp.float64)
    nA = connectivity[:, 0]
    nB = connectivity[:, 1]
    n_nodes = pred_raw.shape[0]
    L = elem_lengths.astype(jnp.float64)
    EA = (prop_E * prop_A).astype(jnp.float64)
    EI = (prop_E * prop_I22).astype(jnp.float64)
    c = elem_directions[:, 0].astype(jnp.float64)
    s = elem_directions[:, 2].astype(jnp.float64)
    F_ext64 = F_ext.astype(jnp.float64)
    ux_A = u64[nA, 0]
    uz_A = u64[nA, 1]
    th_A = u64[nA, 2]
    ux_B = u64[nB, 0]
    uz_B = u64[nB, 1]
    th_B = u64[nB, 2]
    u_A_loc = c * ux_A + s * uz_A
    w_A_loc = -s * ux_A + c * uz_A
    u_B_loc = c * ux_B + s * uz_B
    w_B_loc = -s * ux_B + c * uz_B
    th_A_loc = -th_A
    th_B_loc = -th_B
    d_local = jnp.stack([u_A_loc, w_A_loc, th_A_loc, u_B_loc, w_B_loc, th_B_loc], axis=1)
    ea_l = EA / L * axial_weight
    ei_l = EI / L
    ei_l2 = EI / L ** 2
    ei_l3 = EI / L ** 3
    z = jnp.zeros_like(ea_l)
    row0 = jnp.stack([ea_l, z, z, -ea_l, z, z], axis=1)
    row1 = jnp.stack([z, 12 * ei_l3, 6 * ei_l2, z, -12 * ei_l3, 6 * ei_l2], axis=1)
    row2 = jnp.stack([z, 6 * ei_l2, 4 * ei_l, z, -6 * ei_l2, 2 * ei_l], axis=1)
    row3 = jnp.stack([-ea_l, z, z, ea_l, z, z], axis=1)
    row4 = jnp.stack([z, -12 * ei_l3, -6 * ei_l2, z, 12 * ei_l3, -6 * ei_l2], axis=1)
    row5 = jnp.stack([z, 6 * ei_l2, 2 * ei_l, z, -6 * ei_l2, 4 * ei_l], axis=1)
    K_loc = jnp.stack([row0, row1, row2, row3, row4, row5], axis=1)
    f_local = jnp.einsum('eij,ej->ei', K_loc, d_local)
    f_global_A = jnp.stack([c * f_local[:, 0] - s * f_local[:, 1], s * f_local[:, 0] + c * f_local[:, 1], -f_local[:, 2]], axis=1)
    f_global_B = jnp.stack([c * f_local[:, 3] - s * f_local[:, 4], s * f_local[:, 3] + c * f_local[:, 4], -f_local[:, 5]], axis=1)
    F_int = jnp.zeros((n_nodes, 3), dtype=jnp.float64)
    F_int = F_int.at[nA].add(f_global_A)
    F_int = F_int.at[nB].add(f_global_B)
    R = F_int - F_ext64
    bc_d = bc_disp.astype(jnp.float64)
    bc_r = bc_rot.astype(jnp.float64)
    free_mask = jnp.concatenate([1 - bc_d, 1 - bc_d, 1 - bc_r], axis=1)
    R_free = R * free_mask
    F_free = F_ext64 * free_mask
    F_norm_sq = jnp.clip((F_free ** 2).sum(), 1e-30)
    loss = (R_free ** 2).sum() / F_norm_sq
    return loss.astype(jnp.float32)

if __name__ == "__main__":
    import jax
    _d = setup_inputs()
    print(jax.jit(kernel)(*tuple(_d.values())))

</pallas_src>

<mosaic_0001>
#map = affine_map<(d0, d1) -> (0)>
module attributes {stable_mosaic.version = 14 : i64} {
  func.func @body(%arg0: i32, %arg1: i32, %arg2: memref<100000xf32, #tpu.memory_space<hbm>>, %arg3: memref<100000xf32, #tpu.memory_space<hbm>>, %arg4: memref<100000xf32, #tpu.memory_space<hbm>>, %arg5: memref<1600000xi32, #tpu.memory_space<hbm>>, %arg6: memref<1600000xi32, #tpu.memory_space<hbm>>, %arg7: memref<1600000xf32, #tpu.memory_space<hbm>>, %arg8: memref<1600000xf32, #tpu.memory_space<hbm>>, %arg9: memref<1600000xf32, #tpu.memory_space<hbm>>, %arg10: memref<1600000xf32, #tpu.memory_space<hbm>>, %arg11: memref<1600000xf32, #tpu.memory_space<hbm>>, %arg12: memref<1600000xf32, #tpu.memory_space<hbm>>, %arg13: memref<16xf32, #tpu.memory_space<hbm>>, %arg14: memref<16xf32, #tpu.memory_space<hbm>>, %arg15: memref<6272xf32, #tpu.memory_space<hbm>>, %arg16: memref<602112xf32, #tpu.memory_space<hbm>>, %arg17: memref<2000xi32, #tpu.memory_space<vmem>>, %arg18: memref<2000xi32, #tpu.memory_space<vmem>>, %arg19: memref<2000xf32, #tpu.memory_space<vmem>>, %arg20: memref<2000xf32, #tpu.memory_space<vmem>>, %arg21: memref<2000xf32, #tpu.memory_space<vmem>>, %arg22: memref<2000xf32, #tpu.memory_space<vmem>>, %arg23: memref<2000xf32, #tpu.memory_space<vmem>>, %arg24: memref<2000xf32, #tpu.memory_space<vmem>>, %arg25: memref<2000xf32, #tpu.memory_space<vmem>>, %arg26: memref<2000xf32, #tpu.memory_space<vmem>>, %arg27: memref<2000xf32, #tpu.memory_space<vmem>>, %arg28: memref<2000xf32, #tpu.memory_space<vmem>>, %arg29: memref<2000xf32, #tpu.memory_space<vmem>>, %arg30: memref<2000xf32, #tpu.memory_space<vmem>>, %arg31: memref<2000xf32, #tpu.memory_space<vmem>>, %arg32: memref<2000xf32, #tpu.memory_space<vmem>>, %arg33: memref<2000xf32, #tpu.memory_space<vmem>>, %arg34: memref<2000xf32, #tpu.memory_space<vmem>>, %arg35: memref<2000xf32, #tpu.memory_space<vmem>>, %arg36: memref<2000xf32, #tpu.memory_space<vmem>>, %arg37: memref<!tpu.dma_semaphore, #tpu.memory_space<semaphore_mem>>, %arg38: memref<!tpu.dma_semaphore, #tpu.memory_space<semaphore_mem>>, %arg39: memref<!tpu.dma_semaphore, #tpu.memory_space<semaphore_mem>>, %arg40: memref<!tpu.dma_semaphore, #tpu.memory_space<semaphore_mem>>, %arg41: memref<2000xi32, #tpu.memory_space<vmem>>, %arg42: memref<2000xi32, #tpu.memory_space<vmem>>, %arg43: memref<2000xf32, #tpu.memory_space<vmem>>, %arg44: memref<2000xf32, #tpu.memory_space<vmem>>, %arg45: memref<2000xf32, #tpu.memory_space<vmem>>, %arg46: memref<2000xf32, #tpu.memory_space<vmem>>, %arg47: memref<2000xf32, #tpu.memory_space<vmem>>, %arg48: memref<2000xf32, #tpu.memory_space<vmem>>, %arg49: memref<2000xf32, #tpu.memory_space<vmem>>, %arg50: memref<2000xf32, #tpu.memory_space<vmem>>, %arg51: memref<2000xf32, #tpu.memory_space<vmem>>, %arg52: memref<2000xf32, #tpu.memory_space<vmem>>, %arg53: memref<2000xf32, #tpu.memory_space<vmem>>, %arg54: memref<2000xf32, #tpu.memory_space<vmem>>, %arg55: memref<2000xf32, #tpu.memory_space<vmem>>, %arg56: memref<2000xf32, #tpu.memory_space<vmem>>, %arg57: memref<2000xf32, #tpu.memory_space<vmem>>, %arg58: memref<2000xf32, #tpu.memory_space<vmem>>, %arg59: memref<2000xf32, #tpu.memory_space<vmem>>, %arg60: memref<2000xf32, #tpu.memory_space<vmem>>, %arg61: memref<!tpu.dma_semaphore, #tpu.memory_space<semaphore_mem>>, %arg62: memref<!tpu.dma_semaphore, #tpu.memory_space<semaphore_mem>>, %arg63: memref<!tpu.dma_semaphore, #tpu.memory_space<semaphore_mem>>, %arg64: memref<!tpu.dma_semaphore, #tpu.memory_space<semaphore_mem>>, %arg65: memref<16xf32, #tpu.memory_space<vmem>>, %arg66: memref<16xf32, #tpu.memory_space<vmem>>, %arg67: memref<6272xf32, #tpu.memory_space<vmem>>, %arg68: memref<100352xf32, #tpu.memory_space<vmem_shared>>, %arg69: memref<100352xf32, #tpu.memory_space<vmem_shared>>, %arg70: memref<100352xf32, #tpu.memory_space<vmem_shared>>) attributes {dimension_semantics = [#tpu.dimension_semantics<core_parallel>, #tpu.dimension_semantics<subcore_parallel>], iteration_bounds = array<i64: 2, 16>, scalar_prefetch = 0 : i64, scratch_operands = 54 : i64, tpu.core_type = #tpu.core_type<sc_vector_subcore>, window_params = [{transform_indices = #map}, {transform_indices = #map}, {transform_indices = #map}, {transform_indices = #map}, {transform_indices = #map}, {transform_indices = #map}, {transform_indices = #map}, {transform_indices = #map}, {transform_indices = #map}, {transform_indices = #map}, {transform_indices = #map}, {transform_indices = #map}, {transform_indices = #map}, {transform_indices = #map}, {transform_indices = #map}]} {
    %mul3A = arith.constant 16 : i32
    %mul3A_0 = arith.muli %arg0, %mul3A : i32
    %add3A = arith.addi %mul3A_0, %arg1 : i32
    "tpu.region"() ({
      %run_scoped3A = tpu.sem_alloc : memref<!tpu.dma_semaphore, #tpu.memory_space<semaphore_mem>>
      tpu.enqueue_dma source(%arg15 : memref<6272xf32, #tpu.memory_space<hbm>>) target(%arg67 : memref<6272xf32, #tpu.memory_space<vmem>>) target_semaphore(%run_scoped3A : memref<!tpu.dma_semaphore, #tpu.memory_space<semaphore_mem>>)
      tpu.wait_dma2 semaphore(%run_scoped3A : memref<!tpu.dma_semaphore, #tpu.memory_space<semaphore_mem>>) src(%arg15 : memref<6272xf32, #tpu.memory_space<hbm>>) dst(%arg67 : memref<6272xf32, #tpu.memory_space<vmem>>)
      tpu.yield
    }) : () -> ()
    %mul3A_1 = arith.constant 6272 : i32
    %mul3A_2 = arith.muli %arg1, %mul3A_1 : i32
    "tpu.region"() ({
      %run_scoped3A = tpu.sem_alloc : memref<!tpu.dma_semaphore, #tpu.memory_space<semaphore_mem>>
      %dma_start3A_102 = tpu.memref_slice %arg68[%mul3A_2] : memref<100352xf32, #tpu.memory_space<vmem_shared>> -> memref<6272xf32, #tpu.memory_space<vmem_shared>>
      %dma_start3A_103 = tpu.memref_slice %arg68[%mul3A_2] : memref<100352xf32, #tpu.memory_space<vmem_shared>> -> memref<6272xf32, #tpu.memory_space<vmem_shared>>
      tpu.enqueue_dma source(%arg67 : memref<6272xf32, #tpu.memory_space<vmem>>) target(%dma_start3A_103 : memref<6272xf32, #tpu.memory_space<vmem_shared>>) target_semaphore(%run_scoped3A : memref<!tpu.dma_semaphore, #tpu.memory_space<semaphore_mem>>)
      %dma_wait3A_104 = tpu.memref_slice %arg68[%mul3A_2] : memref<100352xf32, #tpu.memory_space<vmem_shared>> -> memref<6272xf32, #tpu.memory_space<vmem_shared>>
      %dma_wait3A_105 = tpu.memref_slice %arg68[%mul3A_2] : memref<100352xf32, #tpu.memory_space<vmem_shared>> -> memref<6272xf32, #tpu.memory_space<vmem_shared>>
      tpu.wait_dma2 semaphore(%run_scoped3A : memref<!tpu.dma_semaphore, #tpu.memory_space<semaphore_mem>>) src(%arg67 : memref<6272xf32, #tpu.memory_space<vmem>>) dst(%dma_wait3A_105 : memref<6272xf32, #tpu.memory_space<vmem_shared>>)
      tpu.yield
    }) : () -> ()
    "tpu.region"() ({
      %run_scoped3A = tpu.sem_alloc : memref<!tpu.dma_semaphore, #tpu.memory_space<semaphore_mem>>
      %dma_start3A_102 = tpu.memref_slice %arg69[%mul3A_2] : memref<100352xf32, #tpu.memory_space<vmem_shared>> -> memref<6272xf32, #tpu.memory_space<vmem_shared>>
      %dma_start3A_103 = tpu.memref_slice %arg69[%mul3A_2] : memref<100352xf32, #tpu.memory_space<vmem_shared>> -> memref<6272xf32, #tpu.memory_space<vmem_shared>>
      tpu.enqueue_dma source(%arg67 : memref<6272xf32, #tpu.memory_space<vmem>>) target(%dma_start3A_103 : memref<6272xf32, #tpu.memory_space<vmem_shared>>) target_semaphore(%run_scoped3A : memref<!tpu.dma_semaphore, #tpu.memory_space<semaphore_mem>>)
      %dma_wait3A_104 = tpu.memref_slice %arg69[%mul3A_2] : memref<100352xf32, #tpu.memory_space<vmem_shared>> -> memref<6272xf32, #tpu.memory_space<vmem_shared>>
      %dma_wait3A_105 = tpu.memref_slice %arg69[%mul3A_2] : memref<100352xf32, #tpu.memory_space<vmem_shared>> -> memref<6272xf32, #tpu.memory_space<vmem_shared>>
      tpu.wait_dma2 semaphore(%run_scoped3A : memref<!tpu.dma_semaphore, #tpu.memory_space<semaphore_mem>>) src(%arg67 : memref<6272xf32, #tpu.memory_space<vmem>>) dst(%dma_wait3A_105 : memref<6272xf32, #tpu.memory_space<vmem_shared>>)
      tpu.yield
    }) : () -> ()
    "tpu.region"() ({
      %run_scoped3A = tpu.sem_alloc : memref<!tpu.dma_semaphore, #tpu.memory_space<semaphore_mem>>
      %dma_start3A_102 = tpu.memref_slice %arg70[%mul3A_2] : memref<100352xf32, #tpu.memory_space<vmem_shared>> -> memref<6272xf32, #tpu.memory_space<vmem_shared>>
      %dma_start3A_103 = tpu.memref_slice %arg70[%mul3A_2] : memref<100352xf32, #tpu.memory_space<vmem_shared>> -> memref<6272xf32, #tpu.memory_space<vmem_shared>>
      tpu.enqueue_dma source(%arg67 : memref<6272xf32, #tpu.memory_space<vmem>>) target(%dma_start3A_103 : memref<6272xf32, #tpu.memory_space<vmem_shared>>) target_semaphore(%run_scoped3A : memref<!tpu.dma_semaphore, #tpu.memory_space<semaphore_mem>>)
      %dma_wait3A_104 = tpu.memref_slice %arg70[%mul3A_2] : memref<100352xf32, #tpu.memory_space<vmem_shared>> -> memref<6272xf32, #tpu.memory_space<vmem_shared>>
      %dma_wait3A_105 = tpu.memref_slice %arg70[%mul3A_2] : memref<100352xf32, #tpu.memory_space<vmem_shared>> -> memref<6272xf32, #tpu.memory_space<vmem_shared>>
      tpu.wait_dma2 semaphore(%run_scoped3A : memref<!tpu.dma_semaphore, #tpu.memory_space<semaphore_mem>>) src(%arg67 : memref<6272xf32, #tpu.memory_space<vmem>>) dst(%dma_wait3A_105 : memref<6272xf32, #tpu.memory_space<vmem_shared>>)
      tpu.yield
    }) : () -> ()
    "tpu.region"() ({
      %run_scoped3A = tpu.sem_alloc : memref<!tpu.dma_semaphore, #tpu.memory_space<semaphore_mem>>
      tpu.enqueue_dma source(%arg13 : memref<16xf32, #tpu.memory_space<hbm>>) target(%arg65 : memref<16xf32, #tpu.memory_space<vmem>>) target_semaphore(%run_scoped3A : memref<!tpu.dma_semaphore, #tpu.memory_space<semaphore_mem>>)
      tpu.wait_dma2 semaphore(%run_scoped3A : memref<!tpu.dma_semaphore, #tpu.memory_space<semaphore_mem>>) src(%arg13 : memref<16xf32, #tpu.memory_space<hbm>>) dst(%arg65 : memref<16xf32, #tpu.memory_space<vmem>>)
      tpu.yield
    }) : () -> ()
    "tpu.region"() ({
      %run_scoped3A = tpu.sem_alloc : memref<!tpu.dma_semaphore, #tpu.memory_space<semaphore_mem>>
      tpu.enqueue_dma source(%arg14 : memref<16xf32, #tpu.memory_space<hbm>>) target(%arg66 : memref<16xf32, #tpu.memory_space<vmem>>) target_semaphore(%run_scoped3A : memref<!tpu.dma_semaphore, #tpu.memory_space<semaphore_mem>>)
      tpu.wait_dma2 semaphore(%run_scoped3A : memref<!tpu.dma_semaphore, #tpu.memory_space<semaphore_mem>>) src(%arg14 : memref<16xf32, #tpu.memory_space<hbm>>) dst(%arg66 : memref<16xf32, #tpu.memory_space<vmem>>)
      tpu.yield
    }) : () -> ()
    %barrier3A = arith.constant 0 : index
    tpu.barrier barrier_id(%barrier3A)
    %get3A = arith.constant 0 : index
    %get3A_3 = tpu.vector_load %arg65[%get3A] {strides = array<i32>} : memref<16xf32, #tpu.memory_space<vmem>>, vector<16xf32>,
    %get3A_4 = vector.shape_cast %get3A_3 : vector<16xf32> to vector<16xf32>
    %get3A_5 = arith.constant 0 : index
    %get3A_6 = tpu.vector_load %arg66[%get3A_5] {strides = array<i32>} : memref<16xf32, #tpu.memory_space<vmem>>, vector<16xf32>,
    %get3A_7 = vector.shape_cast %get3A_6 : vector<16xf32> to vector<16xf32>
    %mul3A_8 = arith.constant 50000 : i32
    %mul3A_9 = arith.muli %add3A, %mul3A_8 : i32
    %mul3A_10 = arith.constant 0 : i32
    %mul3A_11 = arith.constant 2000 : i32
    %mul3A_12 = arith.muli %mul3A_10, %mul3A_11 : i32
    %add3A_13 = arith.addi %mul3A_9, %mul3A_12 : i32
    %dma_start3A = tpu.memref_slice %arg5[%add3A_13] : memref<1600000xi32, #tpu.memory_space<hbm>> -> memref<2000xi32, #tpu.memory_space<hbm>>
    %dma_start3A_14 = tpu.memref_slice %arg5[%add3A_13] : memref<1600000xi32, #tpu.memory_space<hbm>> -> memref<2000xi32, #tpu.memory_space<hbm>>
    tpu.enqueue_dma source(%dma_start3A_14 : memref<2000xi32, #tpu.memory_space<hbm>>) target(%arg17 : memref<2000xi32, #tpu.memory_space<vmem>>) target_semaphore(%arg37 : memref<!tpu.dma_semaphore, #tpu.memory_space<semaphore_mem>>)
    %dma_start3A_15 = tpu.memref_slice %arg6[%add3A_13] : memref<1600000xi32, #tpu.memory_space<hbm>> -> memref<2000xi32, #tpu.memory_space<hbm>>
    %dma_start3A_16 = tpu.memref_slice %arg6[%add3A_13] : memref<1600000xi32, #tpu.memory_space<hbm>> -> memref<2000xi32, #tpu.memory_space<hbm>>
    tpu.enqueue_dma source(%dma_start3A_16 : memref<2000xi32, #tpu.memory_space<hbm>>) target(%arg18 : memref<2000xi32, #tpu.memory_space<vmem>>) target_semaphore(%arg37 : memref<!tpu.dma_semaphore, #tpu.memory_space<semaphore_mem>>)
    %mul3A_17 = arith.constant 50000 : i32
    %mul3A_18 = arith.muli %add3A, %mul3A_17 : i32
    %mul3A_19 = arith.constant 0 : i32
    %mul3A_20 = arith.constant 2000 : i32
    %mul3A_21 = arith.muli %mul3A_19, %mul3A_20 : i32
    %add3A_22 = arith.addi %mul3A_18, %mul3A_21 : i32
    %dma_start3A_23 = tpu.memref_slice %arg7[%add3A_22] : memref<1600000xf32, #tpu.memory_space<hbm>> -> memref<2000xf32, #tpu.memory_space<hbm>>
    %dma_start3A_24 = tpu.memref_slice %arg7[%add3A_22] : memref<1600000xf32, #tpu.memory_space<hbm>> -> memref<2000xf32, #tpu.memory_space<hbm>>
    tpu.enqueue_dma source(%dma_start3A_24 : memref<2000xf32, #tpu.memory_space<hbm>>) target(%arg19 : memref<2000xf32, #tpu.memory_space<vmem>>) target_semaphore(%arg38 : memref<!tpu.dma_semaphore, #tpu.memory_space<semaphore_mem>>)
    %dma_start3A_25 = tpu.memref_slice %arg8[%add3A_22] : memref<1600000xf32, #tpu.memory_space<hbm>> -> memref<2000xf32, #tpu.memory_space<hbm>>
    %dma_start3A_26 = tpu.memref_slice %arg8[%add3A_22] : memref<1600000xf32, #tpu.memory_space<hbm>> -> memref<2000xf32, #tpu.memory_space<hbm>>
    tpu.enqueue_dma source(%dma_start3A_26 : memref<2000xf32, #tpu.memory_space<hbm>>) target(%arg20 : memref<2000xf32, #tpu.memory_space<vmem>>) target_semaphore(%arg38 : memref<!tpu.dma_semaphore, #tpu.memory_space<semaphore_mem>>)
    %dma_start3A_27 = tpu.memref_slice %arg9[%add3A_22] : memref<1600000xf32, #tpu.memory_space<hbm>> -> memref<2000xf32, #tpu.memory_space<hbm>>
    %dma_start3A_28 = tpu.memref_slice %arg9[%add3A_22] : memref<1600000xf32, #tpu.memory_space<hbm>> -> memref<2000xf32, #tpu.memory_space<hbm>>
    tpu.enqueue_dma source(%dma_start3A_28 : memref<2000xf32, #tpu.memory_space<hbm>>) target(%arg21 : memref<2000xf32, #tpu.memory_space<vmem>>) target_semaphore(%arg38 : memref<!tpu.dma_semaphore, #tpu.memory_space<semaphore_mem>>)
    %dma_start3A_29 = tpu.memref_slice %arg10[%add3A_22] : memref<1600000xf32, #tpu.memory_space<hbm>> -> memref<2000xf32, #tpu.memory_space<hbm>>
    %dma_start3A_30 = tpu.memref_slice %arg10[%add3A_22] : memref<1600000xf32, #tpu.memory_space<hbm>> -> memref<2000xf32, #tpu.memory_space<hbm>>
    tpu.enqueue_dma source(%dma_start3A_30 : memref<2000xf32, #tpu.memory_space<hbm>>) target(%arg22 : memref<2000xf32, #tpu.memory_space<vmem>>) target_semaphore(%arg38 : memref<!tpu.dma_semaphore, #tpu.memory_space<semaphore_mem>>)
    %dma_start3A_31 = tpu.memref_slice %arg11[%add3A_22] : memref<1600000xf32, #tpu.memory_space<hbm>> -> memref<2000xf32, #tpu.memory_space<hbm>>
    %dma_start3A_32 = tpu.memref_slice %arg11[%add3A_22] : memref<1600000xf32, #tpu.memory_space<hbm>> -> memref<2000xf32, #tpu.memory_space<hbm>>
    tpu.enqueue_dma source(%dma_start3A_32 : memref<2000xf32, #tpu.memory_space<hbm>>) target(%arg23 : memref<2000xf32, #tpu.memory_space<vmem>>) target_semaphore(%arg38 : memref<!tpu.dma_semaphore, #tpu.memory_space<semaphore_mem>>)
    %dma_start3A_33 = tpu.memref_slice %arg12[%add3A_22] : memref<1600000xf32, #tpu.memory_space<hbm>> -> memref<2000xf32, #tpu.memory_space<hbm>>
    %dma_start3A_34 = tpu.memref_slice %arg12[%add3A_22] : memref<1600000xf32, #tpu.memory_space<hbm>> -> memref<2000xf32, #tpu.memory_space<hbm>>
    tpu.enqueue_dma source(%dma_start3A_34 : memref<2000xf32, #tpu.memory_space<hbm>>) target(%arg24 : memref<2000xf32, #tpu.memory_space<vmem>>) target_semaphore(%arg38 : memref<!tpu.dma_semaphore, #tpu.memory_space<semaphore_mem>>)
    %dma_wait3A = arith.constant 0 : i32
    %dma_wait3A_35 = tpu.memref_slice %arg5[%dma_wait3A] : memref<1600000xi32, #tpu.memory_space<hbm>> -> memref<2000xi32, #tpu.memory_space<hbm>>
    %dma_wait3A_36 = arith.constant 0 : i32
    %dma_wait3A_37 = tpu.memref_slice %arg5[%dma_wait3A_36] : memref<1600000xi32, #tpu.memory_space<hbm>> -> memref<2000xi32, #tpu.memory_space<hbm>>
    tpu.wait_dma2 semaphore(%arg37 : memref<!tpu.dma_semaphore, #tpu.memory_space<semaphore_mem>>) src(%dma_wait3A_37 : memref<2000xi32, #tpu.memory_space<hbm>>) dst(%arg17 : memref<2000xi32, #tpu.memory_space<vmem>>)
    %dma_wait3A_38 = arith.constant 0 : i32
    %dma_wait3A_39 = tpu.memref_slice %arg6[%dma_wait3A_38] : memref<1600000xi32, #tpu.memory_space<hbm>> -> memref<2000xi32, #tpu.memory_space<hbm>>
    %dma_wait3A_40 = arith.constant 0 : i32
    %dma_wait3A_41 = tpu.memref_slice %arg6[%dma_wait3A_40] : memref<1600000xi32, #tpu.memory_space<hbm>> -> memref<2000xi32, #tpu.memory_space<hbm>>
    tpu.wait_dma2 semaphore(%arg37 : memref<!tpu.dma_semaphore, #tpu.memory_space<semaphore_mem>>) src(%dma_wait3A_41 : memref<2000xi32, #tpu.memory_space<hbm>>) dst(%arg18 : memref<2000xi32, #tpu.memory_space<vmem>>)
    %dma_start3A_42 = arith.constant 0 : i32
    %dma_start3A_43 = tpu.memref_slice %arg2[%dma_start3A_42] : memref<100000xf32, #tpu.memory_space<hbm>> -> memref<100000xf32, #tpu.memory_space<hbm>>
    tpu.enqueue_indirect_dma source(%dma_start3A_43 : memref<100000xf32, #tpu.memory_space<hbm>>) target(%arg25 : memref<2000xf32, #tpu.memory_space<vmem>>) offsets(%arg17 : memref<2000xi32, #tpu.memory_space<vmem>>) semaphore(%arg39 : memref<!tpu.dma_semaphore, #tpu.memory_space<semaphore_mem>>)
    %dma_start3A_44 = arith.constant 0 : i32
    %dma_start3A_45 = tpu.memref_slice %arg3[%dma_start3A_44] : memref<100000xf32, #tpu.memory_space<hbm>> -> memref<100000xf32, #tpu.memory_space<hbm>>
    tpu.enqueue_indirect_dma source(%dma_start3A_45 : memref<100000xf32, #tpu.memory_space<hbm>>) target(%arg26 : memref<2000xf32, #tpu.memory_space<vmem>>) offsets(%arg17 : memref<2000xi32, #tpu.memory_space<vmem>>) semaphore(%arg39 : memref<!tpu.dma_semaphore, #tpu.memory_space<semaphore_mem>>)
    %dma_start3A_46 = arith.constant 0 : i32
    %dma_start3A_47 = tpu.memref_slice %arg4[%dma_start3A_46] : memref<100000xf32, #tpu.memory_space<hbm>> -> memref<100000xf32, #tpu.memory_space<hbm>>
    tpu.enqueue_indirect_dma source(%dma_start3A_47 : memref<100000xf32, #tpu.memory_space<hbm>>) target(%arg27 : memref<2000xf32, #tpu.memory_space<vmem>>) offsets(%arg17 : memref<2000xi32, #tpu.memory_space<vmem>>) semaphore(%arg39 : memref<!tpu.dma_semaphore, #tpu.memory_space<semaphore_mem>>)
    %dma_start3A_48 = arith.constant 0 : i32
    %dma_start3A_49 = tpu.memref_slice %arg2[%dma_start3A_48] : memref<100000xf32, #tpu.memory_space<hbm>> -> memref<100000xf32, #tpu.memory_space<hbm>>
    tpu.enqueue_indirect_dma source(%dma_start3A_49 : memref<100000xf32, #tpu.memory_space<hbm>>) target(%arg28 : memref<2000xf32, #tpu.memory_space<vmem>>) offsets(%arg18 : memref<2000xi32, #tpu.memory_space<vmem>>) semaphore(%arg39 : memref<!tpu.dma_semaphore, #tpu.memory_space<semaphore_mem>>)
    %dma_start3A_50 = arith.constant 0 : i32
    %dma_start3A_51 = tpu.memref_slice %arg3[%dma_start3A_50] : memref<100000xf32, #tpu.memory_space<hbm>> -> memref<100000xf32, #tpu.memory_space<hbm>>
    tpu.enqueue_indirect_dma source(%dma_start3A_51 : memref<100000xf32, #tpu.memory_space<hbm>>) target(%arg29 : memref<2000xf32, #tpu.memory_space<vmem>>) offsets(%arg18 : memref<2000xi32, #tpu.memory_space<vmem>>) semaphore(%arg39 : memref<!tpu.dma_semaphore, #tpu.memory_space<semaphore_mem>>)
    %dma_start3A_52 = arith.constant 0 : i32
    %dma_start3A_53 = tpu.memref_slice %arg4[%dma_start3A_52] : memref<100000xf32, #tpu.memory_space<hbm>> -> memref<100000xf32, #tpu.memory_space<hbm>>
    tpu.enqueue_indirect_dma source(%dma_start3A_53 : memref<100000xf32, #tpu.memory_space<hbm>>) target(%arg30 : memref<2000xf32, #tpu.memory_space<vmem>>) offsets(%arg18 : memref<2000xi32, #tpu.memory_space<vmem>>) semaphore(%arg39 : memref<!tpu.dma_semaphore, #tpu.memory_space<semaphore_mem>>)
    %while3A = arith.constant 0 : i32
    %while3A_54 = arith.constant 25 : i32
    %while3A_55 = arith.constant 0 : i64
    %while3A_56 = arith.subi %while3A_54, %while3A : i32
    %while3A_57 = arith.addi %while3A, %while3A_56 : i32
    %while3A_58 = arith.constant 1 : i32
    %while3A_59 = arith.divsi %while3A_56, %while3A_58 : i32
    %while3A_60 = arith.muli %while3A_59, %while3A_58 : i32
    %while3A_61 = arith.addi %while3A, %while3A_60 : i32
    %while3A_62 = arith.constant 1 : i32
    %while3A_63 = scf.for %while3A_102 = %while3A to %while3A_61 step %while3A_62 iter_args(%while3A_103 = %while3A_55) -> (i64)  : i32 {
      %jit3A = arith.constant 2 : i64
      %convert_element_type3A = arith.trunci %jit3A : i64 to i32
      %eq3A = arith.constant 0 : i32
      %eq3A_104 = arith.cmpi eq, %convert_element_type3A, %eq3A : i32
      %jit3A_105 = arith.constant 1 : i32
      %select_n3A = arith.select %eq3A_104, %jit3A_105, %convert_element_type3A : i32
      %rem3A = arith.remsi %while3A_102, %select_n3A : i32
      %ne3A = arith.constant 0 : i32
      %ne3A_106 = arith.cmpi ne, %rem3A, %ne3A : i32
      %lt3A = arith.constant 0 : i32
      %lt3A_107 = arith.cmpi slt, %rem3A, %lt3A : i32
      %lt3A_108 = arith.constant 0 : i32
      %lt3A_109 = arith.cmpi slt, %select_n3A, %lt3A_108 : i32
      %ne3A_110 = arith.xori %lt3A_107, %lt3A_109 : i1
      %and3A = arith.andi %ne3A_110, %ne3A_106 : i1
      %add3A_111 = arith.addi %rem3A, %select_n3A : i32
      %select_n3A_112 = arith.select %and3A, %add3A_111, %rem3A : i32
      %eq3A_113 = arith.constant 0 : i32
      %eq3A_114 = arith.cmpi eq, %select_n3A_112, %eq3A_113 : i32
      %convert_element_type3A_115 = arith.extui %eq3A_114 : i1 to i32
      %cond3A = arith.constant 0 : i32
      %cond3A_116 = arith.cmpi ne, %convert_element_type3A_115, %cond3A : i32
      scf.if %cond3A_116 {
        %dma_wait3A_140 = arith.constant 0 : i32
        %dma_wait3A_141 = tpu.memref_slice %arg7[%dma_wait3A_140] : memref<1600000xf32, #tpu.memory_space<hbm>> -> memref<2000xf32, #tpu.memory_space<hbm>>
        %dma_wait3A_142 = arith.constant 0 : i32
        %dma_wait3A_143 = tpu.memref_slice %arg7[%dma_wait3A_142] : memref<1600000xf32, #tpu.memory_space<hbm>> -> memref<2000xf32, #tpu.memory_space<hbm>>
        tpu.wait_dma2 semaphore(%arg38 : memref<!tpu.dma_semaphore, #tpu.memory_space<semaphore_mem>>) src(%dma_wait3A_143 : memref<2000xf32, #tpu.memory_space<hbm>>) dst(%arg19 : memref<2000xf32, #tpu.memory_space<vmem>>)
        %dma_wait3A_144 = arith.constant 0 : i32
        %dma_wait3A_145 = tpu.memref_slice %arg8[%dma_wait3A_144] : memref<1600000xf32, #tpu.memory_space<hbm>> -> memref<2000xf32, #tpu.memory_space<hbm>>
        %dma_wait3A_146 = arith.constant 0 : i32
        %dma_wait3A_147 = tpu.memref_slice %arg8[%dma_wait3A_146] : memref<1600000xf32, #tpu.memory_space<hbm>> -> memref<2000xf32, #tpu.memory_space<hbm>>
        tpu.wait_dma2 semaphore(%arg38 : memref<!tpu.dma_semaphore, #tpu.memory_space<semaphore_mem>>) src(%dma_wait3A_147 : memref<2000xf32, #tpu.memory_space<hbm>>) dst(%arg20 : memref<2000xf32, #tpu.memory_space<vmem>>)
        %dma_wait3A_148 = arith.constant 0 : i32
        %dma_wait3A_149 = tpu.memref_slice %arg9[%dma_wait3A_148] : memref<1600000xf32, #tpu.memory_space<hbm>> -> memref<2000xf32, #tpu.memory_space<hbm>>
        %dma_wait3A_150 = arith.constant 0 : i32
        %dma_wait3A_151 = tpu.memref_slice %arg9[%dma_wait3A_150] : memref<1600000xf32, #tpu.memory_space<hbm>> -> memref<2000xf32, #tpu.memory_space<hbm>>
        tpu.wait_dma2 semaphore(%arg38 : memref<!tpu.dma_semaphore, #tpu.memory_space<semaphore_mem>>) src(%dma_wait3A_151 : memref<2000xf32, #tpu.memory_space<hbm>>) dst(%arg21 : memref<2000xf32, #tpu.memory_space<vmem>>)
        %dma_wait3A_152 = arith.constant 0 : i32
        %dma_wait3A_153 = tpu.memref_slice %arg10[%dma_wait3A_152] : memref<1600000xf32, #tpu.memory_space<hbm>> -> memref<2000xf32, #tpu.memory_space<hbm>>
        %dma_wait3A_154 = arith.constant 0 : i32
        %dma_wait3A_155 = tpu.memref_slice %arg10[%dma_wait3A_154] : memref<1600000xf32, #tpu.memory_space<hbm>> -> memref<2000xf32, #tpu.memory_space<hbm>>
        tpu.wait_dma2 semaphore(%arg38 : memref<!tpu.dma_semaphore, #tpu.memory_space<semaphore_mem>>) src(%dma_wait3A_155 : memref<2000xf32, #tpu.memory_space<hbm>>) dst(%arg22 : memref<2000xf32, #tpu.memory_space<vmem>>)
        %dma_wait3A_156 = arith.constant 0 : i32
        %dma_wait3A_157 = tpu.memref_slice %arg11[%dma_wait3A_156] : memref<1600000xf32, #tpu.memory_space<hbm>> -> memref<2000xf32, #tpu.memory_space<hbm>>
        %dma_wait3A_158 = arith.constant 0 : i32
        %dma_wait3A_159 = tpu.memref_slice %arg11[%dma_wait3A_158] : memref<1600000xf32, #tpu.memory_space<hbm>> -> memref<2000xf32, #tpu.memory_space<hbm>>
        tpu.wait_dma2 semaphore(%arg38 : memref<!tpu.dma_semaphore, #tpu.memory_space<semaphore_mem>>) src(%dma_wait3A_159 : memref<2000xf32, #tpu.memory_space<hbm>>) dst(%arg23 : memref<2000xf32, #tpu.memory_space<vmem>>)
        %dma_wait3A_160 = arith.constant 0 : i32
        %dma_wait3A_161 = tpu.memref_slice %arg12[%dma_wait3A_160] : memref<1600000xf32, #tpu.memory_space<hbm>> -> memref<2000xf32, #tpu.memory_space<hbm>>
        %dma_wait3A_162 = arith.constant 0 : i32
        %dma_wait3A_163 = tpu.memref_slice %arg12[%dma_wait3A_162] : memref<1600000xf32, #tpu.memory_space<hbm>> -> memref<2000xf32, #tpu.memory_space<hbm>>
        tpu.wait_dma2 semaphore(%arg38 : memref<!tpu.dma_semaphore, #tpu.memory_space<semaphore_mem>>) src(%dma_wait3A_163 : memref<2000xf32, #tpu.memory_space<hbm>>) dst(%arg24 : memref<2000xf32, #tpu.memory_space<vmem>>)
        %dma_wait3A_164 = arith.constant 0 : i32
        %dma_wait3A_165 = tpu.memref_slice %arg2[%dma_wait3A_164] : memref<100000xf32, #tpu.memory_space<hbm>> -> memref<100000xf32, #tpu.memory_space<hbm>>
        tpu.wait_indirect_dma semaphore(%arg39 : memref<!tpu.dma_semaphore, #tpu.memory_space<semaphore_mem>>) src(%dma_wait3A_165 : memref<100000xf32, #tpu.memory_space<hbm>>) dst(%arg25 : memref<2000xf32, #tpu.memory_space<vmem>>)
        %dma_wait3A_166 = arith.constant 0 : i32
        %dma_wait3A_167 = tpu.memref_slice %arg3[%dma_wait3A_166] : memref<100000xf32, #tpu.memory_space<hbm>> -> memref<100000xf32, #tpu.memory_space<hbm>>
        tpu.wait_indirect_dma semaphore(%arg39 : memref<!tpu.dma_semaphore, #tpu.memory_space<semaphore_mem>>) src(%dma_wait3A_167 : memref<100000xf32, #tpu.memory_space<hbm>>) dst(%arg26 : memref<2000xf32, #tpu.memory_space<vmem>>)
        %dma_wait3A_168 = arith.constant 0 : i32
        %dma_wait3A_169 = tpu.memref_slice %arg4[%dma_wait3A_168] : memref<100000xf32, #tpu.memory_space<hbm>> -> memref<100000xf32, #tpu.memory_space<hbm>>
        tpu.wait_indirect_dma semaphore(%arg39 : memref<!tpu.dma_semaphore, #tpu.memory_space<semaphore_mem>>) src(%dma_wait3A_169 : memref<100000xf32, #tpu.memory_space<hbm>>) dst(%arg27 : memref<2000xf32, #tpu.memory_space<vmem>>)
        %dma_wait3A_170 = arith.constant 0 : i32
        %dma_wait3A_171 = tpu.memref_slice %arg2[%dma_wait3A_170] : memref<100000xf32, #tpu.memory_space<hbm>> -> memref<100000xf32, #tpu.memory_space<hbm>>
        tpu.wait_indirect_dma semaphore(%arg39 : memref<!tpu.dma_semaphore, #tpu.memory_space<semaphore_mem>>) src(%dma_wait3A_171 : memref<100000xf32, #tpu.memory_space<hbm>>) dst(%arg28 : memref<2000xf32, #tpu.memory_space<vmem>>)
        %dma_wait3A_172 = arith.constant 0 : i32
        %dma_wait3A_173 = tpu.memref_slice %arg3[%dma_wait3A_172] : memref<100000xf32, #tpu.memory_space<hbm>> -> memref<100000xf32, #tpu.memory_space<hbm>>
        tpu.wait_indirect_dma semaphore(%arg39 : memref<!tpu.dma_semaphore, #tpu.memory_space<semaphore_mem>>) src(%dma_wait3A_173 : memref<100000xf32, #tpu.memory_space<hbm>>) dst(%arg29 : memref<2000xf32, #tpu.memory_space<vmem>>)
        %dma_wait3A_174 = arith.constant 0 : i32
        %dma_wait3A_175 = tpu.memref_slice %arg4[%dma_wait3A_174] : memref<100000xf32, #tpu.memory_space<hbm>> -> memref<100000xf32, #tpu.memory_space<hbm>>
        tpu.wait_indirect_dma semaphore(%arg39 : memref<!tpu.dma_semaphore, #tpu.memory_space<semaphore_mem>>) src(%dma_wait3A_175 : memref<100000xf32, #tpu.memory_space<hbm>>) dst(%arg30 : memref<2000xf32, #tpu.memory_space<vmem>>)
        %add3A_176 = arith.constant 1 : i32
        %add3A_177 = arith.addi %while3A_102, %add3A_176 : i32
        %lt3A_178 = arith.constant 25 : i32
        %lt3A_179 = arith.cmpi slt, %add3A_177, %lt3A_178 : i32
        %convert_element_type3A_180 = arith.extui %lt3A_179 : i1 to i32
        %cond3A_181 = arith.constant 0 : i32
        %cond3A_182 = arith.cmpi ne, %convert_element_type3A_180, %cond3A_181 : i32
        scf.if %cond3A_182 {
          %ge3A = arith.constant 1 : i32
          %ge3A_197 = arith.cmpi sge, %while3A_102, %ge3A : i32
          %convert_element_type3A_198 = arith.extui %ge3A_197 : i1 to i32
          %cond3A_199 = arith.constant 0 : i32
          %cond3A_200 = arith.cmpi ne, %convert_element_type3A_198, %cond3A_199 : i32
          scf.if %cond3A_200 {
            %dma_wait3A_251 = arith.constant 0 : i32
            %dma_wait3A_252 = tpu.memref_slice %arg68[%dma_wait3A_251] : memref<100352xf32, #tpu.memory_space<vmem_shared>> -> memref<100352xf32, #tpu.memory_space<vmem_shared>>
            tpu.wait_indirect_dma semaphore(%arg64 : memref<!tpu.dma_semaphore, #tpu.memory_space<semaphore_mem>>) src(%arg55 : memref<2000xf32, #tpu.memory_space<vmem>>) dst(%dma_wait3A_252 : memref<100352xf32, #tpu.memory_space<vmem_shared>>)
            %dma_wait3A_253 = arith.constant 0 : i32
            %dma_wait3A_254 = tpu.memref_slice %arg69[%dma_wait3A_253] : memref<100352xf32, #tpu.memory_space<vmem_shared>> -> memref<100352xf32, #tpu.memory_space<vmem_shared>>
            tpu.wait_indirect_dma semaphore(%arg64 : memref<!tpu.dma_semaphore, #tpu.memory_space<semaphore_mem>>) src(%arg56 : memref<2000xf32, #tpu.memory_space<vmem>>) dst(%dma_wait3A_254 : memref<100352xf32, #tpu.memory_space<vmem_shared>>)
            %dma_wait3A_255 = arith.constant 0 : i32
            %dma_wait3A_256 = tpu.memref_slice %arg70[%dma_wait3A_255] : memref<100352xf32, #tpu.memory_space<vmem_shared>> -> memref<100352xf32, #tpu.memory_space<vmem_shared>>
            tpu.wait_indirect_dma semaphore(%arg64 : memref<!tpu.dma_semaphore, #tpu.memory_space<semaphore_mem>>) src(%arg57 : memref<2000xf32, #tpu.memory_space<vmem>>) dst(%dma_wait3A_256 : memref<100352xf32, #tpu.memory_space<vmem_shared>>)
            %dma_wait3A_257 = arith.constant 0 : i32
            %dma_wait3A_258 = tpu.memref_slice %arg68[%dma_wait3A_257] : memref<100352xf32, #tpu.memory_space<vmem_shared>> -> memref<100352xf32, #tpu.memory_space<vmem_shared>>
            tpu.wait_indirect_dma semaphore(%arg64 : memref<!tpu.dma_semaphore, #tpu.memory_space<semaphore_mem>>) src(%arg58 : memref<2000xf32, #tpu.memory_space<vmem>>) dst(%dma_wait3A_258 : memref<100352xf32, #tpu.memory_space<vmem_shared>>)
            %dma_wait3A_259 = arith.constant 0 : i32
            %dma_wait3A_260 = tpu.memref_slice %arg69[%dma_wait3A_259] : memref<100352xf32, #tpu.memory_space<vmem_shared>> -> memref<100352xf32, #tpu.memory_space<vmem_shared>>
            tpu.wait_indirect_dma semaphore(%arg64 : memref<!tpu.dma_semaphore, #tpu.memory_space<semaphore_mem>>) src(%arg59 : memref<2000xf32, #tpu.memory_space<vmem>>) dst(%dma_wait3A_260 : memref<100352xf32, #tpu.memory_space<vmem_shared>>)
            %dma_wait3A_261 = arith.constant 0 : i32
            %dma_wait3A_262 = tpu.memref_slice %arg70[%dma_wait3A_261] : memref<100352xf32, #tpu.memory_space<vmem_shared>> -> memref<100352xf32, #tpu.memory_space<vmem_shared>>
            tpu.wait_indirect_dma semaphore(%arg64 : memref<!tpu.dma_semaphore, #tpu.memory_space<semaphore_mem>>) src(%arg60 : memref<2000xf32, #tpu.memory_space<vmem>>) dst(%dma_wait3A_262 : memref<100352xf32, #tpu.memory_space<vmem_shared>>)
          } else {
          }
          %add3A_201 = arith.constant 1 : i32
          %add3A_202 = arith.addi %while3A_102, %add3A_201 : i32
          %mul3A_203 = arith.constant 50000 : i32
          %mul3A_204 = arith.muli %add3A, %mul3A_203 : i32
          %mul3A_205 = arith.constant 2000 : i32
          %mul3A_206 = arith.muli %add3A_202, %mul3A_205 : i32
          %add3A_207 = arith.addi %mul3A_204, %mul3A_206 : i32
          %dma_start3A_208 = tpu.memref_slice %arg5[%add3A_207] : memref<1600000xi32, #tpu.memory_space<hbm>> -> memref<2000xi32, #tpu.memory_space<hbm>>
          %dma_start3A_209 = tpu.memref_slice %arg5[%add3A_207] : memref<1600000xi32, #tpu.memory_space<hbm>> -> memref<2000xi32, #tpu.memory_space<hbm>>
          tpu.enqueue_dma source(%dma_start3A_209 : memref<2000xi32, #tpu.memory_space<hbm>>) target(%arg41 : memref<2000xi32, #tpu.memory_space<vmem>>) target_semaphore(%arg61 : memref<!tpu.dma_semaphore, #tpu.memory_space<semaphore_mem>>)
          %dma_start3A_210 = tpu.memref_slice %arg6[%add3A_207] : memref<1600000xi32, #tpu.memory_space<hbm>> -> memref<2000xi32, #tpu.memory_space<hbm>>
          %dma_start3A_211 = tpu.memref_slice %arg6[%add3A_207] : memref<1600000xi32, #tpu.memory_space<hbm>> -> memref<2000xi32, #tpu.memory_space<hbm>>
          tpu.enqueue_dma source(%dma_start3A_211 : memref<2000xi32, #tpu.memory_space<hbm>>) target(%arg42 : memref<2000xi32, #tpu.memory_space<vmem>>) target_semaphore(%arg61 : memref<!tpu.dma_semaphore, #tpu.memory_space<semaphore_mem>>)
          %add3A_212 = arith.constant 1 : i32
          %add3A_213 = arith.addi %while3A_102, %add3A_212 : i32
          %mul3A_214 = arith.constant 50000 : i32
          %mul3A_215 = arith.muli %add3A, %mul3A_214 : i32
          %mul3A_216 = arith.constant 2000 : i32
          %mul3A_217 = arith.muli %add3A_213, %mul3A_216 : i32
          %add3A_218 = arith.addi %mul3A_215, %mul3A_217 : i32
          %dma_start3A_219 = tpu.memref_slice %arg7[%add3A_218] : memref<1600000xf32, #tpu.memory_space<hbm>> -> memref<2000xf32, #tpu.memory_space<hbm>>
          %dma_start3A_220 = tpu.memref_slice %arg7[%add3A_218] : memref<1600000xf32, #tpu.memory_space<hbm>> -> memref<2000xf32, #tpu.memory_space<hbm>>
          tpu.enqueue_dma source(%dma_start3A_220 : memref<2000xf32, #tpu.memory_space<hbm>>) target(%arg43 : memref<2000xf32, #tpu.memory_space<vmem>>) target_semaphore(%arg62 : memref<!tpu.dma_semaphore, #tpu.memory_space<semaphore_mem>>)
          %dma_start3A_221 = tpu.memref_slice %arg8[%add3A_218] : memref<1600000xf32, #tpu.memory_space<hbm>> -> memref<2000xf32, #tpu.memory_space<hbm>>
          %dma_start3A_222 = tpu.memref_slice %arg8[%add3A_218] : memref<1600000xf32, #tpu.memory_space<hbm>> -> memref<2000xf32, #tpu.memory_space<hbm>>
          tpu.enqueue_dma source(%dma_start3A_222 : memref<2000xf32, #tpu.memory_space<hbm>>) target(%arg44 : memref<2000xf32, #tpu.memory_space<vmem>>) target_semaphore(%arg62 : memref<!tpu.dma_semaphore, #tpu.memory_space<semaphore_mem>>)
          %dma_start3A_223 = tpu.memref_slice %arg9[%add3A_218] : memref<1600000xf32, #tpu.memory_space<hbm>> -> memref<2000xf32, #tpu.memory_space<hbm>>
          %dma_start3A_224 = tpu.memref_slice %arg9[%add3A_218] : memref<1600000xf32, #tpu.memory_space<hbm>> -> memref<2000xf32, #tpu.memory_space<hbm>>
          tpu.enqueue_dma source(%dma_start3A_224 : memref<2000xf32, #tpu.memory_space<hbm>>) target(%arg45 : memref<2000xf32, #tpu.memory_space<vmem>>) target_semaphore(%arg62 : memref<!tpu.dma_semaphore, #tpu.memory_space<semaphore_mem>>)
          %dma_start3A_225 = tpu.memref_slice %arg10[%add3A_218] : memref<1600000xf32, #tpu.memory_space<hbm>> -> memref<2000xf32, #tpu.memory_space<hbm>>
          %dma_start3A_226 = tpu.memref_slice %arg10[%add3A_218] : memref<1600000xf32, #tpu.memory_space<hbm>> -> memref<2000xf32, #tpu.memory_space<hbm>>
          tpu.enqueue_dma source(%dma_start3A_226 : memref<2000xf32, #tpu.memory_space<hbm>>) target(%arg46 : memref<2000xf32, #tpu.memory_space<vmem>>) target_semaphore(%arg62 : memref<!tpu.dma_semaphore, #tpu.memory_space<semaphore_mem>>)
          %dma_start3A_227 = tpu.memref_slice %arg11[%add3A_218] : memref<1600000xf32, #tpu.memory_space<hbm>> -> memref<2000xf32, #tpu.memory_space<hbm>>
          %dma_start3A_228 = tpu.memref_slice %arg11[%add3A_218] : memref<1600000xf32, #tpu.memory_space<hbm>> -> memref<2000xf32, #tpu.memory_space<hbm>>
          tpu.enqueue_dma source(%dma_start3A_228 : memref<2000xf32, #tpu.memory_space<hbm>>) target(%arg47 : memref<2000xf32, #tpu.memory_space<vmem>>) target_semaphore(%arg62 : memref<!tpu.dma_semaphore, #tpu.memory_space<semaphore_mem>>)
          %dma_start3A_229 = tpu.memref_slice %arg12[%add3A_218] : memref<1600000xf32, #tpu.memory_space<hbm>> -> memref<2000xf32, #tpu.memory_space<hbm>>
          %dma_start3A_230 = tpu.memref_slice %arg12[%add3A_218] : memref<1600000xf32, #tpu.memory_space<hbm>> -> memref<2000xf32, #tpu.memory_space<hbm>>
          tpu.enqueue_dma source(%dma_start3A_230 : memref<2000xf32, #tpu.memory_space<hbm>>) target(%arg48 : memref<2000xf32, #tpu.memory_space<vmem>>) target_semaphore(%arg62 : memref<!tpu.dma_semaphore, #tpu.memory_space<semaphore_mem>>)
          %dma_wait3A_231 = arith.constant 0 : i32
          %dma_wait3A_232 = tpu.memref_slice %arg5[%dma_wait3A_231] : memref<1600000xi32, #tpu.memory_space<hbm>> -> memref<2000xi32, #tpu.memory_space<hbm>>
          %dma_wait3A_233 = arith.constant 0 : i32
          %dma_wait3A_234 = tpu.memref_slice %arg5[%dma_wait3A_233] : memref<1600000xi32, #tpu.memory_space<hbm>> -> memref<2000xi32, #tpu.memory_space<hbm>>
          tpu.wait_dma2 semaphore(%arg61 : memref<!tpu.dma_semaphore, #tpu.memory_space<semaphore_mem>>) src(%dma_wait3A_234 : memref<2000xi32, #tpu.memory_space<hbm>>) dst(%arg41 : memref<2000xi32, #tpu.memory_space<vmem>>)
          %dma_wait3A_235 = arith.constant 0 : i32
          %dma_wait3A_236 = tpu.memref_slice %arg6[%dma_wait3A_235] : memref<1600000xi32, #tpu.memory_space<hbm>> -> memref<2000xi32, #tpu.memory_space<hbm>>
          %dma_wait3A_237 = arith.constant 0 : i32
          %dma_wait3A_238 = tpu.memref_slice %arg6[%dma_wait3A_237] : memref<1600000xi32, #tpu.memory_space<hbm>> -> memref<2000xi32, #tpu.memory_space<hbm>>
          tpu.wait_dma2 semaphore(%arg61 : memref<!tpu.dma_semaphore, #tpu.memory_space<semaphore_mem>>) src(%dma_wait3A_238 : memref<2000xi32, #tpu.memory_space<hbm>>) dst(%arg42 : memref<2000xi32, #tpu.memory_space<vmem>>)
          %dma_start3A_239 = arith.constant 0 : i32
          %dma_start3A_240 = tpu.memref_slice %arg2[%dma_start3A_239] : memref<100000xf32, #tpu.memory_space<hbm>> -> memref<100000xf32, #tpu.memory_space<hbm>>
          tpu.enqueue_indirect_dma source(%dma_start3A_240 : memref<100000xf32, #tpu.memory_space<hbm>>) target(%arg49 : memref<2000xf32, #tpu.memory_space<vmem>>) offsets(%arg41 : memref<2000xi32, #tpu.memory_space<vmem>>) semaphore(%arg63 : memref<!tpu.dma_semaphore, #tpu.memory_space<semaphore_mem>>)
          %dma_start3A_241 = arith.constant 0 : i32
          %dma_start3A_242 = tpu.memref_slice %arg3[%dma_start3A_241] : memref<100000xf32, #tpu.memory_space<hbm>> -> memref<100000xf32, #tpu.memory_space<hbm>>
          tpu.enqueue_indirect_dma source(%dma_start3A_242 : memref<100000xf32, #tpu.memory_space<hbm>>) target(%arg50 : memref<2000xf32, #tpu.memory_space<vmem>>) offsets(%arg41 : memref<2000xi32, #tpu.memory_space<vmem>>) semaphore(%arg63 : memref<!tpu.dma_semaphore, #tpu.memory_space<semaphore_mem>>)
          %dma_start3A_243 = arith.constant 0 : i32
          %dma_start3A_244 = tpu.memref_slice %arg4[%dma_start3A_243] : memref<100000xf32, #tpu.memory_space<hbm>> -> memref<100000xf32, #tpu.memory_space<hbm>>
          tpu.enqueue_indirect_dma source(%dma_start3A_244 : memref<100000xf32, #tpu.memory_space<hbm>>) target(%arg51 : memref<2000xf32, #tpu.memory_space<vmem>>) offsets(%arg41 : memref<2000xi32, #tpu.memory_space<vmem>>) semaphore(%arg63 : memref<!tpu.dma_semaphore, #tpu.memory_space<semaphore_mem>>)
          %dma_start3A_245 = arith.constant 0 : i32
          %dma_start3A_246 = tpu.memref_slice %arg2[%dma_start3A_245] : memref<100000xf32, #tpu.memory_space<hbm>> -> memref<100000xf32, #tpu.memory_space<hbm>>
          tpu.enqueue_indirect_dma source(%dma_start3A_246 : memref<100000xf32, #tpu.memory_space<hbm>>) target(%arg52 : memref<2000xf32, #tpu.memory_space<vmem>>) offsets(%arg42 : memref<2000xi32, #tpu.memory_space<vmem>>) semaphore(%arg63 : memref<!tpu.dma_semaphore, #tpu.memory_space<semaphore_mem>>)
          %dma_start3A_247 = arith.constant 0 : i32
          %dma_start3A_248 = tpu.memref_slice %arg3[%dma_start3A_247] : memref<100000xf32, #tpu.memory_space<hbm>> -> memref<100000xf32, #tpu.memory_space<hbm>>
          tpu.enqueue_indirect_dma source(%dma_start3A_248 : memref<100000xf32, #tpu.memory_space<hbm>>) target(%arg53 : memref<2000xf32, #tpu.memory_space<vmem>>) offsets(%arg42 : memref<2000xi32, #tpu.memory_space<vmem>>) semaphore(%arg63 : memref<!tpu.dma_semaphore, #tpu.memory_space<semaphore_mem>>)
          %dma_start3A_249 = arith.constant 0 : i32
          %dma_start3A_250 = tpu.memref_slice %arg4[%dma_start3A_249] : memref<100000xf32, #tpu.memory_space<hbm>> -> memref<100000xf32, #tpu.memory_space<hbm>>
          tpu.enqueue_indirect_dma source(%dma_start3A_250 : memref<100000xf32, #tpu.memory_space<hbm>>) target(%arg54 : memref<2000xf32, #tpu.memory_space<vmem>>) offsets(%arg42 : memref<2000xi32, #tpu.memory_space<vmem>>) semaphore(%arg63 : memref<!tpu.dma_semaphore, #tpu.memory_space<semaphore_mem>>)
        } else {
        }
        %parallel_loop3A = arith.constant 0 : i32
        %parallel_loop3A_183 = arith.constant 125 : i32
        %parallel_loop3A_184 = arith.constant 1 : i32
        scf.for %parallel_loop3A_197 = %parallel_loop3A to %parallel_loop3A_183 step %parallel_loop3A_184  : i32 {
          %parallel_loop3A_198 = arith.constant 16 : i32
          %parallel_loop3A_199 = arith.muli %parallel_loop3A_197, %parallel_loop3A_198 : i32
          %parallel_loop3A_200 = arith.index_cast %parallel_loop3A_199 : i32 to index
          %parallel_loop3A_201 = tpu.vector_load %arg25[%parallel_loop3A_200] {strides = array<i32>} : memref<2000xf32, #tpu.memory_space<vmem>>, vector<16xf32>,
          %parallel_loop3A_202 = vector.shape_cast %parallel_loop3A_201 : vector<16xf32> to vector<16xf32>
          %parallel_loop3A_203 = arith.mulf %parallel_loop3A_202, %get3A_4 : vector<16xf32>
          %parallel_loop3A_204 = arith.index_cast %parallel_loop3A_199 : i32 to index
          %parallel_loop3A_205 = tpu.vector_load %arg26[%parallel_loop3A_204] {strides = array<i32>} : memref<2000xf32, #tpu.memory_space<vmem>>, vector<16xf32>,
          %parallel_loop3A_206 = vector.shape_cast %parallel_loop3A_205 : vector<16xf32> to vector<16xf32>
          %parallel_loop3A_207 = arith.mulf %parallel_loop3A_206, %get3A_4 : vector<16xf32>
          %parallel_loop3A_208 = arith.index_cast %parallel_loop3A_199 : i32 to index
          %parallel_loop3A_209 = tpu.vector_load %arg27[%parallel_loop3A_208] {strides = array<i32>} : memref<2000xf32, #tpu.memory_space<vmem>>, vector<16xf32>,
          %parallel_loop3A_210 = vector.shape_cast %parallel_loop3A_209 : vector<16xf32> to vector<16xf32>
          %parallel_loop3A_211 = arith.mulf %parallel_loop3A_210, %get3A_7 : vector<16xf32>
          %parallel_loop3A_212 = arith.index_cast %parallel_loop3A_199 : i32 to index
          %parallel_loop3A_213 = tpu.vector_load %arg28[%parallel_loop3A_212] {strides = array<i32>} : memref<2000xf32, #tpu.memory_space<vmem>>, vector<16xf32>,
          %parallel_loop3A_214 = vector.shape_cast %parallel_loop3A_213 : vector<16xf32> to vector<16xf32>
          %parallel_loop3A_215 = arith.mulf %parallel_loop3A_214, %get3A_4 : vector<16xf32>
          %parallel_loop3A_216 = arith.index_cast %parallel_loop3A_199 : i32 to index
          %parallel_loop3A_217 = tpu.vector_load %arg29[%parallel_loop3A_216] {strides = array<i32>} : memref<2000xf32, #tpu.memory_space<vmem>>, vector<16xf32>,
          %parallel_loop3A_218 = vector.shape_cast %parallel_loop3A_217 : vector<16xf32> to vector<16xf32>
          %parallel_loop3A_219 = arith.mulf %parallel_loop3A_218, %get3A_4 : vector<16xf32>
          %parallel_loop3A_220 = arith.index_cast %parallel_loop3A_199 : i32 to index
          %parallel_loop3A_221 = tpu.vector_load %arg30[%parallel_loop3A_220] {strides = array<i32>} : memref<2000xf32, #tpu.memory_space<vmem>>, vector<16xf32>,
          %parallel_loop3A_222 = vector.shape_cast %parallel_loop3A_221 : vector<16xf32> to vector<16xf32>
          %parallel_loop3A_223 = arith.mulf %parallel_loop3A_222, %get3A_7 : vector<16xf32>
          %parallel_loop3A_224 = arith.index_cast %parallel_loop3A_199 : i32 to index
          %parallel_loop3A_225 = tpu.vector_load %arg23[%parallel_loop3A_224] {strides = array<i32>} : memref<2000xf32, #tpu.memory_space<vmem>>, vector<16xf32>,
          %parallel_loop3A_226 = vector.shape_cast %parallel_loop3A_225 : vector<16xf32> to vector<16xf32>
          %parallel_loop3A_227 = arith.index_cast %parallel_loop3A_199 : i32 to index
          %parallel_loop3A_228 = tpu.vector_load %arg24[%parallel_loop3A_227] {strides = array<i32>} : memref<2000xf32, #tpu.memory_space<vmem>>, vector<16xf32>,
          %parallel_loop3A_229 = vector.shape_cast %parallel_loop3A_228 : vector<16xf32> to vector<16xf32>
          %parallel_loop3A_230 = arith.index_cast %parallel_loop3A_199 : i32 to index
          %parallel_loop3A_231 = tpu.vector_load %arg19[%parallel_loop3A_230] {strides = array<i32>} : memref<2000xf32, #tpu.memory_space<vmem>>, vector<16xf32>,
          %parallel_loop3A_232 = vector.shape_cast %parallel_loop3A_231 : vector<16xf32> to vector<16xf32>
          %parallel_loop3A_233 = arith.constant 1.000000e+00 : f32
          %parallel_loop3A_234 = vector.broadcast %parallel_loop3A_233 : f32 to vector<16xf32>
          %parallel_loop3A_235 = arith.divf %parallel_loop3A_234, %parallel_loop3A_232 : vector<16xf32>
          %parallel_loop3A_236 = arith.index_cast %parallel_loop3A_199 : i32 to index
          %parallel_loop3A_237 = tpu.vector_load %arg20[%parallel_loop3A_236] {strides = array<i32>} : memref<2000xf32, #tpu.memory_space<vmem>>, vector<16xf32>,
          %parallel_loop3A_238 = vector.shape_cast %parallel_loop3A_237 : vector<16xf32> to vector<16xf32>
          %parallel_loop3A_239 = arith.index_cast %parallel_loop3A_199 : i32 to index
          %parallel_loop3A_240 = tpu.vector_load %arg21[%parallel_loop3A_239] {strides = array<i32>} : memref<2000xf32, #tpu.memory_space<vmem>>, vector<16xf32>,
          %parallel_loop3A_241 = vector.shape_cast %parallel_loop3A_240 : vector<16xf32> to vector<16xf32>
          %parallel_loop3A_242 = arith.mulf %parallel_loop3A_238, %parallel_loop3A_241 : vector<16xf32>
          %parallel_loop3A_243 = arith.mulf %parallel_loop3A_242, %parallel_loop3A_235 : vector<16xf32>
          %parallel_loop3A_244 = arith.index_cast %parallel_loop3A_199 : i32 to index
          %parallel_loop3A_245 = tpu.vector_load %arg22[%parallel_loop3A_244] {strides = array<i32>} : memref<2000xf32, #tpu.memory_space<vmem>>, vector<16xf32>,
          %parallel_loop3A_246 = vector.shape_cast %parallel_loop3A_245 : vector<16xf32> to vector<16xf32>
          %parallel_loop3A_247 = arith.mulf %parallel_loop3A_238, %parallel_loop3A_246 : vector<16xf32>
          %parallel_loop3A_248 = arith.mulf %parallel_loop3A_247, %parallel_loop3A_235 : vector<16xf32>
          %parallel_loop3A_249 = arith.mulf %parallel_loop3A_248, %parallel_loop3A_235 : vector<16xf32>
          %parallel_loop3A_250 = arith.mulf %parallel_loop3A_249, %parallel_loop3A_235 : vector<16xf32>
          %parallel_loop3A_251 = arith.subf %parallel_loop3A_203, %parallel_loop3A_215 : vector<16xf32>
          %parallel_loop3A_252 = arith.subf %parallel_loop3A_207, %parallel_loop3A_219 : vector<16xf32>
          %parallel_loop3A_253 = arith.mulf %parallel_loop3A_226, %parallel_loop3A_251 : vector<16xf32>
          %parallel_loop3A_254 = arith.mulf %parallel_loop3A_229, %parallel_loop3A_252 : vector<16xf32>
          %parallel_loop3A_255 = arith.addf %parallel_loop3A_253, %parallel_loop3A_254 : vector<16xf32>
          %parallel_loop3A_256 = arith.mulf %parallel_loop3A_226, %parallel_loop3A_252 : vector<16xf32>
          %parallel_loop3A_257 = arith.mulf %parallel_loop3A_229, %parallel_loop3A_251 : vector<16xf32>
          %parallel_loop3A_258 = arith.subf %parallel_loop3A_256, %parallel_loop3A_257 : vector<16xf32>
          %parallel_loop3A_259 = arith.constant 0.000000e+00 : f32
          %parallel_loop3A_260 = vector.broadcast %parallel_loop3A_259 : f32 to vector<16xf32>
          %parallel_loop3A_261 = arith.subf %parallel_loop3A_260, %parallel_loop3A_211 : vector<16xf32>
          %parallel_loop3A_262 = arith.constant 0.000000e+00 : f32
          %parallel_loop3A_263 = vector.broadcast %parallel_loop3A_262 : f32 to vector<16xf32>
          %parallel_loop3A_264 = arith.subf %parallel_loop3A_263, %parallel_loop3A_223 : vector<16xf32>
          %parallel_loop3A_265 = arith.mulf %parallel_loop3A_243, %parallel_loop3A_255 : vector<16xf32>
          %parallel_loop3A_266 = arith.constant 1.200000e+01 : f32
          %parallel_loop3A_267 = vector.broadcast %parallel_loop3A_266 : f32 to vector<16xf32>
          %parallel_loop3A_268 = arith.mulf %parallel_loop3A_267, %parallel_loop3A_250 : vector<16xf32>
          %parallel_loop3A_269 = arith.mulf %parallel_loop3A_268, %parallel_loop3A_258 : vector<16xf32>
          %parallel_loop3A_270 = arith.constant 6.000000e+00 : f32
          %parallel_loop3A_271 = vector.broadcast %parallel_loop3A_270 : f32 to vector<16xf32>
          %parallel_loop3A_272 = arith.mulf %parallel_loop3A_271, %parallel_loop3A_249 : vector<16xf32>
          %parallel_loop3A_273 = arith.addf %parallel_loop3A_261, %parallel_loop3A_264 : vector<16xf32>
          %parallel_loop3A_274 = arith.mulf %parallel_loop3A_272, %parallel_loop3A_273 : vector<16xf32>
          %parallel_loop3A_275 = arith.addf %parallel_loop3A_269, %parallel_loop3A_274 : vector<16xf32>
          %parallel_loop3A_276 = arith.constant 6.000000e+00 : f32
          %parallel_loop3A_277 = vector.broadcast %parallel_loop3A_276 : f32 to vector<16xf32>
          %parallel_loop3A_278 = arith.mulf %parallel_loop3A_277, %parallel_loop3A_249 : vector<16xf32>
          %parallel_loop3A_279 = arith.mulf %parallel_loop3A_278, %parallel_loop3A_258 : vector<16xf32>
          %parallel_loop3A_280 = arith.constant 4.000000e+00 : f32
          %parallel_loop3A_281 = vector.broadcast %parallel_loop3A_280 : f32 to vector<16xf32>
          %parallel_loop3A_282 = arith.mulf %parallel_loop3A_281, %parallel_loop3A_261 : vector<16xf32>
          %parallel_loop3A_283 = arith.constant 2.000000e+00 : f32
          %parallel_loop3A_284 = vector.broadcast %parallel_loop3A_283 : f32 to vector<16xf32>
          %parallel_loop3A_285 = arith.mulf %parallel_loop3A_284, %parallel_loop3A_264 : vector<16xf32>
          %parallel_loop3A_286 = arith.addf %parallel_loop3A_282, %parallel_loop3A_285 : vector<16xf32>
          %parallel_loop3A_287 = arith.mulf %parallel_loop3A_248, %parallel_loop3A_286 : vector<16xf32>
          %parallel_loop3A_288 = arith.addf %parallel_loop3A_279, %parallel_loop3A_287 : vector<16xf32>
          %parallel_loop3A_289 = arith.constant 2.000000e+00 : f32
          %parallel_loop3A_290 = vector.broadcast %parallel_loop3A_289 : f32 to vector<16xf32>
          %parallel_loop3A_291 = arith.mulf %parallel_loop3A_290, %parallel_loop3A_261 : vector<16xf32>
          %parallel_loop3A_292 = arith.constant 4.000000e+00 : f32
          %parallel_loop3A_293 = vector.broadcast %parallel_loop3A_292 : f32 to vector<16xf32>
          %parallel_loop3A_294 = arith.mulf %parallel_loop3A_293, %parallel_loop3A_264 : vector<16xf32>
          %parallel_loop3A_295 = arith.addf %parallel_loop3A_291, %parallel_loop3A_294 : vector<16xf32>
          %parallel_loop3A_296 = arith.mulf %parallel_loop3A_248, %parallel_loop3A_295 : vector<16xf32>
          %parallel_loop3A_297 = arith.addf %parallel_loop3A_279, %parallel_loop3A_296 : vector<16xf32>
          %parallel_loop3A_298 = arith.mulf %parallel_loop3A_226, %parallel_loop3A_265 : vector<16xf32>
          %parallel_loop3A_299 = arith.mulf %parallel_loop3A_229, %parallel_loop3A_275 : vector<16xf32>
          %parallel_loop3A_300 = arith.subf %parallel_loop3A_298, %parallel_loop3A_299 : vector<16xf32>
          %parallel_loop3A_301 = arith.mulf %parallel_loop3A_229, %parallel_loop3A_265 : vector<16xf32>
          %parallel_loop3A_302 = arith.mulf %parallel_loop3A_226, %parallel_loop3A_275 : vector<16xf32>
          %parallel_loop3A_303 = arith.addf %parallel_loop3A_301, %parallel_loop3A_302 : vector<16xf32>
          %parallel_loop3A_304 = arith.index_cast %parallel_loop3A_199 : i32 to index
          %parallel_loop3A_305 = tpu.vector_load %arg31[%parallel_loop3A_304] {strides = array<i32>} : memref<2000xf32, #tpu.memory_space<vmem>>, vector<16xf32>,
          %parallel_loop3A_306 = vector.shape_cast %parallel_loop3A_305 : vector<16xf32> to vector<16xf32>
          %parallel_loop3A_307 = vector.shape_cast %parallel_loop3A_300 : vector<16xf32> to vector<16xf32>
          tpu.vector_store %arg31[%parallel_loop3A_304], %parallel_loop3A_307 {strides = array<i32>} : memref<2000xf32, #tpu.memory_space<vmem>>, vector<16xf32>,
          %parallel_loop3A_308 = arith.index_cast %parallel_loop3A_199 : i32 to index
          %parallel_loop3A_309 = tpu.vector_load %arg32[%parallel_loop3A_308] {strides = array<i32>} : memref<2000xf32, #tpu.memory_space<vmem>>, vector<16xf32>,
          %parallel_loop3A_310 = vector.shape_cast %parallel_loop3A_309 : vector<16xf32> to vector<16xf32>
          %parallel_loop3A_311 = vector.shape_cast %parallel_loop3A_303 : vector<16xf32> to vector<16xf32>
          tpu.vector_store %arg32[%parallel_loop3A_308], %parallel_loop3A_311 {strides = array<i32>} : memref<2000xf32, #tpu.memory_space<vmem>>, vector<16xf32>,
          %parallel_loop3A_312 = arith.constant 0.000000e+00 : f32
          %parallel_loop3A_313 = vector.broadcast %parallel_loop3A_312 : f32 to vector<16xf32>
          %parallel_loop3A_314 = arith.subf %parallel_loop3A_313, %parallel_loop3A_288 : vector<16xf32>
          %parallel_loop3A_315 = arith.index_cast %parallel_loop3A_199 : i32 to index
          %parallel_loop3A_316 = tpu.vector_load %arg33[%parallel_loop3A_315] {strides = array<i32>} : memref<2000xf32, #tpu.memory_space<vmem>>, vector<16xf32>,
          %parallel_loop3A_317 = vector.shape_cast %parallel_loop3A_316 : vector<16xf32> to vector<16xf32>
          %parallel_loop3A_318 = vector.shape_cast %parallel_loop3A_314 : vector<16xf32> to vector<16xf32>
          tpu.vector_store %arg33[%parallel_loop3A_315], %parallel_loop3A_318 {strides = array<i32>} : memref<2000xf32, #tpu.memory_space<vmem>>, vector<16xf32>,
          %parallel_loop3A_319 = arith.constant 0.000000e+00 : f32
          %parallel_loop3A_320 = vector.broadcast %parallel_loop3A_319 : f32 to vector<16xf32>
          %parallel_loop3A_321 = arith.subf %parallel_loop3A_320, %parallel_loop3A_300 : vector<16xf32>
          %parallel_loop3A_322 = arith.index_cast %parallel_loop3A_199 : i32 to index
          %parallel_loop3A_323 = tpu.vector_load %arg34[%parallel_loop3A_322] {strides = array<i32>} : memref<2000xf32, #tpu.memory_space<vmem>>, vector<16xf32>,
          %parallel_loop3A_324 = vector.shape_cast %parallel_loop3A_323 : vector<16xf32> to vector<16xf32>
          %parallel_loop3A_325 = vector.shape_cast %parallel_loop3A_321 : vector<16xf32> to vector<16xf32>
          tpu.vector_store %arg34[%parallel_loop3A_322], %parallel_loop3A_325 {strides = array<i32>} : memref<2000xf32, #tpu.memory_space<vmem>>, vector<16xf32>,
          %parallel_loop3A_326 = arith.constant 0.000000e+00 : f32
          %parallel_loop3A_327 = vector.broadcast %parallel_loop3A_326 : f32 to vector<16xf32>
          %parallel_loop3A_328 = arith.subf %parallel_loop3A_327, %parallel_loop3A_303 : vector<16xf32>
          %parallel_loop3A_329 = arith.index_cast %parallel_loop3A_199 : i32 to index
          %parallel_loop3A_330 = tpu.vector_load %arg35[%parallel_loop3A_329] {strides = array<i32>} : memref<2000xf32, #tpu.memory_space<vmem>>, vector<16xf32>,
          %parallel_loop3A_331 = vector.shape_cast %parallel_loop3A_330 : vector<16xf32> to vector<16xf32>
          %parallel_loop3A_332 = vector.shape_cast %parallel_loop3A_328 : vector<16xf32> to vector<16xf32>
          tpu.vector_store %arg35[%parallel_loop3A_329], %parallel_loop3A_332 {strides = array<i32>} : memref<2000xf32, #tpu.memory_space<vmem>>, vector<16xf32>,
          %parallel_loop3A_333 = arith.constant 0.000000e+00 : f32
          %parallel_loop3A_334 = vector.broadcast %parallel_loop3A_333 : f32 to vector<16xf32>
          %parallel_loop3A_335 = arith.subf %parallel_loop3A_334, %parallel_loop3A_297 : vector<16xf32>
          %parallel_loop3A_336 = arith.index_cast %parallel_loop3A_199 : i32 to index
          %parallel_loop3A_337 = tpu.vector_load %arg36[%parallel_loop3A_336] {strides = array<i32>} : memref<2000xf32, #tpu.memory_space<vmem>>, vector<16xf32>,
          %parallel_loop3A_338 = vector.shape_cast %parallel_loop3A_337 : vector<16xf32> to vector<16xf32>
          %parallel_loop3A_339 = vector.shape_cast %parallel_loop3A_335 : vector<16xf32> to vector<16xf32>
          tpu.vector_store %arg36[%parallel_loop3A_336], %parallel_loop3A_339 {strides = array<i32>} : memref<2000xf32, #tpu.memory_space<vmem>>, vector<16xf32>,
        } {sc.loop_unroll_factor = 2 : i64, sc.parallel_access}
        %dma_start3A_185 = arith.constant 0 : i32
        %dma_start3A_186 = tpu.memref_slice %arg68[%dma_start3A_185] : memref<100352xf32, #tpu.memory_space<vmem_shared>> -> memref<100352xf32, #tpu.memory_space<vmem_shared>>
        tpu.enqueue_indirect_dma source(%arg31 : memref<2000xf32, #tpu.memory_space<vmem>>) target(%dma_start3A_186 : memref<100352xf32, #tpu.memory_space<vmem_shared>>) offsets(%arg17 : memref<2000xi32, #tpu.memory_space<vmem>>) semaphore(%arg40 : memref<!tpu.dma_semaphore, #tpu.memory_space<semaphore_mem>>) {add = true}
        %dma_start3A_187 = arith.constant 0 : i32
        %dma_start3A_188 = tpu.memref_slice %arg69[%dma_start3A_187] : memref<100352xf32, #tpu.memory_space<vmem_shared>> -> memref<100352xf32, #tpu.memory_space<vmem_shared>>
        tpu.enqueue_indirect_dma source(%arg32 : memref<2000xf32, #tpu.memory_space<vmem>>) target(%dma_start3A_188 : memref<100352xf32, #tpu.memory_space<vmem_shared>>) offsets(%arg17 : memref<2000xi32, #tpu.memory_space<vmem>>) semaphore(%arg40 : memref<!tpu.dma_semaphore, #tpu.memory_space<semaphore_mem>>) {add = true}
        %dma_start3A_189 = arith.constant 0 : i32
        %dma_start3A_190 = tpu.memref_slice %arg70[%dma_start3A_189] : memref<100352xf32, #tpu.memory_space<vmem_shared>> -> memref<100352xf32, #tpu.memory_space<vmem_shared>>
        tpu.enqueue_indirect_dma source(%arg33 : memref<2000xf32, #tpu.memory_space<vmem>>) target(%dma_start3A_190 : memref<100352xf32, #tpu.memory_space<vmem_shared>>) offsets(%arg17 : memref<2000xi32, #tpu.memory_space<vmem>>) semaphore(%arg40 : memref<!tpu.dma_semaphore, #tpu.memory_space<semaphore_mem>>) {add = true}
        %dma_start3A_191 = arith.constant 0 : i32
        %dma_start3A_192 = tpu.memref_slice %arg68[%dma_start3A_191] : memref<100352xf32, #tpu.memory_space<vmem_shared>> -> memref<100352xf32, #tpu.memory_space<vmem_shared>>
        tpu.enqueue_indirect_dma source(%arg34 : memref<2000xf32, #tpu.memory_space<vmem>>) target(%dma_start3A_192 : memref<100352xf32, #tpu.memory_space<vmem_shared>>) offsets(%arg18 : memref<2000xi32, #tpu.memory_space<vmem>>) semaphore(%arg40 : memref<!tpu.dma_semaphore, #tpu.memory_space<semaphore_mem>>) {add = true}
        %dma_start3A_193 = arith.constant 0 : i32
        %dma_start3A_194 = tpu.memref_slice %arg69[%dma_start3A_193] : memref<100352xf32, #tpu.memory_space<vmem_shared>> -> memref<100352xf32, #tpu.memory_space<vmem_shared>>
        tpu.enqueue_indirect_dma source(%arg35 : memref<2000xf32, #tpu.memory_space<vmem>>) target(%dma_start3A_194 : memref<100352xf32, #tpu.memory_space<vmem_shared>>) offsets(%arg18 : memref<2000xi32, #tpu.memory_space<vmem>>) semaphore(%arg40 : memref<!tpu.dma_semaphore, #tpu.memory_space<semaphore_mem>>) {add = true}
        %dma_start3A_195 = arith.constant 0 : i32
        %dma_start3A_196 = tpu.memref_slice %arg70[%dma_start3A_195] : memref<100352xf32, #tpu.memory_space<vmem_shared>> -> memref<100352xf32, #tpu.memory_space<vmem_shared>>
        tpu.enqueue_indirect_dma source(%arg36 : memref<2000xf32, #tpu.memory_space<vmem>>) target(%dma_start3A_196 : memref<100352xf32, #tpu.memory_space<vmem_shared>>) offsets(%arg18 : memref<2000xi32, #tpu.memory_space<vmem>>) semaphore(%arg40 : memref<!tpu.dma_semaphore, #tpu.memory_space<semaphore_mem>>) {add = true}
      } else {
      }
      %jit3A_117 = arith.constant 2 : i64
      %convert_element_type3A_118 = arith.trunci %jit3A_117 : i64 to i32
      %eq3A_119 = arith.constant 0 : i32
      %eq3A_120 = arith.cmpi eq, %convert_element_type3A_118, %eq3A_119 : i32
      %jit3A_121 = arith.constant 1 : i32
      %select_n3A_122 = arith.select %eq3A_120, %jit3A_121, %convert_element_type3A_118 : i32
      %rem3A_123 = arith.remsi %while3A_102, %select_n3A_122 : i32
      %ne3A_124 = arith.constant 0 : i32
      %ne3A_125 = arith.cmpi ne, %rem3A_123, %ne3A_124 : i32
      %lt3A_126 = arith.constant 0 : i32
      %lt3A_127 = arith.cmpi slt, %rem3A_123, %lt3A_126 : i32
      %lt3A_128 = arith.constant 0 : i32
      %lt3A_129 = arith.cmpi slt, %select_n3A_122, %lt3A_128 : i32
      %ne3A_130 = arith.xori %lt3A_127, %lt3A_129 : i1
      %and3A_131 = arith.andi %ne3A_130, %ne3A_125 : i1
      %add3A_132 = arith.addi %rem3A_123, %select_n3A_122 : i32
      %select_n3A_133 = arith.select %and3A_131, %add3A_132, %rem3A_123 : i32
      %eq3A_134 = arith.constant 1 : i32
      %eq3A_135 = arith.cmpi eq, %select_n3A_133, %eq3A_134 : i32
      %convert_element_type3A_136 = arith.extui %eq3A_135 : i1 to i32
      %cond3A_137 = arith.constant 0 : i32
      %cond3A_138 = arith.cmpi ne, %convert_element_type3A_136, %cond3A_137 : i32
      scf.if %cond3A_138 {
        %dma_wait3A_140 = arith.constant 0 : i32
        %dma_wait3A_141 = tpu.memref_slice %arg7[%dma_wait3A_140] : memref<1600000xf32, #tpu.memory_space<hbm>> -> memref<2000xf32, #tpu.memory_space<hbm>>
        %dma_wait3A_142 = arith.constant 0 : i32
        %dma_wait3A_143 = tpu.memref_slice %arg7[%dma_wait3A_142] : memref<1600000xf32, #tpu.memory_space<hbm>> -> memref<2000xf32, #tpu.memory_space<hbm>>
        tpu.wait_dma2 semaphore(%arg62 : memref<!tpu.dma_semaphore, #tpu.memory_space<semaphore_mem>>) src(%dma_wait3A_143 : memref<2000xf32, #tpu.memory_space<hbm>>) dst(%arg43 : memref<2000xf32, #tpu.memory_space<vmem>>)
        %dma_wait3A_144 = arith.constant 0 : i32
        %dma_wait3A_145 = tpu.memref_slice %arg8[%dma_wait3A_144] : memref<1600000xf32, #tpu.memory_space<hbm>> -> memref<2000xf32, #tpu.memory_space<hbm>>
        %dma_wait3A_146 = arith.constant 0 : i32
        %dma_wait3A_147 = tpu.memref_slice %arg8[%dma_wait3A_146] : memref<1600000xf32, #tpu.memory_space<hbm>> -> memref<2000xf32, #tpu.memory_space<hbm>>
        tpu.wait_dma2 semaphore(%arg62 : memref<!tpu.dma_semaphore, #tpu.memory_space<semaphore_mem>>) src(%dma_wait3A_147 : memref<2000xf32, #tpu.memory_space<hbm>>) dst(%arg44 : memref<2000xf32, #tpu.memory_space<vmem>>)
        %dma_wait3A_148 = arith.constant 0 : i32
        %dma_wait3A_149 = tpu.memref_slice %arg9[%dma_wait3A_148] : memref<1600000xf32, #tpu.memory_space<hbm>> -> memref<2000xf32, #tpu.memory_space<hbm>>
        %dma_wait3A_150 = arith.constant 0 : i32
        %dma_wait3A_151 = tpu.memref_slice %arg9[%dma_wait3A_150] : memref<1600000xf32, #tpu.memory_space<hbm>> -> memref<2000xf32, #tpu.memory_space<hbm>>
        tpu.wait_dma2 semaphore(%arg62 : memref<!tpu.dma_semaphore, #tpu.memory_space<semaphore_mem>>) src(%dma_wait3A_151 : memref<2000xf32, #tpu.memory_space<hbm>>) dst(%arg45 : memref<2000xf32, #tpu.memory_space<vmem>>)
        %dma_wait3A_152 = arith.constant 0 : i32
        %dma_wait3A_153 = tpu.memref_slice %arg10[%dma_wait3A_152] : memref<1600000xf32, #tpu.memory_space<hbm>> -> memref<2000xf32, #tpu.memory_space<hbm>>
        %dma_wait3A_154 = arith.constant 0 : i32
        %dma_wait3A_155 = tpu.memref_slice %arg10[%dma_wait3A_154] : memref<1600000xf32, #tpu.memory_space<hbm>> -> memref<2000xf32, #tpu.memory_space<hbm>>
        tpu.wait_dma2 semaphore(%arg62 : memref<!tpu.dma_semaphore, #tpu.memory_space<semaphore_mem>>) src(%dma_wait3A_155 : memref<2000xf32, #tpu.memory_space<hbm>>) dst(%arg46 : memref<2000xf32, #tpu.memory_space<vmem>>)
        %dma_wait3A_156 = arith.constant 0 : i32
        %dma_wait3A_157 = tpu.memref_slice %arg11[%dma_wait3A_156] : memref<1600000xf32, #tpu.memory_space<hbm>> -> memref<2000xf32, #tpu.memory_space<hbm>>
        %dma_wait3A_158 = arith.constant 0 : i32
        %dma_wait3A_159 = tpu.memref_slice %arg11[%dma_wait3A_158] : memref<1600000xf32, #tpu.memory_space<hbm>> -> memref<2000xf32, #tpu.memory_space<hbm>>
        tpu.wait_dma2 semaphore(%arg62 : memref<!tpu.dma_semaphore, #tpu.memory_space<semaphore_mem>>) src(%dma_wait3A_159 : memref<2000xf32, #tpu.memory_space<hbm>>) dst(%arg47 : memref<2000xf32, #tpu.memory_space<vmem>>)
        %dma_wait3A_160 = arith.constant 0 : i32
        %dma_wait3A_161 = tpu.memref_slice %arg12[%dma_wait3A_160] : memref<1600000xf32, #tpu.memory_space<hbm>> -> memref<2000xf32, #tpu.memory_space<hbm>>
        %dma_wait3A_162 = arith.constant 0 : i32
        %dma_wait3A_163 = tpu.memref_slice %arg12[%dma_wait3A_162] : memref<1600000xf32, #tpu.memory_space<hbm>> -> memref<2000xf32, #tpu.memory_space<hbm>>
        tpu.wait_dma2 semaphore(%arg62 : memref<!tpu.dma_semaphore, #tpu.memory_space<semaphore_mem>>) src(%dma_wait3A_163 : memref<2000xf32, #tpu.memory_space<hbm>>) dst(%arg48 : memref<2000xf32, #tpu.memory_space<vmem>>)
        %dma_wait3A_164 = arith.constant 0 : i32
        %dma_wait3A_165 = tpu.memref_slice %arg2[%dma_wait3A_164] : memref<100000xf32, #tpu.memory_space<hbm>> -> memref<100000xf32, #tpu.memory_space<hbm>>
        tpu.wait_indirect_dma semaphore(%arg63 : memref<!tpu.dma_semaphore, #tpu.memory_space<semaphore_mem>>) src(%dma_wait3A_165 : memref<100000xf32, #tpu.memory_space<hbm>>) dst(%arg49 : memref<2000xf32, #tpu.memory_space<vmem>>)
        %dma_wait3A_166 = arith.constant 0 : i32
        %dma_wait3A_167 = tpu.memref_slice %arg3[%dma_wait3A_166] : memref<100000xf32, #tpu.memory_space<hbm>> -> memref<100000xf32, #tpu.memory_space<hbm>>
        tpu.wait_indirect_dma semaphore(%arg63 : memref<!tpu.dma_semaphore, #tpu.memory_space<semaphore_mem>>) src(%dma_wait3A_167 : memref<100000xf32, #tpu.memory_space<hbm>>) dst(%arg50 : memref<2000xf32, #tpu.memory_space<vmem>>)
        %dma_wait3A_168 = arith.constant 0 : i32
        %dma_wait3A_169 = tpu.memref_slice %arg4[%dma_wait3A_168] : memref<100000xf32, #tpu.memory_space<hbm>> -> memref<100000xf32, #tpu.memory_space<hbm>>
        tpu.wait_indirect_dma semaphore(%arg63 : memref<!tpu.dma_semaphore, #tpu.memory_space<semaphore_mem>>) src(%dma_wait3A_169 : memref<100000xf32, #tpu.memory_space<hbm>>) dst(%arg51 : memref<2000xf32, #tpu.memory_space<vmem>>)
        %dma_wait3A_170 = arith.constant 0 : i32
        %dma_wait3A_171 = tpu.memref_slice %arg2[%dma_wait3A_170] : memref<100000xf32, #tpu.memory_space<hbm>> -> memref<100000xf32, #tpu.memory_space<hbm>>
        tpu.wait_indirect_dma semaphore(%arg63 : memref<!tpu.dma_semaphore, #tpu.memory_space<semaphore_mem>>) src(%dma_wait3A_171 : memref<100000xf32, #tpu.memory_space<hbm>>) dst(%arg52 : memref<2000xf32, #tpu.memory_space<vmem>>)
        %dma_wait3A_172 = arith.constant 0 : i32
        %dma_wait3A_173 = tpu.memref_slice %arg3[%dma_wait3A_172] : memref<100000xf32, #tpu.memory_space<hbm>> -> memref<100000xf32, #tpu.memory_space<hbm>>
        tpu.wait_indirect_dma semaphore(%arg63 : memref<!tpu.dma_semaphore, #tpu.memory_space<semaphore_mem>>) src(%dma_wait3A_173 : memref<100000xf32, #tpu.memory_space<hbm>>) dst(%arg53 : memref<2000xf32, #tpu.memory_space<vmem>>)
        %dma_wait3A_174 = arith.constant 0 : i32
        %dma_wait3A_175 = tpu.memref_slice %arg4[%dma_wait3A_174] : memref<100000xf32, #tpu.memory_space<hbm>> -> memref<100000xf32, #tpu.memory_space<hbm>>
        tpu.wait_indirect_dma semaphore(%arg63 : memref<!tpu.dma_semaphore, #tpu.memory_space<semaphore_mem>>) src(%dma_wait3A_175 : memref<100000xf32, #tpu.memory_space<hbm>>) dst(%arg54 : memref<2000xf32, #tpu.memory_space<vmem>>)
        %add3A_176 = arith.constant 1 : i32
        %add3A_177 = arith.addi %while3A_102, %add3A_176 : i32
        %lt3A_178 = arith.constant 25 : i32
        %lt3A_179 = arith.cmpi slt, %add3A_177, %lt3A_178 : i32
        %convert_element_type3A_180 = arith.extui %lt3A_179 : i1 to i32
        %cond3A_181 = arith.constant 0 : i32
        %cond3A_182 = arith.cmpi ne, %convert_element_type3A_180, %cond3A_181 : i32
        scf.if %cond3A_182 {
          %ge3A = arith.constant 1 : i32
          %ge3A_197 = arith.cmpi sge, %while3A_102, %ge3A : i32
          %convert_element_type3A_198 = arith.extui %ge3A_197 : i1 to i32
          %cond3A_199 = arith.constant 0 : i32
          %cond3A_200 = arith.cmpi ne, %convert_element_type3A_198, %cond3A_199 : i32
          scf.if %cond3A_200 {
            %dma_wait3A_251 = arith.constant 0 : i32
            %dma_wait3A_252 = tpu.memref_slice %arg68[%dma_wait3A_251] : memref<100352xf32, #tpu.memory_space<vmem_shared>> -> memref<100352xf32, #tpu.memory_space<vmem_shared>>
            tpu.wait_indirect_dma semaphore(%arg40 : memref<!tpu.dma_semaphore, #tpu.memory_space<semaphore_mem>>) src(%arg31 : memref<2000xf32, #tpu.memory_space<vmem>>) dst(%dma_wait3A_252 : memref<100352xf32, #tpu.memory_space<vmem_shared>>)
            %dma_wait3A_253 = arith.constant 0 : i32
            %dma_wait3A_254 = tpu.memref_slice %arg69[%dma_wait3A_253] : memref<100352xf32, #tpu.memory_space<vmem_shared>> -> memref<100352xf32, #tpu.memory_space<vmem_shared>>
            tpu.wait_indirect_dma semaphore(%arg40 : memref<!tpu.dma_semaphore, #tpu.memory_space<semaphore_mem>>) src(%arg32 : memref<2000xf32, #tpu.memory_space<vmem>>) dst(%dma_wait3A_254 : memref<100352xf32, #tpu.memory_space<vmem_shared>>)
            %dma_wait3A_255 = arith.constant 0 : i32
            %dma_wait3A_256 = tpu.memref_slice %arg70[%dma_wait3A_255] : memref<100352xf32, #tpu.memory_space<vmem_shared>> -> memref<100352xf32, #tpu.memory_space<vmem_shared>>
            tpu.wait_indirect_dma semaphore(%arg40 : memref<!tpu.dma_semaphore, #tpu.memory_space<semaphore_mem>>) src(%arg33 : memref<2000xf32, #tpu.memory_space<vmem>>) dst(%dma_wait3A_256 : memref<100352xf32, #tpu.memory_space<vmem_shared>>)
            %dma_wait3A_257 = arith.constant 0 : i32
            %dma_wait3A_258 = tpu.memref_slice %arg68[%dma_wait3A_257] : memref<100352xf32, #tpu.memory_space<vmem_shared>> -> memref<100352xf32, #tpu.memory_space<vmem_shared>>
            tpu.wait_indirect_dma semaphore(%arg40 : memref<!tpu.dma_semaphore, #tpu.memory_space<semaphore_mem>>) src(%arg34 : memref<2000xf32, #tpu.memory_space<vmem>>) dst(%dma_wait3A_258 : memref<100352xf32, #tpu.memory_space<vmem_shared>>)
            %dma_wait3A_259 = arith.constant 0 : i32
            %dma_wait3A_260 = tpu.memref_slice %arg69[%dma_wait3A_259] : memref<100352xf32, #tpu.memory_space<vmem_shared>> -> memref<100352xf32, #tpu.memory_space<vmem_shared>>
            tpu.wait_indirect_dma semaphore(%arg40 : memref<!tpu.dma_semaphore, #tpu.memory_space<semaphore_mem>>) src(%arg35 : memref<2000xf32, #tpu.memory_space<vmem>>) dst(%dma_wait3A_260 : memref<100352xf32, #tpu.memory_space<vmem_shared>>)
            %dma_wait3A_261 = arith.constant 0 : i32
            %dma_wait3A_262 = tpu.memref_slice %arg70[%dma_wait3A_261] : memref<100352xf32, #tpu.memory_space<vmem_shared>> -> memref<100352xf32, #tpu.memory_space<vmem_shared>>
            tpu.wait_indirect_dma semaphore(%arg40 : memref<!tpu.dma_semaphore, #tpu.memory_space<semaphore_mem>>) src(%arg36 : memref<2000xf32, #tpu.memory_space<vmem>>) dst(%dma_wait3A_262 : memref<100352xf32, #tpu.memory_space<vmem_shared>>)
          } else {
          }
          %add3A_201 = arith.constant 1 : i32
          %add3A_202 = arith.addi %while3A_102, %add3A_201 : i32
          %mul3A_203 = arith.constant 50000 : i32
          %mul3A_204 = arith.muli %add3A, %mul3A_203 : i32
          %mul3A_205 = arith.constant 2000 : i32
          %mul3A_206 = arith.muli %add3A_202, %mul3A_205 : i32
          %add3A_207 = arith.addi %mul3A_204, %mul3A_206 : i32
          %dma_start3A_208 = tpu.memref_slice %arg5[%add3A_207] : memref<1600000xi32, #tpu.memory_space<hbm>> -> memref<2000xi32, #tpu.memory_space<hbm>>
          %dma_start3A_209 = tpu.memref_slice %arg5[%add3A_207] : memref<1600000xi32, #tpu.memory_space<hbm>> -> memref<2000xi32, #tpu.memory_space<hbm>>
          tpu.enqueue_dma source(%dma_start3A_209 : memref<2000xi32, #tpu.memory_space<hbm>>) target(%arg17 : memref<2000xi32, #tpu.memory_space<vmem>>) target_semaphore(%arg37 : memref<!tpu.dma_semaphore, #tpu.memory_space<semaphore_mem>>)
          %dma_start3A_210 = tpu.memref_slice %arg6[%add3A_207] : memref<1600000xi32, #tpu.memory_space<hbm>> -> memref<2000xi32, #tpu.memory_space<hbm>>
          %dma_start3A_211 = tpu.memref_slice %arg6[%add3A_207] : memref<1600000xi32, #tpu.memory_space<hbm>> -> memref<2000xi32, #tpu.memory_space<hbm>>
          tpu.enqueue_dma source(%dma_start3A_211 : memref<2000xi32, #tpu.memory_space<hbm>>) target(%arg18 : memref<2000xi32, #tpu.memory_space<vmem>>) target_semaphore(%arg37 : memref<!tpu.dma_semaphore, #tpu.memory_space<semaphore_mem>>)
          %add3A_212 = arith.constant 1 : i32
          %add3A_213 = arith.addi %while3A_102, %add3A_212 : i32
          %mul3A_214 = arith.constant 50000 : i32
          %mul3A_215 = arith.muli %add3A, %mul3A_214 : i32
          %mul3A_216 = arith.constant 2000 : i32
          %mul3A_217 = arith.muli %add3A_213, %mul3A_216 : i32
          %add3A_218 = arith.addi %mul3A_215, %mul3A_217 : i32
          %dma_start3A_219 = tpu.memref_slice %arg7[%add3A_218] : memref<1600000xf32, #tpu.memory_space<hbm>> -> memref<2000xf32, #tpu.memory_space<hbm>>
          %dma_start3A_220 = tpu.memref_slice %arg7[%add3A_218] : memref<1600000xf32, #tpu.memory_space<hbm>> -> memref<2000xf32, #tpu.memory_space<hbm>>
          tpu.enqueue_dma source(%dma_start3A_220 : memref<2000xf32, #tpu.memory_space<hbm>>) target(%arg19 : memref<2000xf32, #tpu.memory_space<vmem>>) target_semaphore(%arg38 : memref<!tpu.dma_semaphore, #tpu.memory_space<semaphore_mem>>)
          %dma_start3A_221 = tpu.memref_slice %arg8[%add3A_218] : memref<1600000xf32, #tpu.memory_space<hbm>> -> memref<2000xf32, #tpu.memory_space<hbm>>
          %dma_start3A_222 = tpu.memref_slice %arg8[%add3A_218] : memref<1600000xf32, #tpu.memory_space<hbm>> -> memref<2000xf32, #tpu.memory_space<hbm>>
          tpu.enqueue_dma source(%dma_start3A_222 : memref<2000xf32, #tpu.memory_space<hbm>>) target(%arg20 : memref<2000xf32, #tpu.memory_space<vmem>>) target_semaphore(%arg38 : memref<!tpu.dma_semaphore, #tpu.memory_space<semaphore_mem>>)
          %dma_start3A_223 = tpu.memref_slice %arg9[%add3A_218] : memref<1600000xf32, #tpu.memory_space<hbm>> -> memref<2000xf32, #tpu.memory_space<hbm>>
          %dma_start3A_224 = tpu.memref_slice %arg9[%add3A_218] : memref<1600000xf32, #tpu.memory_space<hbm>> -> memref<2000xf32, #tpu.memory_space<hbm>>
          tpu.enqueue_dma source(%dma_start3A_224 : memref<2000xf32, #tpu.memory_space<hbm>>) target(%arg21 : memref<2000xf32, #tpu.memory_space<vmem>>) target_semaphore(%arg38 : memref<!tpu.dma_semaphore, #tpu.memory_space<semaphore_mem>>)
          %dma_start3A_225 = tpu.memref_slice %arg10[%add3A_218] : memref<1600000xf32, #tpu.memory_space<hbm>> -> memref<2000xf32, #tpu.memory_space<hbm>>
          %dma_start3A_226 = tpu.memref_slice %arg10[%add3A_218] : memref<1600000xf32, #tpu.memory_space<hbm>> -> memref<2000xf32, #tpu.memory_space<hbm>>
          tpu.enqueue_dma source(%dma_start3A_226 : memref<2000xf32, #tpu.memory_space<hbm>>) target(%arg22 : memref<2000xf32, #tpu.memory_space<vmem>>) target_semaphore(%arg38 : memref<!tpu.dma_semaphore, #tpu.memory_space<semaphore_mem>>)
          %dma_start3A_227 = tpu.memref_slice %arg11[%add3A_218] : memref<1600000xf32, #tpu.memory_space<hbm>> -> memref<2000xf32, #tpu.memory_space<hbm>>
          %dma_start3A_228 = tpu.memref_slice %arg11[%add3A_218] : memref<1600000xf32, #tpu.memory_space<hbm>> -> memref<2000xf32, #tpu.memory_space<hbm>>
          tpu.enqueue_dma source(%dma_start3A_228 : memref<2000xf32, #tpu.memory_space<hbm>>) target(%arg23 : memref<2000xf32, #tpu.memory_space<vmem>>) target_semaphore(%arg38 : memref<!tpu.dma_semaphore, #tpu.memory_space<semaphore_mem>>)
          %dma_start3A_229 = tpu.memref_slice %arg12[%add3A_218] : memref<1600000xf32, #tpu.memory_space<hbm>> -> memref<2000xf32, #tpu.memory_space<hbm>>
          %dma_start3A_230 = tpu.memref_slice %arg12[%add3A_218] : memref<1600000xf32, #tpu.memory_space<hbm>> -> memref<2000xf32, #tpu.memory_space<hbm>>
          tpu.enqueue_dma source(%dma_start3A_230 : memref<2000xf32, #tpu.memory_space<hbm>>) target(%arg24 : memref<2000xf32, #tpu.memory_space<vmem>>) target_semaphore(%arg38 : memref<!tpu.dma_semaphore, #tpu.memory_space<semaphore_mem>>)
          %dma_wait3A_231 = arith.constant 0 : i32
          %dma_wait3A_232 = tpu.memref_slice %arg5[%dma_wait3A_231] : memref<1600000xi32, #tpu.memory_space<hbm>> -> memref<2000xi32, #tpu.memory_space<hbm>>
          %dma_wait3A_233 = arith.constant 0 : i32
          %dma_wait3A_234 = tpu.memref_slice %arg5[%dma_wait3A_233] : memref<1600000xi32, #tpu.memory_space<hbm>> -> memref<2000xi32, #tpu.memory_space<hbm>>
          tpu.wait_dma2 semaphore(%arg37 : memref<!tpu.dma_semaphore, #tpu.memory_space<semaphore_mem>>) src(%dma_wait3A_234 : memref<2000xi32, #tpu.memory_space<hbm>>) dst(%arg17 : memref<2000xi32, #tpu.memory_space<vmem>>)
          %dma_wait3A_235 = arith.constant 0 : i32
          %dma_wait3A_236 = tpu.memref_slice %arg6[%dma_wait3A_235] : memref<1600000xi32, #tpu.memory_space<hbm>> -> memref<2000xi32, #tpu.memory_space<hbm>>
          %dma_wait3A_237 = arith.constant 0 : i32
          %dma_wait3A_238 = tpu.memref_slice %arg6[%dma_wait3A_237] : memref<1600000xi32, #tpu.memory_space<hbm>> -> memref<2000xi32, #tpu.memory_space<hbm>>
          tpu.wait_dma2 semaphore(%arg37 : memref<!tpu.dma_semaphore, #tpu.memory_space<semaphore_mem>>) src(%dma_wait3A_238 : memref<2000xi32, #tpu.memory_space<hbm>>) dst(%arg18 : memref<2000xi32, #tpu.memory_space<vmem>>)
          %dma_start3A_239 = arith.constant 0 : i32
          %dma_start3A_240 = tpu.memref_slice %arg2[%dma_start3A_239] : memref<100000xf32, #tpu.memory_space<hbm>> -> memref<100000xf32, #tpu.memory_space<hbm>>
          tpu.enqueue_indirect_dma source(%dma_start3A_240 : memref<100000xf32, #tpu.memory_space<hbm>>) target(%arg25 : memref<2000xf32, #tpu.memory_space<vmem>>) offsets(%arg17 : memref<2000xi32, #tpu.memory_space<vmem>>) semaphore(%arg39 : memref<!tpu.dma_semaphore, #tpu.memory_space<semaphore_mem>>)
          %dma_start3A_241 = arith.constant 0 : i32
          %dma_start3A_242 = tpu.memref_slice %arg3[%dma_start3A_241] : memref<100000xf32, #tpu.memory_space<hbm>> -> memref<100000xf32, #tpu.memory_space<hbm>>
          tpu.enqueue_indirect_dma source(%dma_start3A_242 : memref<100000xf32, #tpu.memory_space<hbm>>) target(%arg26 : memref<2000xf32, #tpu.memory_space<vmem>>) offsets(%arg17 : memref<2000xi32, #tpu.memory_space<vmem>>) semaphore(%arg39 : memref<!tpu.dma_semaphore, #tpu.memory_space<semaphore_mem>>)
          %dma_start3A_243 = arith.constant 0 : i32
          %dma_start3A_244 = tpu.memref_slice %arg4[%dma_start3A_243] : memref<100000xf32, #tpu.memory_space<hbm>> -> memref<100000xf32, #tpu.memory_space<hbm>>
          tpu.enqueue_indirect_dma source(%dma_start3A_244 : memref<100000xf32, #tpu.memory_space<hbm>>) target(%arg27 : memref<2000xf32, #tpu.memory_space<vmem>>) offsets(%arg17 : memref<2000xi32, #tpu.memory_space<vmem>>) semaphore(%arg39 : memref<!tpu.dma_semaphore, #tpu.memory_space<semaphore_mem>>)
          %dma_start3A_245 = arith.constant 0 : i32
          %dma_start3A_246 = tpu.memref_slice %arg2[%dma_start3A_245] : memref<100000xf32, #tpu.memory_space<hbm>> -> memref<100000xf32, #tpu.memory_space<hbm>>
          tpu.enqueue_indirect_dma source(%dma_start3A_246 : memref<100000xf32, #tpu.memory_space<hbm>>) target(%arg28 : memref<2000xf32, #tpu.memory_space<vmem>>) offsets(%arg18 : memref<2000xi32, #tpu.memory_space<vmem>>) semaphore(%arg39 : memref<!tpu.dma_semaphore, #tpu.memory_space<semaphore_mem>>)
          %dma_start3A_247 = arith.constant 0 : i32
          %dma_start3A_248 = tpu.memref_slice %arg3[%dma_start3A_247] : memref<100000xf32, #tpu.memory_space<hbm>> -> memref<100000xf32, #tpu.memory_space<hbm>>
          tpu.enqueue_indirect_dma source(%dma_start3A_248 : memref<100000xf32, #tpu.memory_space<hbm>>) target(%arg29 : memref<2000xf32, #tpu.memory_space<vmem>>) offsets(%arg18 : memref<2000xi32, #tpu.memory_space<vmem>>) semaphore(%arg39 : memref<!tpu.dma_semaphore, #tpu.memory_space<semaphore_mem>>)
          %dma_start3A_249 = arith.constant 0 : i32
          %dma_start3A_250 = tpu.memref_slice %arg4[%dma_start3A_249] : memref<100000xf32, #tpu.memory_space<hbm>> -> memref<100000xf32, #tpu.memory_space<hbm>>
          tpu.enqueue_indirect_dma source(%dma_start3A_250 : memref<100000xf32, #tpu.memory_space<hbm>>) target(%arg30 : memref<2000xf32, #tpu.memory_space<vmem>>) offsets(%arg18 : memref<2000xi32, #tpu.memory_space<vmem>>) semaphore(%arg39 : memref<!tpu.dma_semaphore, #tpu.memory_space<semaphore_mem>>)
        } else {
        }
        %parallel_loop3A = arith.constant 0 : i32
        %parallel_loop3A_183 = arith.constant 125 : i32
        %parallel_loop3A_184 = arith.constant 1 : i32
        scf.for %parallel_loop3A_197 = %parallel_loop3A to %parallel_loop3A_183 step %parallel_loop3A_184  : i32 {
          %parallel_loop3A_198 = arith.constant 16 : i32
          %parallel_loop3A_199 = arith.muli %parallel_loop3A_197, %parallel_loop3A_198 : i32
          %parallel_loop3A_200 = arith.index_cast %parallel_loop3A_199 : i32 to index
          %parallel_loop3A_201 = tpu.vector_load %arg49[%parallel_loop3A_200] {strides = array<i32>} : memref<2000xf32, #tpu.memory_space<vmem>>, vector<16xf32>,
          %parallel_loop3A_202 = vector.shape_cast %parallel_loop3A_201 : vector<16xf32> to vector<16xf32>
          %parallel_loop3A_203 = arith.mulf %parallel_loop3A_202, %get3A_4 : vector<16xf32>
          %parallel_loop3A_204 = arith.index_cast %parallel_loop3A_199 : i32 to index
          %parallel_loop3A_205 = tpu.vector_load %arg50[%parallel_loop3A_204] {strides = array<i32>} : memref<2000xf32, #tpu.memory_space<vmem>>, vector<16xf32>,
          %parallel_loop3A_206 = vector.shape_cast %parallel_loop3A_205 : vector<16xf32> to vector<16xf32>
          %parallel_loop3A_207 = arith.mulf %parallel_loop3A_206, %get3A_4 : vector<16xf32>
          %parallel_loop3A_208 = arith.index_cast %parallel_loop3A_199 : i32 to index
          %parallel_loop3A_209 = tpu.vector_load %arg51[%parallel_loop3A_208] {strides = array<i32>} : memref<2000xf32, #tpu.memory_space<vmem>>, vector<16xf32>,
          %parallel_loop3A_210 = vector.shape_cast %parallel_loop3A_209 : vector<16xf32> to vector<16xf32>
          %parallel_loop3A_211 = arith.mulf %parallel_loop3A_210, %get3A_7 : vector<16xf32>
          %parallel_loop3A_212 = arith.index_cast %parallel_loop3A_199 : i32 to index
          %parallel_loop3A_213 = tpu.vector_load %arg52[%parallel_loop3A_212] {strides = array<i32>} : memref<2000xf32, #tpu.memory_space<vmem>>, vector<16xf32>,
          %parallel_loop3A_214 = vector.shape_cast %parallel_loop3A_213 : vector<16xf32> to vector<16xf32>
          %parallel_loop3A_215 = arith.mulf %parallel_loop3A_214, %get3A_4 : vector<16xf32>
          %parallel_loop3A_216 = arith.index_cast %parallel_loop3A_199 : i32 to index
          %parallel_loop3A_217 = tpu.vector_load %arg53[%parallel_loop3A_216] {strides = array<i32>} : memref<2000xf32, #tpu.memory_space<vmem>>, vector<16xf32>,
          %parallel_loop3A_218 = vector.shape_cast %parallel_loop3A_217 : vector<16xf32> to vector<16xf32>
          %parallel_loop3A_219 = arith.mulf %parallel_loop3A_218, %get3A_4 : vector<16xf32>
          %parallel_loop3A_220 = arith.index_cast %parallel_loop3A_199 : i32 to index
          %parallel_loop3A_221 = tpu.vector_load %arg54[%parallel_loop3A_220] {strides = array<i32>} : memref<2000xf32, #tpu.memory_space<vmem>>, vector<16xf32>,
          %parallel_loop3A_222 = vector.shape_cast %parallel_loop3A_221 : vector<16xf32> to vector<16xf32>
          %parallel_loop3A_223 = arith.mulf %parallel_loop3A_222, %get3A_7 : vector<16xf32>
          %parallel_loop3A_224 = arith.index_cast %parallel_loop3A_199 : i32 to index
          %parallel_loop3A_225 = tpu.vector_load %arg47[%parallel_loop3A_224] {strides = array<i32>} : memref<2000xf32, #tpu.memory_space<vmem>>, vector<16xf32>,
          %parallel_loop3A_226 = vector.shape_cast %parallel_loop3A_225 : vector<16xf32> to vector<16xf32>
          %parallel_loop3A_227 = arith.index_cast %parallel_loop3A_199 : i32 to index
          %parallel_loop3A_228 = tpu.vector_load %arg48[%parallel_loop3A_227] {strides = array<i32>} : memref<2000xf32, #tpu.memory_space<vmem>>, vector<16xf32>,
          %parallel_loop3A_229 = vector.shape_cast %parallel_loop3A_228 : vector<16xf32> to vector<16xf32>
          %parallel_loop3A_230 = arith.index_cast %parallel_loop3A_199 : i32 to index
          %parallel_loop3A_231 = tpu.vector_load %arg43[%parallel_loop3A_230] {strides = array<i32>} : memref<2000xf32, #tpu.memory_space<vmem>>, vector<16xf32>,
          %parallel_loop3A_232 = vector.shape_cast %parallel_loop3A_231 : vector<16xf32> to vector<16xf32>
          %parallel_loop3A_233 = arith.constant 1.000000e+00 : f32
          %parallel_loop3A_234 = vector.broadcast %parallel_loop3A_233 : f32 to vector<16xf32>
          %parallel_loop3A_235 = arith.divf %parallel_loop3A_234, %parallel_loop3A_232 : vector<16xf32>
          %parallel_loop3A_236 = arith.index_cast %parallel_loop3A_199 : i32 to index
          %parallel_loop3A_237 = tpu.vector_load %arg44[%parallel_loop3A_236] {strides = array<i32>} : memref<2000xf32, #tpu.memory_space<vmem>>, vector<16xf32>,
          %parallel_loop3A_238 = vector.shape_cast %parallel_loop3A_237 : vector<16xf32> to vector<16xf32>
          %parallel_loop3A_239 = arith.index_cast %parallel_loop3A_199 : i32 to index
          %parallel_loop3A_240 = tpu.vector_load %arg45[%parallel_loop3A_239] {strides = array<i32>} : memref<2000xf32, #tpu.memory_space<vmem>>, vector<16xf32>,
          %parallel_loop3A_241 = vector.shape_cast %parallel_loop3A_240 : vector<16xf32> to vector<16xf32>
          %parallel_loop3A_242 = arith.mulf %parallel_loop3A_238, %parallel_loop3A_241 : vector<16xf32>
          %parallel_loop3A_243 = arith.mulf %parallel_loop3A_242, %parallel_loop3A_235 : vector<16xf32>
          %parallel_loop3A_244 = arith.index_cast %parallel_loop3A_199 : i32 to index
          %parallel_loop3A_245 = tpu.vector_load %arg46[%parallel_loop3A_244] {strides = array<i32>} : memref<2000xf32, #tpu.memory_space<vmem>>, vector<16xf32>,
          %parallel_loop3A_246 = vector.shape_cast %parallel_loop3A_245 : vector<16xf32> to vector<16xf32>
          %parallel_loop3A_247 = arith.mulf %parallel_loop3A_238, %parallel_loop3A_246 : vector<16xf32>
          %parallel_loop3A_248 = arith.mulf %parallel_loop3A_247, %parallel_loop3A_235 : vector<16xf32>
          %parallel_loop3A_249 = arith.mulf %parallel_loop3A_248, %parallel_loop3A_235 : vector<16xf32>
          %parallel_loop3A_250 = arith.mulf %parallel_loop3A_249, %parallel_loop3A_235 : vector<16xf32>
          %parallel_loop3A_251 = arith.subf %parallel_loop3A_203, %parallel_loop3A_215 : vector<16xf32>
          %parallel_loop3A_252 = arith.subf %parallel_loop3A_207, %parallel_loop3A_219 : vector<16xf32>
          %parallel_loop3A_253 = arith.mulf %parallel_loop3A_226, %parallel_loop3A_251 : vector<16xf32>
          %parallel_loop3A_254 = arith.mulf %parallel_loop3A_229, %parallel_loop3A_252 : vector<16xf32>
          %parallel_loop3A_255 = arith.addf %parallel_loop3A_253, %parallel_loop3A_254 : vector<16xf32>
          %parallel_loop3A_256 = arith.mulf %parallel_loop3A_226, %parallel_loop3A_252 : vector<16xf32>
          %parallel_loop3A_257 = arith.mulf %parallel_loop3A_229, %parallel_loop3A_251 : vector<16xf32>
          %parallel_loop3A_258 = arith.subf %parallel_loop3A_256, %parallel_loop3A_257 : vector<16xf32>
          %parallel_loop3A_259 = arith.constant 0.000000e+00 : f32
          %parallel_loop3A_260 = vector.broadcast %parallel_loop3A_259 : f32 to vector<16xf32>
          %parallel_loop3A_261 = arith.subf %parallel_loop3A_260, %parallel_loop3A_211 : vector<16xf32>
          %parallel_loop3A_262 = arith.constant 0.000000e+00 : f32
          %parallel_loop3A_263 = vector.broadcast %parallel_loop3A_262 : f32 to vector<16xf32>
          %parallel_loop3A_264 = arith.subf %parallel_loop3A_263, %parallel_loop3A_223 : vector<16xf32>
          %parallel_loop3A_265 = arith.mulf %parallel_loop3A_243, %parallel_loop3A_255 : vector<16xf32>
          %parallel_loop3A_266 = arith.constant 1.200000e+01 : f32
          %parallel_loop3A_267 = vector.broadcast %parallel_loop3A_266 : f32 to vector<16xf32>
          %parallel_loop3A_268 = arith.mulf %parallel_loop3A_267, %parallel_loop3A_250 : vector<16xf32>
          %parallel_loop3A_269 = arith.mulf %parallel_loop3A_268, %parallel_loop3A_258 : vector<16xf32>
          %parallel_loop3A_270 = arith.constant 6.000000e+00 : f32
          %parallel_loop3A_271 = vector.broadcast %parallel_loop3A_270 : f32 to vector<16xf32>
          %parallel_loop3A_272 = arith.mulf %parallel_loop3A_271, %parallel_loop3A_249 : vector<16xf32>
          %parallel_loop3A_273 = arith.addf %parallel_loop3A_261, %parallel_loop3A_264 : vector<16xf32>
          %parallel_loop3A_274 = arith.mulf %parallel_loop3A_272, %parallel_loop3A_273 : vector<16xf32>
          %parallel_loop3A_275 = arith.addf %parallel_loop3A_269, %parallel_loop3A_274 : vector<16xf32>
          %parallel_loop3A_276 = arith.constant 6.000000e+00 : f32
          %parallel_loop3A_277 = vector.broadcast %parallel_loop3A_276 : f32 to vector<16xf32>
          %parallel_loop3A_278 = arith.mulf %parallel_loop3A_277, %parallel_loop3A_249 : vector<16xf32>
          %parallel_loop3A_279 = arith.mulf %parallel_loop3A_278, %parallel_loop3A_258 : vector<16xf32>
          %parallel_loop3A_280 = arith.constant 4.000000e+00 : f32
          %parallel_loop3A_281 = vector.broadcast %parallel_loop3A_280 : f32 to vector<16xf32>
          %parallel_loop3A_282 = arith.mulf %parallel_loop3A_281, %parallel_loop3A_261 : vector<16xf32>
          %parallel_loop3A_283 = arith.constant 2.000000e+00 : f32
          %parallel_loop3A_284 = vector.broadcast %parallel_loop3A_283 : f32 to vector<16xf32>
          %parallel_loop3A_285 = arith.mulf %parallel_loop3A_284, %parallel_loop3A_264 : vector<16xf32>
          %parallel_loop3A_286 = arith.addf %parallel_loop3A_282, %parallel_loop3A_285 : vector<16xf32>
          %parallel_loop3A_287 = arith.mulf %parallel_loop3A_248, %parallel_loop3A_286 : vector<16xf32>
          %parallel_loop3A_288 = arith.addf %parallel_loop3A_279, %parallel_loop3A_287 : vector<16xf32>
          %parallel_loop3A_289 = arith.constant 2.000000e+00 : f32
          %parallel_loop3A_290 = vector.broadcast %parallel_loop3A_289 : f32 to vector<16xf32>
          %parallel_loop3A_291 = arith.mulf %parallel_loop3A_290, %parallel_loop3A_261 : vector<16xf32>
          %parallel_loop3A_292 = arith.constant 4.000000e+00 : f32
          %parallel_loop3A_293 = vector.broadcast %parallel_loop3A_292 : f32 to vector<16xf32>
          %parallel_loop3A_294 = arith.mulf %parallel_loop3A_293, %parallel_loop3A_264 : vector<16xf32>
          %parallel_loop3A_295 = arith.addf %parallel_loop3A_291, %parallel_loop3A_294 : vector<16xf32>
          %parallel_loop3A_296 = arith.mulf %parallel_loop3A_248, %parallel_loop3A_295 : vector<16xf32>
          %parallel_loop3A_297 = arith.addf %parallel_loop3A_279, %parallel_loop3A_296 : vector<16xf32>
          %parallel_loop3A_298 = arith.mulf %parallel_loop3A_226, %parallel_loop3A_265 : vector<16xf32>
          %parallel_loop3A_299 = arith.mulf %parallel_loop3A_229, %parallel_loop3A_275 : vector<16xf32>
          %parallel_loop3A_300 = arith.subf %parallel_loop3A_298, %parallel_loop3A_299 : vector<16xf32>
          %parallel_loop3A_301 = arith.mulf %parallel_loop3A_229, %parallel_loop3A_265 : vector<16xf32>
          %parallel_loop3A_302 = arith.mulf %parallel_loop3A_226, %parallel_loop3A_275 : vector<16xf32>
          %parallel_loop3A_303 = arith.addf %parallel_loop3A_301, %parallel_loop3A_302 : vector<16xf32>
          %parallel_loop3A_304 = arith.index_cast %parallel_loop3A_199 : i32 to index
          %parallel_loop3A_305 = tpu.vector_load %arg55[%parallel_loop3A_304] {strides = array<i32>} : memref<2000xf32, #tpu.memory_space<vmem>>, vector<16xf32>,
          %parallel_loop3A_306 = vector.shape_cast %parallel_loop3A_305 : vector<16xf32> to vector<16xf32>
          %parallel_loop3A_307 = vector.shape_cast %parallel_loop3A_300 : vector<16xf32> to vector<16xf32>
          tpu.vector_store %arg55[%parallel_loop3A_304], %parallel_loop3A_307 {strides = array<i32>} : memref<2000xf32, #tpu.memory_space<vmem>>, vector<16xf32>,
          %parallel_loop3A_308 = arith.index_cast %parallel_loop3A_199 : i32 to index
          %parallel_loop3A_309 = tpu.vector_load %arg56[%parallel_loop3A_308] {strides = array<i32>} : memref<2000xf32, #tpu.memory_space<vmem>>, vector<16xf32>,
          %parallel_loop3A_310 = vector.shape_cast %parallel_loop3A_309 : vector<16xf32> to vector<16xf32>
          %parallel_loop3A_311 = vector.shape_cast %parallel_loop3A_303 : vector<16xf32> to vector<16xf32>
          tpu.vector_store %arg56[%parallel_loop3A_308], %parallel_loop3A_311 {strides = array<i32>} : memref<2000xf32, #tpu.memory_space<vmem>>, vector<16xf32>,
          %parallel_loop3A_312 = arith.constant 0.000000e+00 : f32
          %parallel_loop3A_313 = vector.broadcast %parallel_loop3A_312 : f32 to vector<16xf32>
          %parallel_loop3A_314 = arith.subf %parallel_loop3A_313, %parallel_loop3A_288 : vector<16xf32>
          %parallel_loop3A_315 = arith.index_cast %parallel_loop3A_199 : i32 to index
          %parallel_loop3A_316 = tpu.vector_load %arg57[%parallel_loop3A_315] {strides = array<i32>} : memref<2000xf32, #tpu.memory_space<vmem>>, vector<16xf32>,
          %parallel_loop3A_317 = vector.shape_cast %parallel_loop3A_316 : vector<16xf32> to vector<16xf32>
          %parallel_loop3A_318 = vector.shape_cast %parallel_loop3A_314 : vector<16xf32> to vector<16xf32>
          tpu.vector_store %arg57[%parallel_loop3A_315], %parallel_loop3A_318 {strides = array<i32>} : memref<2000xf32, #tpu.memory_space<vmem>>, vector<16xf32>,
          %parallel_loop3A_319 = arith.constant 0.000000e+00 : f32
          %parallel_loop3A_320 = vector.broadcast %parallel_loop3A_319 : f32 to vector<16xf32>
          %parallel_loop3A_321 = arith.subf %parallel_loop3A_320, %parallel_loop3A_300 : vector<16xf32>
          %parallel_loop3A_322 = arith.index_cast %parallel_loop3A_199 : i32 to index
          %parallel_loop3A_323 = tpu.vector_load %arg58[%parallel_loop3A_322] {strides = array<i32>} : memref<2000xf32, #tpu.memory_space<vmem>>, vector<16xf32>,
          %parallel_loop3A_324 = vector.shape_cast %parallel_loop3A_323 : vector<16xf32> to vector<16xf32>
          %parallel_loop3A_325 = vector.shape_cast %parallel_loop3A_321 : vector<16xf32> to vector<16xf32>
          tpu.vector_store %arg58[%parallel_loop3A_322], %parallel_loop3A_325 {strides = array<i32>} : memref<2000xf32, #tpu.memory_space<vmem>>, vector<16xf32>,
          %parallel_loop3A_326 = arith.constant 0.000000e+00 : f32
          %parallel_loop3A_327 = vector.broadcast %parallel_loop3A_326 : f32 to vector<16xf32>
          %parallel_loop3A_328 = arith.subf %parallel_loop3A_327, %parallel_loop3A_303 : vector<16xf32>
          %parallel_loop3A_329 = arith.index_cast %parallel_loop3A_199 : i32 to index
          %parallel_loop3A_330 = tpu.vector_load %arg59[%parallel_loop3A_329] {strides = array<i32>} : memref<2000xf32, #tpu.memory_space<vmem>>, vector<16xf32>,
          %parallel_loop3A_331 = vector.shape_cast %parallel_loop3A_330 : vector<16xf32> to vector<16xf32>
          %parallel_loop3A_332 = vector.shape_cast %parallel_loop3A_328 : vector<16xf32> to vector<16xf32>
          tpu.vector_store %arg59[%parallel_loop3A_329], %parallel_loop3A_332 {strides = array<i32>} : memref<2000xf32, #tpu.memory_space<vmem>>, vector<16xf32>,
          %parallel_loop3A_333 = arith.constant 0.000000e+00 : f32
          %parallel_loop3A_334 = vector.broadcast %parallel_loop3A_333 : f32 to vector<16xf32>
          %parallel_loop3A_335 = arith.subf %parallel_loop3A_334, %parallel_loop3A_297 : vector<16xf32>
          %parallel_loop3A_336 = arith.index_cast %parallel_loop3A_199 : i32 to index
          %parallel_loop3A_337 = tpu.vector_load %arg60[%parallel_loop3A_336] {strides = array<i32>} : memref<2000xf32, #tpu.memory_space<vmem>>, vector<16xf32>,
          %parallel_loop3A_338 = vector.shape_cast %parallel_loop3A_337 : vector<16xf32> to vector<16xf32>
          %parallel_loop3A_339 = vector.shape_cast %parallel_loop3A_335 : vector<16xf32> to vector<16xf32>
          tpu.vector_store %arg60[%parallel_loop3A_336], %parallel_loop3A_339 {strides = array<i32>} : memref<2000xf32, #tpu.memory_space<vmem>>, vector<16xf32>,
        } {sc.loop_unroll_factor = 2 : i64, sc.parallel_access}
        %dma_start3A_185 = arith.constant 0 : i32
        %dma_start3A_186 = tpu.memref_slice %arg68[%dma_start3A_185] : memref<100352xf32, #tpu.memory_space<vmem_shared>> -> memref<100352xf32, #tpu.memory_space<vmem_shared>>
        tpu.enqueue_indirect_dma source(%arg55 : memref<2000xf32, #tpu.memory_space<vmem>>) target(%dma_start3A_186 : memref<100352xf32, #tpu.memory_space<vmem_shared>>) offsets(%arg41 : memref<2000xi32, #tpu.memory_space<vmem>>) semaphore(%arg64 : memref<!tpu.dma_semaphore, #tpu.memory_space<semaphore_mem>>) {add = true}
        %dma_start3A_187 = arith.constant 0 : i32
        %dma_start3A_188 = tpu.memref_slice %arg69[%dma_start3A_187] : memref<100352xf32, #tpu.memory_space<vmem_shared>> -> memref<100352xf32, #tpu.memory_space<vmem_shared>>
        tpu.enqueue_indirect_dma source(%arg56 : memref<2000xf32, #tpu.memory_space<vmem>>) target(%dma_start3A_188 : memref<100352xf32, #tpu.memory_space<vmem_shared>>) offsets(%arg41 : memref<2000xi32, #tpu.memory_space<vmem>>) semaphore(%arg64 : memref<!tpu.dma_semaphore, #tpu.memory_space<semaphore_mem>>) {add = true}
        %dma_start3A_189 = arith.constant 0 : i32
        %dma_start3A_190 = tpu.memref_slice %arg70[%dma_start3A_189] : memref<100352xf32, #tpu.memory_space<vmem_shared>> -> memref<100352xf32, #tpu.memory_space<vmem_shared>>
        tpu.enqueue_indirect_dma source(%arg57 : memref<2000xf32, #tpu.memory_space<vmem>>) target(%dma_start3A_190 : memref<100352xf32, #tpu.memory_space<vmem_shared>>) offsets(%arg41 : memref<2000xi32, #tpu.memory_space<vmem>>) semaphore(%arg64 : memref<!tpu.dma_semaphore, #tpu.memory_space<semaphore_mem>>) {add = true}
        %dma_start3A_191 = arith.constant 0 : i32
        %dma_start3A_192 = tpu.memref_slice %arg68[%dma_start3A_191] : memref<100352xf32, #tpu.memory_space<vmem_shared>> -> memref<100352xf32, #tpu.memory_space<vmem_shared>>
        tpu.enqueue_indirect_dma source(%arg58 : memref<2000xf32, #tpu.memory_space<vmem>>) target(%dma_start3A_192 : memref<100352xf32, #tpu.memory_space<vmem_shared>>) offsets(%arg42 : memref<2000xi32, #tpu.memory_space<vmem>>) semaphore(%arg64 : memref<!tpu.dma_semaphore, #tpu.memory_space<semaphore_mem>>) {add = true}
        %dma_start3A_193 = arith.constant 0 : i32
        %dma_start3A_194 = tpu.memref_slice %arg69[%dma_start3A_193] : memref<100352xf32, #tpu.memory_space<vmem_shared>> -> memref<100352xf32, #tpu.memory_space<vmem_shared>>
        tpu.enqueue_indirect_dma source(%arg59 : memref<2000xf32, #tpu.memory_space<vmem>>) target(%dma_start3A_194 : memref<100352xf32, #tpu.memory_space<vmem_shared>>) offsets(%arg42 : memref<2000xi32, #tpu.memory_space<vmem>>) semaphore(%arg64 : memref<!tpu.dma_semaphore, #tpu.memory_space<semaphore_mem>>) {add = true}
        %dma_start3A_195 = arith.constant 0 : i32
        %dma_start3A_196 = tpu.memref_slice %arg70[%dma_start3A_195] : memref<100352xf32, #tpu.memory_space<vmem_shared>> -> memref<100352xf32, #tpu.memory_space<vmem_shared>>
        tpu.enqueue_indirect_dma source(%arg60 : memref<2000xf32, #tpu.memory_space<vmem>>) target(%dma_start3A_196 : memref<100352xf32, #tpu.memory_space<vmem_shared>>) offsets(%arg42 : memref<2000xi32, #tpu.memory_space<vmem>>) semaphore(%arg64 : memref<!tpu.dma_semaphore, #tpu.memory_space<semaphore_mem>>) {add = true}
      } else {
      }
      %while3A_139 = arith.constant 0 : i64
      scf.yield %while3A_139 : i64
    }
    %while3A_64 = arith.constant 1 : i32
    %while3A_65 = scf.for %while3A_102 = %while3A_61 to %while3A_57 step %while3A_64 iter_args(%while3A_103 = %while3A_63) -> (i64)  : i32 {
      %jit3A = arith.constant 2 : i64
      %convert_element_type3A = arith.trunci %jit3A : i64 to i32
      %eq3A = arith.constant 0 : i32
      %eq3A_104 = arith.cmpi eq, %convert_element_type3A, %eq3A : i32
      %jit3A_105 = arith.constant 1 : i32
      %select_n3A = arith.select %eq3A_104, %jit3A_105, %convert_element_type3A : i32
      %rem3A = arith.remsi %while3A_102, %select_n3A : i32
      %ne3A = arith.constant 0 : i32
      %ne3A_106 = arith.cmpi ne, %rem3A, %ne3A : i32
      %lt3A = arith.constant 0 : i32
      %lt3A_107 = arith.cmpi slt, %rem3A, %lt3A : i32
      %lt3A_108 = arith.constant 0 : i32
      %lt3A_109 = arith.cmpi slt, %select_n3A, %lt3A_108 : i32
      %ne3A_110 = arith.xori %lt3A_107, %lt3A_109 : i1
      %and3A = arith.andi %ne3A_110, %ne3A_106 : i1
      %add3A_111 = arith.addi %rem3A, %select_n3A : i32
      %select_n3A_112 = arith.select %and3A, %add3A_111, %rem3A : i32
      %eq3A_113 = arith.constant 0 : i32
      %eq3A_114 = arith.cmpi eq, %select_n3A_112, %eq3A_113 : i32
      %convert_element_type3A_115 = arith.extui %eq3A_114 : i1 to i32
      %cond3A = arith.constant 0 : i32
      %cond3A_116 = arith.cmpi ne, %convert_element_type3A_115, %cond3A : i32
      scf.if %cond3A_116 {
        %dma_wait3A_140 = arith.constant 0 : i32
        %dma_wait3A_141 = tpu.memref_slice %arg7[%dma_wait3A_140] : memref<1600000xf32, #tpu.memory_space<hbm>> -> memref<2000xf32, #tpu.memory_space<hbm>>
        %dma_wait3A_142 = arith.constant 0 : i32
        %dma_wait3A_143 = tpu.memref_slice %arg7[%dma_wait3A_142] : memref<1600000xf32, #tpu.memory_space<hbm>> -> memref<2000xf32, #tpu.memory_space<hbm>>
        tpu.wait_dma2 semaphore(%arg38 : memref<!tpu.dma_semaphore, #tpu.memory_space<semaphore_mem>>) src(%dma_wait3A_143 : memref<2000xf32, #tpu.memory_space<hbm>>) dst(%arg19 : memref<2000xf32, #tpu.memory_space<vmem>>)
        %dma_wait3A_144 = arith.constant 0 : i32
        %dma_wait3A_145 = tpu.memref_slice %arg8[%dma_wait3A_144] : memref<1600000xf32, #tpu.memory_space<hbm>> -> memref<2000xf32, #tpu.memory_space<hbm>>
        %dma_wait3A_146 = arith.constant 0 : i32
        %dma_wait3A_147 = tpu.memref_slice %arg8[%dma_wait3A_146] : memref<1600000xf32, #tpu.memory_space<hbm>> -> memref<2000xf32, #tpu.memory_space<hbm>>
        tpu.wait_dma2 semaphore(%arg38 : memref<!tpu.dma_semaphore, #tpu.memory_space<semaphore_mem>>) src(%dma_wait3A_147 : memref<2000xf32, #tpu.memory_space<hbm>>) dst(%arg20 : memref<2000xf32, #tpu.memory_space<vmem>>)
        %dma_wait3A_148 = arith.constant 0 : i32
        %dma_wait3A_149 = tpu.memref_slice %arg9[%dma_wait3A_148] : memref<1600000xf32, #tpu.memory_space<hbm>> -> memref<2000xf32, #tpu.memory_space<hbm>>
        %dma_wait3A_150 = arith.constant 0 : i32
        %dma_wait3A_151 = tpu.memref_slice %arg9[%dma_wait3A_150] : memref<1600000xf32, #tpu.memory_space<hbm>> -> memref<2000xf32, #tpu.memory_space<hbm>>
        tpu.wait_dma2 semaphore(%arg38 : memref<!tpu.dma_semaphore, #tpu.memory_space<semaphore_mem>>) src(%dma_wait3A_151 : memref<2000xf32, #tpu.memory_space<hbm>>) dst(%arg21 : memref<2000xf32, #tpu.memory_space<vmem>>)
        %dma_wait3A_152 = arith.constant 0 : i32
        %dma_wait3A_153 = tpu.memref_slice %arg10[%dma_wait3A_152] : memref<1600000xf32, #tpu.memory_space<hbm>> -> memref<2000xf32, #tpu.memory_space<hbm>>
        %dma_wait3A_154 = arith.constant 0 : i32
        %dma_wait3A_155 = tpu.memref_slice %arg10[%dma_wait3A_154] : memref<1600000xf32, #tpu.memory_space<hbm>> -> memref<2000xf32, #tpu.memory_space<hbm>>
        tpu.wait_dma2 semaphore(%arg38 : memref<!tpu.dma_semaphore, #tpu.memory_space<semaphore_mem>>) src(%dma_wait3A_155 : memref<2000xf32, #tpu.memory_space<hbm>>) dst(%arg22 : memref<2000xf32, #tpu.memory_space<vmem>>)
        %dma_wait3A_156 = arith.constant 0 : i32
        %dma_wait3A_157 = tpu.memref_slice %arg11[%dma_wait3A_156] : memref<1600000xf32, #tpu.memory_space<hbm>> -> memref<2000xf32, #tpu.memory_space<hbm>>
        %dma_wait3A_158 = arith.constant 0 : i32
        %dma_wait3A_159 = tpu.memref_slice %arg11[%dma_wait3A_158] : memref<1600000xf32, #tpu.memory_space<hbm>> -> memref<2000xf32, #tpu.memory_space<hbm>>
        tpu.wait_dma2 semaphore(%arg38 : memref<!tpu.dma_semaphore, #tpu.memory_space<semaphore_mem>>) src(%dma_wait3A_159 : memref<2000xf32, #tpu.memory_space<hbm>>) dst(%arg23 : memref<2000xf32, #tpu.memory_space<vmem>>)
        %dma_wait3A_160 = arith.constant 0 : i32
        %dma_wait3A_161 = tpu.memref_slice %arg12[%dma_wait3A_160] : memref<1600000xf32, #tpu.memory_space<hbm>> -> memref<2000xf32, #tpu.memory_space<hbm>>
        %dma_wait3A_162 = arith.constant 0 : i32
        %dma_wait3A_163 = tpu.memref_slice %arg12[%dma_wait3A_162] : memref<1600000xf32, #tpu.memory_space<hbm>> -> memref<2000xf32, #tpu.memory_space<hbm>>
        tpu.wait_dma2 semaphore(%arg38 : memref<!tpu.dma_semaphore, #tpu.memory_space<semaphore_mem>>) src(%dma_wait3A_163 : memref<2000xf32, #tpu.memory_space<hbm>>) dst(%arg24 : memref<2000xf32, #tpu.memory_space<vmem>>)
        %dma_wait3A_164 = arith.constant 0 : i32
        %dma_wait3A_165 = tpu.memref_slice %arg2[%dma_wait3A_164] : memref<100000xf32, #tpu.memory_space<hbm>> -> memref<100000xf32, #tpu.memory_space<hbm>>
        tpu.wait_indirect_dma semaphore(%arg39 : memref<!tpu.dma_semaphore, #tpu.memory_space<semaphore_mem>>) src(%dma_wait3A_165 : memref<100000xf32, #tpu.memory_space<hbm>>) dst(%arg25 : memref<2000xf32, #tpu.memory_space<vmem>>)
        %dma_wait3A_166 = arith.constant 0 : i32
        %dma_wait3A_167 = tpu.memref_slice %arg3[%dma_wait3A_166] : memref<100000xf32, #tpu.memory_space<hbm>> -> memref<100000xf32, #tpu.memory_space<hbm>>
        tpu.wait_indirect_dma semaphore(%arg39 : memref<!tpu.dma_semaphore, #tpu.memory_space<semaphore_mem>>) src(%dma_wait3A_167 : memref<100000xf32, #tpu.memory_space<hbm>>) dst(%arg26 : memref<2000xf32, #tpu.memory_space<vmem>>)
        %dma_wait3A_168 = arith.constant 0 : i32
        %dma_wait3A_169 = tpu.memref_slice %arg4[%dma_wait3A_168] : memref<100000xf32, #tpu.memory_space<hbm>> -> memref<100000xf32, #tpu.memory_space<hbm>>
        tpu.wait_indirect_dma semaphore(%arg39 : memref<!tpu.dma_semaphore, #tpu.memory_space<semaphore_mem>>) src(%dma_wait3A_169 : memref<100000xf32, #tpu.memory_space<hbm>>) dst(%arg27 : memref<2000xf32, #tpu.memory_space<vmem>>)
        %dma_wait3A_170 = arith.constant 0 : i32
        %dma_wait3A_171 = tpu.memref_slice %arg2[%dma_wait3A_170] : memref<100000xf32, #tpu.memory_space<hbm>> -> memref<100000xf32, #tpu.memory_space<hbm>>
        tpu.wait_indirect_dma semaphore(%arg39 : memref<!tpu.dma_semaphore, #tpu.memory_space<semaphore_mem>>) src(%dma_wait3A_171 : memref<100000xf32, #tpu.memory_space<hbm>>) dst(%arg28 : memref<2000xf32, #tpu.memory_space<vmem>>)
        %dma_wait3A_172 = arith.constant 0 : i32
        %dma_wait3A_173 = tpu.memref_slice %arg3[%dma_wait3A_172] : memref<100000xf32, #tpu.memory_space<hbm>> -> memref<100000xf32, #tpu.memory_space<hbm>>
        tpu.wait_indirect_dma semaphore(%arg39 : memref<!tpu.dma_semaphore, #tpu.memory_space<semaphore_mem>>) src(%dma_wait3A_173 : memref<100000xf32, #tpu.memory_space<hbm>>) dst(%arg29 : memref<2000xf32, #tpu.memory_space<vmem>>)
        %dma_wait3A_174 = arith.constant 0 : i32
        %dma_wait3A_175 = tpu.memref_slice %arg4[%dma_wait3A_174] : memref<100000xf32, #tpu.memory_space<hbm>> -> memref<100000xf32, #tpu.memory_space<hbm>>
        tpu.wait_indirect_dma semaphore(%arg39 : memref<!tpu.dma_semaphore, #tpu.memory_space<semaphore_mem>>) src(%dma_wait3A_175 : memref<100000xf32, #tpu.memory_space<hbm>>) dst(%arg30 : memref<2000xf32, #tpu.memory_space<vmem>>)
        %add3A_176 = arith.constant 1 : i32
        %add3A_177 = arith.addi %while3A_102, %add3A_176 : i32
        %lt3A_178 = arith.constant 25 : i32
        %lt3A_179 = arith.cmpi slt, %add3A_177, %lt3A_178 : i32
        %convert_element_type3A_180 = arith.extui %lt3A_179 : i1 to i32
        %cond3A_181 = arith.constant 0 : i32
        %cond3A_182 = arith.cmpi ne, %convert_element_type3A_180, %cond3A_181 : i32
        scf.if %cond3A_182 {
          %ge3A = arith.constant 1 : i32
          %ge3A_197 = arith.cmpi sge, %while3A_102, %ge3A : i32
          %convert_element_type3A_198 = arith.extui %ge3A_197 : i1 to i32
          %cond3A_199 = arith.constant 0 : i32
          %cond3A_200 = arith.cmpi ne, %convert_element_type3A_198, %cond3A_199 : i32
          scf.if %cond3A_200 {
            %dma_wait3A_251 = arith.constant 0 : i32
            %dma_wait3A_252 = tpu.memref_slice %arg68[%dma_wait3A_251] : memref<100352xf32, #tpu.memory_space<vmem_shared>> -> memref<100352xf32, #tpu.memory_space<vmem_shared>>
            tpu.wait_indirect_dma semaphore(%arg64 : memref<!tpu.dma_semaphore, #tpu.memory_space<semaphore_mem>>) src(%arg55 : memref<2000xf32, #tpu.memory_space<vmem>>) dst(%dma_wait3A_252 : memref<100352xf32, #tpu.memory_space<vmem_shared>>)
            %dma_wait3A_253 = arith.constant 0 : i32
            %dma_wait3A_254 = tpu.memref_slice %arg69[%dma_wait3A_253] : memref<100352xf32, #tpu.memory_space<vmem_shared>> -> memref<100352xf32, #tpu.memory_space<vmem_shared>>
            tpu.wait_indirect_dma semaphore(%arg64 : memref<!tpu.dma_semaphore, #tpu.memory_space<semaphore_mem>>) src(%arg56 : memref<2000xf32, #tpu.memory_space<vmem>>) dst(%dma_wait3A_254 : memref<100352xf32, #tpu.memory_space<vmem_shared>>)
            %dma_wait3A_255 = arith.constant 0 : i32
            %dma_wait3A_256 = tpu.memref_slice %arg70[%dma_wait3A_255] : memref<100352xf32, #tpu.memory_space<vmem_shared>> -> memref<100352xf32, #tpu.memory_space<vmem_shared>>
            tpu.wait_indirect_dma semaphore(%arg64 : memref<!tpu.dma_semaphore, #tpu.memory_space<semaphore_mem>>) src(%arg57 : memref<2000xf32, #tpu.memory_space<vmem>>) dst(%dma_wait3A_256 : memref<100352xf32, #tpu.memory_space<vmem_shared>>)
            %dma_wait3A_257 = arith.constant 0 : i32
            %dma_wait3A_258 = tpu.memref_slice %arg68[%dma_wait3A_257] : memref<100352xf32, #tpu.memory_space<vmem_shared>> -> memref<100352xf32, #tpu.memory_space<vmem_shared>>
            tpu.wait_indirect_dma semaphore(%arg64 : memref<!tpu.dma_semaphore, #tpu.memory_space<semaphore_mem>>) src(%arg58 : memref<2000xf32, #tpu.memory_space<vmem>>) dst(%dma_wait3A_258 : memref<100352xf32, #tpu.memory_space<vmem_shared>>)
            %dma_wait3A_259 = arith.constant 0 : i32
            %dma_wait3A_260 = tpu.memref_slice %arg69[%dma_wait3A_259] : memref<100352xf32, #tpu.memory_space<vmem_shared>> -> memref<100352xf32, #tpu.memory_space<vmem_shared>>
            tpu.wait_indirect_dma semaphore(%arg64 : memref<!tpu.dma_semaphore, #tpu.memory_space<semaphore_mem>>) src(%arg59 : memref<2000xf32, #tpu.memory_space<vmem>>) dst(%dma_wait3A_260 : memref<100352xf32, #tpu.memory_space<vmem_shared>>)
            %dma_wait3A_261 = arith.constant 0 : i32
            %dma_wait3A_262 = tpu.memref_slice %arg70[%dma_wait3A_261] : memref<100352xf32, #tpu.memory_space<vmem_shared>> -> memref<100352xf32, #tpu.memory_space<vmem_shared>>
            tpu.wait_indirect_dma semaphore(%arg64 : memref<!tpu.dma_semaphore, #tpu.memory_space<semaphore_mem>>) src(%arg60 : memref<2000xf32, #tpu.memory_space<vmem>>) dst(%dma_wait3A_262 : memref<100352xf32, #tpu.memory_space<vmem_shared>>)
          } else {
          }
          %add3A_201 = arith.constant 1 : i32
          %add3A_202 = arith.addi %while3A_102, %add3A_201 : i32
          %mul3A_203 = arith.constant 50000 : i32
          %mul3A_204 = arith.muli %add3A, %mul3A_203 : i32
          %mul3A_205 = arith.constant 2000 : i32
          %mul3A_206 = arith.muli %add3A_202, %mul3A_205 : i32
          %add3A_207 = arith.addi %mul3A_204, %mul3A_206 : i32
          %dma_start3A_208 = tpu.memref_slice %arg5[%add3A_207] : memref<1600000xi32, #tpu.memory_space<hbm>> -> memref<2000xi32, #tpu.memory_space<hbm>>
          %dma_start3A_209 = tpu.memref_slice %arg5[%add3A_207] : memref<1600000xi32, #tpu.memory_space<hbm>> -> memref<2000xi32, #tpu.memory_space<hbm>>
          tpu.enqueue_dma source(%dma_start3A_209 : memref<2000xi32, #tpu.memory_space<hbm>>) target(%arg41 : memref<2000xi32, #tpu.memory_space<vmem>>) target_semaphore(%arg61 : memref<!tpu.dma_semaphore, #tpu.memory_space<semaphore_mem>>)
          %dma_start3A_210 = tpu.memref_slice %arg6[%add3A_207] : memref<1600000xi32, #tpu.memory_space<hbm>> -> memref<2000xi32, #tpu.memory_space<hbm>>
          %dma_start3A_211 = tpu.memref_slice %arg6[%add3A_207] : memref<1600000xi32, #tpu.memory_space<hbm>> -> memref<2000xi32, #tpu.memory_space<hbm>>
          tpu.enqueue_dma source(%dma_start3A_211 : memref<2000xi32, #tpu.memory_space<hbm>>) target(%arg42 : memref<2000xi32, #tpu.memory_space<vmem>>) target_semaphore(%arg61 : memref<!tpu.dma_semaphore, #tpu.memory_space<semaphore_mem>>)
          %add3A_212 = arith.constant 1 : i32
          %add3A_213 = arith.addi %while3A_102, %add3A_212 : i32
          %mul3A_214 = arith.constant 50000 : i32
          %mul3A_215 = arith.muli %add3A, %mul3A_214 : i32
          %mul3A_216 = arith.constant 2000 : i32
          %mul3A_217 = arith.muli %add3A_213, %mul3A_216 : i32
          %add3A_218 = arith.addi %mul3A_215, %mul3A_217 : i32
          %dma_start3A_219 = tpu.memref_slice %arg7[%add3A_218] : memref<1600000xf32, #tpu.memory_space<hbm>> -> memref<2000xf32, #tpu.memory_space<hbm>>
          %dma_start3A_220 = tpu.memref_slice %arg7[%add3A_218] : memref<1600000xf32, #tpu.memory_space<hbm>> -> memref<2000xf32, #tpu.memory_space<hbm>>
          tpu.enqueue_dma source(%dma_start3A_220 : memref<2000xf32, #tpu.memory_space<hbm>>) target(%arg43 : memref<2000xf32, #tpu.memory_space<vmem>>) target_semaphore(%arg62 : memref<!tpu.dma_semaphore, #tpu.memory_space<semaphore_mem>>)
          %dma_start3A_221 = tpu.memref_slice %arg8[%add3A_218] : memref<1600000xf32, #tpu.memory_space<hbm>> -> memref<2000xf32, #tpu.memory_space<hbm>>
          %dma_start3A_222 = tpu.memref_slice %arg8[%add3A_218] : memref<1600000xf32, #tpu.memory_space<hbm>> -> memref<2000xf32, #tpu.memory_space<hbm>>
          tpu.enqueue_dma source(%dma_start3A_222 : memref<2000xf32, #tpu.memory_space<hbm>>) target(%arg44 : memref<2000xf32, #tpu.memory_space<vmem>>) target_semaphore(%arg62 : memref<!tpu.dma_semaphore, #tpu.memory_space<semaphore_mem>>)
          %dma_start3A_223 = tpu.memref_slice %arg9[%add3A_218] : memref<1600000xf32, #tpu.memory_space<hbm>> -> memref<2000xf32, #tpu.memory_space<hbm>>
          %dma_start3A_224 = tpu.memref_slice %arg9[%add3A_218] : memref<1600000xf32, #tpu.memory_space<hbm>> -> memref<2000xf32, #tpu.memory_space<hbm>>
          tpu.enqueue_dma source(%dma_start3A_224 : memref<2000xf32, #tpu.memory_space<hbm>>) target(%arg45 : memref<2000xf32, #tpu.memory_space<vmem>>) target_semaphore(%arg62 : memref<!tpu.dma_semaphore, #tpu.memory_space<semaphore_mem>>)
          %dma_start3A_225 = tpu.memref_slice %arg10[%add3A_218] : memref<1600000xf32, #tpu.memory_space<hbm>> -> memref<2000xf32, #tpu.memory_space<hbm>>
          %dma_start3A_226 = tpu.memref_slice %arg10[%add3A_218] : memref<1600000xf32, #tpu.memory_space<hbm>> -> memref<2000xf32, #tpu.memory_space<hbm>>
          tpu.enqueue_dma source(%dma_start3A_226 : memref<2000xf32, #tpu.memory_space<hbm>>) target(%arg46 : memref<2000xf32, #tpu.memory_space<vmem>>) target_semaphore(%arg62 : memref<!tpu.dma_semaphore, #tpu.memory_space<semaphore_mem>>)
          %dma_start3A_227 = tpu.memref_slice %arg11[%add3A_218] : memref<1600000xf32, #tpu.memory_space<hbm>> -> memref<2000xf32, #tpu.memory_space<hbm>>
          %dma_start3A_228 = tpu.memref_slice %arg11[%add3A_218] : memref<1600000xf32, #tpu.memory_space<hbm>> -> memref<2000xf32, #tpu.memory_space<hbm>>
          tpu.enqueue_dma source(%dma_start3A_228 : memref<2000xf32, #tpu.memory_space<hbm>>) target(%arg47 : memref<2000xf32, #tpu.memory_space<vmem>>) target_semaphore(%arg62 : memref<!tpu.dma_semaphore, #tpu.memory_space<semaphore_mem>>)
          %dma_start3A_229 = tpu.memref_slice %arg12[%add3A_218] : memref<1600000xf32, #tpu.memory_space<hbm>> -> memref<2000xf32, #tpu.memory_space<hbm>>
          %dma_start3A_230 = tpu.memref_slice %arg12[%add3A_218] : memref<1600000xf32, #tpu.memory_space<hbm>> -> memref<2000xf32, #tpu.memory_space<hbm>>
          tpu.enqueue_dma source(%dma_start3A_230 : memref<2000xf32, #tpu.memory_space<hbm>>) target(%arg48 : memref<2000xf32, #tpu.memory_space<vmem>>) target_semaphore(%arg62 : memref<!tpu.dma_semaphore, #tpu.memory_space<semaphore_mem>>)
          %dma_wait3A_231 = arith.constant 0 : i32
          %dma_wait3A_232 = tpu.memref_slice %arg5[%dma_wait3A_231] : memref<1600000xi32, #tpu.memory_space<hbm>> -> memref<2000xi32, #tpu.memory_space<hbm>>
          %dma_wait3A_233 = arith.constant 0 : i32
          %dma_wait3A_234 = tpu.memref_slice %arg5[%dma_wait3A_233] : memref<1600000xi32, #tpu.memory_space<hbm>> -> memref<2000xi32, #tpu.memory_space<hbm>>
          tpu.wait_dma2 semaphore(%arg61 : memref<!tpu.dma_semaphore, #tpu.memory_space<semaphore_mem>>) src(%dma_wait3A_234 : memref<2000xi32, #tpu.memory_space<hbm>>) dst(%arg41 : memref<2000xi32, #tpu.memory_space<vmem>>)
          %dma_wait3A_235 = arith.constant 0 : i32
          %dma_wait3A_236 = tpu.memref_slice %arg6[%dma_wait3A_235] : memref<1600000xi32, #tpu.memory_space<hbm>> -> memref<2000xi32, #tpu.memory_space<hbm>>
          %dma_wait3A_237 = arith.constant 0 : i32
          %dma_wait3A_238 = tpu.memref_slice %arg6[%dma_wait3A_237] : memref<1600000xi32, #tpu.memory_space<hbm>> -> memref<2000xi32, #tpu.memory_space<hbm>>
          tpu.wait_dma2 semaphore(%arg61 : memref<!tpu.dma_semaphore, #tpu.memory_space<semaphore_mem>>) src(%dma_wait3A_238 : memref<2000xi32, #tpu.memory_space<hbm>>) dst(%arg42 : memref<2000xi32, #tpu.memory_space<vmem>>)
          %dma_start3A_239 = arith.constant 0 : i32
          %dma_start3A_240 = tpu.memref_slice %arg2[%dma_start3A_239] : memref<100000xf32, #tpu.memory_space<hbm>> -> memref<100000xf32, #tpu.memory_space<hbm>>
          tpu.enqueue_indirect_dma source(%dma_start3A_240 : memref<100000xf32, #tpu.memory_space<hbm>>) target(%arg49 : memref<2000xf32, #tpu.memory_space<vmem>>) offsets(%arg41 : memref<2000xi32, #tpu.memory_space<vmem>>) semaphore(%arg63 : memref<!tpu.dma_semaphore, #tpu.memory_space<semaphore_mem>>)
          %dma_start3A_241 = arith.constant 0 : i32
          %dma_start3A_242 = tpu.memref_slice %arg3[%dma_start3A_241] : memref<100000xf32, #tpu.memory_space<hbm>> -> memref<100000xf32, #tpu.memory_space<hbm>>
          tpu.enqueue_indirect_dma source(%dma_start3A_242 : memref<100000xf32, #tpu.memory_space<hbm>>) target(%arg50 : memref<2000xf32, #tpu.memory_space<vmem>>) offsets(%arg41 : memref<2000xi32, #tpu.memory_space<vmem>>) semaphore(%arg63 : memref<!tpu.dma_semaphore, #tpu.memory_space<semaphore_mem>>)
          %dma_start3A_243 = arith.constant 0 : i32
          %dma_start3A_244 = tpu.memref_slice %arg4[%dma_start3A_243] : memref<100000xf32, #tpu.memory_space<hbm>> -> memref<100000xf32, #tpu.memory_space<hbm>>
          tpu.enqueue_indirect_dma source(%dma_start3A_244 : memref<100000xf32, #tpu.memory_space<hbm>>) target(%arg51 : memref<2000xf32, #tpu.memory_space<vmem>>) offsets(%arg41 : memref<2000xi32, #tpu.memory_space<vmem>>) semaphore(%arg63 : memref<!tpu.dma_semaphore, #tpu.memory_space<semaphore_mem>>)
          %dma_start3A_245 = arith.constant 0 : i32
          %dma_start3A_246 = tpu.memref_slice %arg2[%dma_start3A_245] : memref<100000xf32, #tpu.memory_space<hbm>> -> memref<100000xf32, #tpu.memory_space<hbm>>
          tpu.enqueue_indirect_dma source(%dma_start3A_246 : memref<100000xf32, #tpu.memory_space<hbm>>) target(%arg52 : memref<2000xf32, #tpu.memory_space<vmem>>) offsets(%arg42 : memref<2000xi32, #tpu.memory_space<vmem>>) semaphore(%arg63 : memref<!tpu.dma_semaphore, #tpu.memory_space<semaphore_mem>>)
          %dma_start3A_247 = arith.constant 0 : i32
          %dma_start3A_248 = tpu.memref_slice %arg3[%dma_start3A_247] : memref<100000xf32, #tpu.memory_space<hbm>> -> memref<100000xf32, #tpu.memory_space<hbm>>
          tpu.enqueue_indirect_dma source(%dma_start3A_248 : memref<100000xf32, #tpu.memory_space<hbm>>) target(%arg53 : memref<2000xf32, #tpu.memory_space<vmem>>) offsets(%arg42 : memref<2000xi32, #tpu.memory_space<vmem>>) semaphore(%arg63 : memref<!tpu.dma_semaphore, #tpu.memory_space<semaphore_mem>>)
          %dma_start3A_249 = arith.constant 0 : i32
          %dma_start3A_250 = tpu.memref_slice %arg4[%dma_start3A_249] : memref<100000xf32, #tpu.memory_space<hbm>> -> memref<100000xf32, #tpu.memory_space<hbm>>
          tpu.enqueue_indirect_dma source(%dma_start3A_250 : memref<100000xf32, #tpu.memory_space<hbm>>) target(%arg54 : memref<2000xf32, #tpu.memory_space<vmem>>) offsets(%arg42 : memref<2000xi32, #tpu.memory_space<vmem>>) semaphore(%arg63 : memref<!tpu.dma_semaphore, #tpu.memory_space<semaphore_mem>>)
        } else {
        }
        %parallel_loop3A = arith.constant 0 : i32
        %parallel_loop3A_183 = arith.constant 125 : i32
        %parallel_loop3A_184 = arith.constant 1 : i32
        scf.for %parallel_loop3A_197 = %parallel_loop3A to %parallel_loop3A_183 step %parallel_loop3A_184  : i32 {
          %parallel_loop3A_198 = arith.constant 16 : i32
          %parallel_loop3A_199 = arith.muli %parallel_loop3A_197, %parallel_loop3A_198 : i32
          %parallel_loop3A_200 = arith.index_cast %parallel_loop3A_199 : i32 to index
          %parallel_loop3A_201 = tpu.vector_load %arg25[%parallel_loop3A_200] {strides = array<i32>} : memref<2000xf32, #tpu.memory_space<vmem>>, vector<16xf32>,
          %parallel_loop3A_202 = vector.shape_cast %parallel_loop3A_201 : vector<16xf32> to vector<16xf32>
          %parallel_loop3A_203 = arith.mulf %parallel_loop3A_202, %get3A_4 : vector<16xf32>
          %parallel_loop3A_204 = arith.index_cast %parallel_loop3A_199 : i32 to index
          %parallel_loop3A_205 = tpu.vector_load %arg26[%parallel_loop3A_204] {strides = array<i32>} : memref<2000xf32, #tpu.memory_space<vmem>>, vector<16xf32>,
          %parallel_loop3A_206 = vector.shape_cast %parallel_loop3A_205 : vector<16xf32> to vector<16xf32>
          %parallel_loop3A_207 = arith.mulf %parallel_loop3A_206, %get3A_4 : vector<16xf32>
          %parallel_loop3A_208 = arith.index_cast %parallel_loop3A_199 : i32 to index
          %parallel_loop3A_209 = tpu.vector_load %arg27[%parallel_loop3A_208] {strides = array<i32>} : memref<2000xf32, #tpu.memory_space<vmem>>, vector<16xf32>,
          %parallel_loop3A_210 = vector.shape_cast %parallel_loop3A_209 : vector<16xf32> to vector<16xf32>
          %parallel_loop3A_211 = arith.mulf %parallel_loop3A_210, %get3A_7 : vector<16xf32>
          %parallel_loop3A_212 = arith.index_cast %parallel_loop3A_199 : i32 to index
          %parallel_loop3A_213 = tpu.vector_load %arg28[%parallel_loop3A_212] {strides = array<i32>} : memref<2000xf32, #tpu.memory_space<vmem>>, vector<16xf32>,
          %parallel_loop3A_214 = vector.shape_cast %parallel_loop3A_213 : vector<16xf32> to vector<16xf32>
          %parallel_loop3A_215 = arith.mulf %parallel_loop3A_214, %get3A_4 : vector<16xf32>
          %parallel_loop3A_216 = arith.index_cast %parallel_loop3A_199 : i32 to index
          %parallel_loop3A_217 = tpu.vector_load %arg29[%parallel_loop3A_216] {strides = array<i32>} : memref<2000xf32, #tpu.memory_space<vmem>>, vector<16xf32>,
          %parallel_loop3A_218 = vector.shape_cast %parallel_loop3A_217 : vector<16xf32> to vector<16xf32>
          %parallel_loop3A_219 = arith.mulf %parallel_loop3A_218, %get3A_4 : vector<16xf32>
          %parallel_loop3A_220 = arith.index_cast %parallel_loop3A_199 : i32 to index
          %parallel_loop3A_221 = tpu.vector_load %arg30[%parallel_loop3A_220] {strides = array<i32>} : memref<2000xf32, #tpu.memory_space<vmem>>, vector<16xf32>,
          %parallel_loop3A_222 = vector.shape_cast %parallel_loop3A_221 : vector<16xf32> to vector<16xf32>
          %parallel_loop3A_223 = arith.mulf %parallel_loop3A_222, %get3A_7 : vector<16xf32>
          %parallel_loop3A_224 = arith.index_cast %parallel_loop3A_199 : i32 to index
          %parallel_loop3A_225 = tpu.vector_load %arg23[%parallel_loop3A_224] {strides = array<i32>} : memref<2000xf32, #tpu.memory_space<vmem>>, vector<16xf32>,
          %parallel_loop3A_226 = vector.shape_cast %parallel_loop3A_225 : vector<16xf32> to vector<16xf32>
          %parallel_loop3A_227 = arith.index_cast %parallel_loop3A_199 : i32 to index
          %parallel_loop3A_228 = tpu.vector_load %arg24[%parallel_loop3A_227] {strides = array<i32>} : memref<2000xf32, #tpu.memory_space<vmem>>, vector<16xf32>,
          %parallel_loop3A_229 = vector.shape_cast %parallel_loop3A_228 : vector<16xf32> to vector<16xf32>
          %parallel_loop3A_230 = arith.index_cast %parallel_loop3A_199 : i32 to index
          %parallel_loop3A_231 = tpu.vector_load %arg19[%parallel_loop3A_230] {strides = array<i32>} : memref<2000xf32, #tpu.memory_space<vmem>>, vector<16xf32>,
          %parallel_loop3A_232 = vector.shape_cast %parallel_loop3A_231 : vector<16xf32> to vector<16xf32>
          %parallel_loop3A_233 = arith.constant 1.000000e+00 : f32
          %parallel_loop3A_234 = vector.broadcast %parallel_loop3A_233 : f32 to vector<16xf32>
          %parallel_loop3A_235 = arith.divf %parallel_loop3A_234, %parallel_loop3A_232 : vector<16xf32>
          %parallel_loop3A_236 = arith.index_cast %parallel_loop3A_199 : i32 to index
          %parallel_loop3A_237 = tpu.vector_load %arg20[%parallel_loop3A_236] {strides = array<i32>} : memref<2000xf32, #tpu.memory_space<vmem>>, vector<16xf32>,
          %parallel_loop3A_238 = vector.shape_cast %parallel_loop3A_237 : vector<16xf32> to vector<16xf32>
          %parallel_loop3A_239 = arith.index_cast %parallel_loop3A_199 : i32 to index
          %parallel_loop3A_240 = tpu.vector_load %arg21[%parallel_loop3A_239] {strides = array<i32>} : memref<2000xf32, #tpu.memory_space<vmem>>, vector<16xf32>,
          %parallel_loop3A_241 = vector.shape_cast %parallel_loop3A_240 : vector<16xf32> to vector<16xf32>
          %parallel_loop3A_242 = arith.mulf %parallel_loop3A_238, %parallel_loop3A_241 : vector<16xf32>
          %parallel_loop3A_243 = arith.mulf %parallel_loop3A_242, %parallel_loop3A_235 : vector<16xf32>
          %parallel_loop3A_244 = arith.index_cast %parallel_loop3A_199 : i32 to index
          %parallel_loop3A_245 = tpu.vector_load %arg22[%parallel_loop3A_244] {strides = array<i32>} : memref<2000xf32, #tpu.memory_space<vmem>>, vector<16xf32>,
          %parallel_loop3A_246 = vector.shape_cast %parallel_loop3A_245 : vector<16xf32> to vector<16xf32>
          %parallel_loop3A_247 = arith.mulf %parallel_loop3A_238, %parallel_loop3A_246 : vector<16xf32>
          %parallel_loop3A_248 = arith.mulf %parallel_loop3A_247, %parallel_loop3A_235 : vector<16xf32>
          %parallel_loop3A_249 = arith.mulf %parallel_loop3A_248, %parallel_loop3A_235 : vector<16xf32>
          %parallel_loop3A_250 = arith.mulf %parallel_loop3A_249, %parallel_loop3A_235 : vector<16xf32>
          %parallel_loop3A_251 = arith.subf %parallel_loop3A_203, %parallel_loop3A_215 : vector<16xf32>
          %parallel_loop3A_252 = arith.subf %parallel_loop3A_207, %parallel_loop3A_219 : vector<16xf32>
          %parallel_loop3A_253 = arith.mulf %parallel_loop3A_226, %parallel_loop3A_251 : vector<16xf32>
          %parallel_loop3A_254 = arith.mulf %parallel_loop3A_229, %parallel_loop3A_252 : vector<16xf32>
          %parallel_loop3A_255 = arith.addf %parallel_loop3A_253, %parallel_loop3A_254 : vector<16xf32>
          %parallel_loop3A_256 = arith.mulf %parallel_loop3A_226, %parallel_loop3A_252 : vector<16xf32>
          %parallel_loop3A_257 = arith.mulf %parallel_loop3A_229, %parallel_loop3A_251 : vector<16xf32>
          %parallel_loop3A_258 = arith.subf %parallel_loop3A_256, %parallel_loop3A_257 : vector<16xf32>
          %parallel_loop3A_259 = arith.constant 0.000000e+00 : f32
          %parallel_loop3A_260 = vector.broadcast %parallel_loop3A_259 : f32 to vector<16xf32>
          %parallel_loop3A_261 = arith.subf %parallel_loop3A_260, %parallel_loop3A_211 : vector<16xf32>
          %parallel_loop3A_262 = arith.constant 0.000000e+00 : f32
          %parallel_loop3A_263 = vector.broadcast %parallel_loop3A_262 : f32 to vector<16xf32>
          %parallel_loop3A_264 = arith.subf %parallel_loop3A_263, %parallel_loop3A_223 : vector<16xf32>
          %parallel_loop3A_265 = arith.mulf %parallel_loop3A_243, %parallel_loop3A_255 : vector<16xf32>
          %parallel_loop3A_266 = arith.constant 1.200000e+01 : f32
          %parallel_loop3A_267 = vector.broadcast %parallel_loop3A_266 : f32 to vector<16xf32>
          %parallel_loop3A_268 = arith.mulf %parallel_loop3A_267, %parallel_loop3A_250 : vector<16xf32>
          %parallel_loop3A_269 = arith.mulf %parallel_loop3A_268, %parallel_loop3A_258 : vector<16xf32>
          %parallel_loop3A_270 = arith.constant 6.000000e+00 : f32
          %parallel_loop3A_271 = vector.broadcast %parallel_loop3A_270 : f32 to vector<16xf32>
          %parallel_loop3A_272 = arith.mulf %parallel_loop3A_271, %parallel_loop3A_249 : vector<16xf32>
          %parallel_loop3A_273 = arith.addf %parallel_loop3A_261, %parallel_loop3A_264 : vector<16xf32>
          %parallel_loop3A_274 = arith.mulf %parallel_loop3A_272, %parallel_loop3A_273 : vector<16xf32>
          %parallel_loop3A_275 = arith.addf %parallel_loop3A_269, %parallel_loop3A_274 : vector<16xf32>
          %parallel_loop3A_276 = arith.constant 6.000000e+00 : f32
          %parallel_loop3A_277 = vector.broadcast %parallel_loop3A_276 : f32 to vector<16xf32>
          %parallel_loop3A_278 = arith.mulf %parallel_loop3A_277, %parallel_loop3A_249 : vector<16xf32>
          %parallel_loop3A_279 = arith.mulf %parallel_loop3A_278, %parallel_loop3A_258 : vector<16xf32>
          %parallel_loop3A_280 = arith.constant 4.000000e+00 : f32
          %parallel_loop3A_281 = vector.broadcast %parallel_loop3A_280 : f32 to vector<16xf32>
          %parallel_loop3A_282 = arith.mulf %parallel_loop3A_281, %parallel_loop3A_261 : vector<16xf32>
          %parallel_loop3A_283 = arith.constant 2.000000e+00 : f32
          %parallel_loop3A_284 = vector.broadcast %parallel_loop3A_283 : f32 to vector<16xf32>
          %parallel_loop3A_285 = arith.mulf %parallel_loop3A_284, %parallel_loop3A_264 : vector<16xf32>
          %parallel_loop3A_286 = arith.addf %parallel_loop3A_282, %parallel_loop3A_285 : vector<16xf32>
          %parallel_loop3A_287 = arith.mulf %parallel_loop3A_248, %parallel_loop3A_286 : vector<16xf32>
          %parallel_loop3A_288 = arith.addf %parallel_loop3A_279, %parallel_loop3A_287 : vector<16xf32>
          %parallel_loop3A_289 = arith.constant 2.000000e+00 : f32
          %parallel_loop3A_290 = vector.broadcast %parallel_loop3A_289 : f32 to vector<16xf32>
          %parallel_loop3A_291 = arith.mulf %parallel_loop3A_290, %parallel_loop3A_261 : vector<16xf32>
          %parallel_loop3A_292 = arith.constant 4.000000e+00 : f32
          %parallel_loop3A_293 = vector.broadcast %parallel_loop3A_292 : f32 to vector<16xf32>
          %parallel_loop3A_294 = arith.mulf %parallel_loop3A_293, %parallel_loop3A_264 : vector<16xf32>
          %parallel_loop3A_295 = arith.addf %parallel_loop3A_291, %parallel_loop3A_294 : vector<16xf32>
          %parallel_loop3A_296 = arith.mulf %parallel_loop3A_248, %parallel_loop3A_295 : vector<16xf32>
          %parallel_loop3A_297 = arith.addf %parallel_loop3A_279, %parallel_loop3A_296 : vector<16xf32>
          %parallel_loop3A_298 = arith.mulf %parallel_loop3A_226, %parallel_loop3A_265 : vector<16xf32>
          %parallel_loop3A_299 = arith.mulf %parallel_loop3A_229, %parallel_loop3A_275 : vector<16xf32>
          %parallel_loop3A_300 = arith.subf %parallel_loop3A_298, %parallel_loop3A_299 : vector<16xf32>
          %parallel_loop3A_301 = arith.mulf %parallel_loop3A_229, %parallel_loop3A_265 : vector<16xf32>
          %parallel_loop3A_302 = arith.mulf %parallel_loop3A_226, %parallel_loop3A_275 : vector<16xf32>
          %parallel_loop3A_303 = arith.addf %parallel_loop3A_301, %parallel_loop3A_302 : vector<16xf32>
          %parallel_loop3A_304 = arith.index_cast %parallel_loop3A_199 : i32 to index
          %parallel_loop3A_305 = tpu.vector_load %arg31[%parallel_loop3A_304] {strides = array<i32>} : memref<2000xf32, #tpu.memory_space<vmem>>, vector<16xf32>,
          %parallel_loop3A_306 = vector.shape_cast %parallel_loop3A_305 : vector<16xf32> to vector<16xf32>
          %parallel_loop3A_307 = vector.shape_cast %parallel_loop3A_300 : vector<16xf32> to vector<16xf32>
          tpu.vector_store %arg31[%parallel_loop3A_304], %parallel_loop3A_307 {strides = array<i32>} : memref<2000xf32, #tpu.memory_space<vmem>>, vector<16xf32>,
          %parallel_loop3A_308 = arith.index_cast %parallel_loop3A_199 : i32 to index
          %parallel_loop3A_309 = tpu.vector_load %arg32[%parallel_loop3A_308] {strides = array<i32>} : memref<2000xf32, #tpu.memory_space<vmem>>, vector<16xf32>,
          %parallel_loop3A_310 = vector.shape_cast %parallel_loop3A_309 : vector<16xf32> to vector<16xf32>
          %parallel_loop3A_311 = vector.shape_cast %parallel_loop3A_303 : vector<16xf32> to vector<16xf32>
          tpu.vector_store %arg32[%parallel_loop3A_308], %parallel_loop3A_311 {strides = array<i32>} : memref<2000xf32, #tpu.memory_space<vmem>>, vector<16xf32>,
          %parallel_loop3A_312 = arith.constant 0.000000e+00 : f32
          %parallel_loop3A_313 = vector.broadcast %parallel_loop3A_312 : f32 to vector<16xf32>
          %parallel_loop3A_314 = arith.subf %parallel_loop3A_313, %parallel_loop3A_288 : vector<16xf32>
          %parallel_loop3A_315 = arith.index_cast %parallel_loop3A_199 : i32 to index
          %parallel_loop3A_316 = tpu.vector_load %arg33[%parallel_loop3A_315] {strides = array<i32>} : memref<2000xf32, #tpu.memory_space<vmem>>, vector<16xf32>,
          %parallel_loop3A_317 = vector.shape_cast %parallel_loop3A_316 : vector<16xf32> to vector<16xf32>
          %parallel_loop3A_318 = vector.shape_cast %parallel_loop3A_314 : vector<16xf32> to vector<16xf32>
          tpu.vector_store %arg33[%parallel_loop3A_315], %parallel_loop3A_318 {strides = array<i32>} : memref<2000xf32, #tpu.memory_space<vmem>>, vector<16xf32>,
          %parallel_loop3A_319 = arith.constant 0.000000e+00 : f32
          %parallel_loop3A_320 = vector.broadcast %parallel_loop3A_319 : f32 to vector<16xf32>
          %parallel_loop3A_321 = arith.subf %parallel_loop3A_320, %parallel_loop3A_300 : vector<16xf32>
          %parallel_loop3A_322 = arith.index_cast %parallel_loop3A_199 : i32 to index
          %parallel_loop3A_323 = tpu.vector_load %arg34[%parallel_loop3A_322] {strides = array<i32>} : memref<2000xf32, #tpu.memory_space<vmem>>, vector<16xf32>,
          %parallel_loop3A_324 = vector.shape_cast %parallel_loop3A_323 : vector<16xf32> to vector<16xf32>
          %parallel_loop3A_325 = vector.shape_cast %parallel_loop3A_321 : vector<16xf32> to vector<16xf32>
          tpu.vector_store %arg34[%parallel_loop3A_322], %parallel_loop3A_325 {strides = array<i32>} : memref<2000xf32, #tpu.memory_space<vmem>>, vector<16xf32>,
          %parallel_loop3A_326 = arith.constant 0.000000e+00 : f32
          %parallel_loop3A_327 = vector.broadcast %parallel_loop3A_326 : f32 to vector<16xf32>
          %parallel_loop3A_328 = arith.subf %parallel_loop3A_327, %parallel_loop3A_303 : vector<16xf32>
          %parallel_loop3A_329 = arith.index_cast %parallel_loop3A_199 : i32 to index
          %parallel_loop3A_330 = tpu.vector_load %arg35[%parallel_loop3A_329] {strides = array<i32>} : memref<2000xf32, #tpu.memory_space<vmem>>, vector<16xf32>,
          %parallel_loop3A_331 = vector.shape_cast %parallel_loop3A_330 : vector<16xf32> to vector<16xf32>
          %parallel_loop3A_332 = vector.shape_cast %parallel_loop3A_328 : vector<16xf32> to vector<16xf32>
          tpu.vector_store %arg35[%parallel_loop3A_329], %parallel_loop3A_332 {strides = array<i32>} : memref<2000xf32, #tpu.memory_space<vmem>>, vector<16xf32>,
          %parallel_loop3A_333 = arith.constant 0.000000e+00 : f32
          %parallel_loop3A_334 = vector.broadcast %parallel_loop3A_333 : f32 to vector<16xf32>
          %parallel_loop3A_335 = arith.subf %parallel_loop3A_334, %parallel_loop3A_297 : vector<16xf32>
          %parallel_loop3A_336 = arith.index_cast %parallel_loop3A_199 : i32 to index
          %parallel_loop3A_337 = tpu.vector_load %arg36[%parallel_loop3A_336] {strides = array<i32>} : memref<2000xf32, #tpu.memory_space<vmem>>, vector<16xf32>,
          %parallel_loop3A_338 = vector.shape_cast %parallel_loop3A_337 : vector<16xf32> to vector<16xf32>
          %parallel_loop3A_339 = vector.shape_cast %parallel_loop3A_335 : vector<16xf32> to vector<16xf32>
          tpu.vector_store %arg36[%parallel_loop3A_336], %parallel_loop3A_339 {strides = array<i32>} : memref<2000xf32, #tpu.memory_space<vmem>>, vector<16xf32>,
        } {sc.loop_unroll_factor = 2 : i64, sc.parallel_access}
        %dma_start3A_185 = arith.constant 0 : i32
        %dma_start3A_186 = tpu.memref_slice %arg68[%dma_start3A_185] : memref<100352xf32, #tpu.memory_space<vmem_shared>> -> memref<100352xf32, #tpu.memory_space<vmem_shared>>
        tpu.enqueue_indirect_dma source(%arg31 : memref<2000xf32, #tpu.memory_space<vmem>>) target(%dma_start3A_186 : memref<100352xf32, #tpu.memory_space<vmem_shared>>) offsets(%arg17 : memref<2000xi32, #tpu.memory_space<vmem>>) semaphore(%arg40 : memref<!tpu.dma_semaphore, #tpu.memory_space<semaphore_mem>>) {add = true}
        %dma_start3A_187 = arith.constant 0 : i32
        %dma_start3A_188 = tpu.memref_slice %arg69[%dma_start3A_187] : memref<100352xf32, #tpu.memory_space<vmem_shared>> -> memref<100352xf32, #tpu.memory_space<vmem_shared>>
        tpu.enqueue_indirect_dma source(%arg32 : memref<2000xf32, #tpu.memory_space<vmem>>) target(%dma_start3A_188 : memref<100352xf32, #tpu.memory_space<vmem_shared>>) offsets(%arg17 : memref<2000xi32, #tpu.memory_space<vmem>>) semaphore(%arg40 : memref<!tpu.dma_semaphore, #tpu.memory_space<semaphore_mem>>) {add = true}
        %dma_start3A_189 = arith.constant 0 : i32
        %dma_start3A_190 = tpu.memref_slice %arg70[%dma_start3A_189] : memref<100352xf32, #tpu.memory_space<vmem_shared>> -> memref<100352xf32, #tpu.memory_space<vmem_shared>>
        tpu.enqueue_indirect_dma source(%arg33 : memref<2000xf32, #tpu.memory_space<vmem>>) target(%dma_start3A_190 : memref<100352xf32, #tpu.memory_space<vmem_shared>>) offsets(%arg17 : memref<2000xi32, #tpu.memory_space<vmem>>) semaphore(%arg40 : memref<!tpu.dma_semaphore, #tpu.memory_space<semaphore_mem>>) {add = true}
        %dma_start3A_191 = arith.constant 0 : i32
        %dma_start3A_192 = tpu.memref_slice %arg68[%dma_start3A_191] : memref<100352xf32, #tpu.memory_space<vmem_shared>> -> memref<100352xf32, #tpu.memory_space<vmem_shared>>
        tpu.enqueue_indirect_dma source(%arg34 : memref<2000xf32, #tpu.memory_space<vmem>>) target(%dma_start3A_192 : memref<100352xf32, #tpu.memory_space<vmem_shared>>) offsets(%arg18 : memref<2000xi32, #tpu.memory_space<vmem>>) semaphore(%arg40 : memref<!tpu.dma_semaphore, #tpu.memory_space<semaphore_mem>>) {add = true}
        %dma_start3A_193 = arith.constant 0 : i32
        %dma_start3A_194 = tpu.memref_slice %arg69[%dma_start3A_193] : memref<100352xf32, #tpu.memory_space<vmem_shared>> -> memref<100352xf32, #tpu.memory_space<vmem_shared>>
        tpu.enqueue_indirect_dma source(%arg35 : memref<2000xf32, #tpu.memory_space<vmem>>) target(%dma_start3A_194 : memref<100352xf32, #tpu.memory_space<vmem_shared>>) offsets(%arg18 : memref<2000xi32, #tpu.memory_space<vmem>>) semaphore(%arg40 : memref<!tpu.dma_semaphore, #tpu.memory_space<semaphore_mem>>) {add = true}
        %dma_start3A_195 = arith.constant 0 : i32
        %dma_start3A_196 = tpu.memref_slice %arg70[%dma_start3A_195] : memref<100352xf32, #tpu.memory_space<vmem_shared>> -> memref<100352xf32, #tpu.memory_space<vmem_shared>>
        tpu.enqueue_indirect_dma source(%arg36 : memref<2000xf32, #tpu.memory_space<vmem>>) target(%dma_start3A_196 : memref<100352xf32, #tpu.memory_space<vmem_shared>>) offsets(%arg18 : memref<2000xi32, #tpu.memory_space<vmem>>) semaphore(%arg40 : memref<!tpu.dma_semaphore, #tpu.memory_space<semaphore_mem>>) {add = true}
      } else {
      }
      %jit3A_117 = arith.constant 2 : i64
      %convert_element_type3A_118 = arith.trunci %jit3A_117 : i64 to i32
      %eq3A_119 = arith.constant 0 : i32
      %eq3A_120 = arith.cmpi eq, %convert_element_type3A_118, %eq3A_119 : i32
      %jit3A_121 = arith.constant 1 : i32
      %select_n3A_122 = arith.select %eq3A_120, %jit3A_121, %convert_element_type3A_118 : i32
      %rem3A_123 = arith.remsi %while3A_102, %select_n3A_122 : i32
      %ne3A_124 = arith.constant 0 : i32
      %ne3A_125 = arith.cmpi ne, %rem3A_123, %ne3A_124 : i32
      %lt3A_126 = arith.constant 0 : i32
      %lt3A_127 = arith.cmpi slt, %rem3A_123, %lt3A_126 : i32
      %lt3A_128 = arith.constant 0 : i32
      %lt3A_129 = arith.cmpi slt, %select_n3A_122, %lt3A_128 : i32
      %ne3A_130 = arith.xori %lt3A_127, %lt3A_129 : i1
      %and3A_131 = arith.andi %ne3A_130, %ne3A_125 : i1
      %add3A_132 = arith.addi %rem3A_123, %select_n3A_122 : i32
      %select_n3A_133 = arith.select %and3A_131, %add3A_132, %rem3A_123 : i32
      %eq3A_134 = arith.constant 1 : i32
      %eq3A_135 = arith.cmpi eq, %select_n3A_133, %eq3A_134 : i32
      %convert_element_type3A_136 = arith.extui %eq3A_135 : i1 to i32
      %cond3A_137 = arith.constant 0 : i32
      %cond3A_138 = arith.cmpi ne, %convert_element_type3A_136, %cond3A_137 : i32
      scf.if %cond3A_138 {
        %dma_wait3A_140 = arith.constant 0 : i32
        %dma_wait3A_141 = tpu.memref_slice %arg7[%dma_wait3A_140] : memref<1600000xf32, #tpu.memory_space<hbm>> -> memref<2000xf32, #tpu.memory_space<hbm>>
        %dma_wait3A_142 = arith.constant 0 : i32
        %dma_wait3A_143 = tpu.memref_slice %arg7[%dma_wait3A_142] : memref<1600000xf32, #tpu.memory_space<hbm>> -> memref<2000xf32, #tpu.memory_space<hbm>>
        tpu.wait_dma2 semaphore(%arg62 : memref<!tpu.dma_semaphore, #tpu.memory_space<semaphore_mem>>) src(%dma_wait3A_143 : memref<2000xf32, #tpu.memory_space<hbm>>) dst(%arg43 : memref<2000xf32, #tpu.memory_space<vmem>>)
        %dma_wait3A_144 = arith.constant 0 : i32
        %dma_wait3A_145 = tpu.memref_slice %arg8[%dma_wait3A_144] : memref<1600000xf32, #tpu.memory_space<hbm>> -> memref<2000xf32, #tpu.memory_space<hbm>>
        %dma_wait3A_146 = arith.constant 0 : i32
        %dma_wait3A_147 = tpu.memref_slice %arg8[%dma_wait3A_146] : memref<1600000xf32, #tpu.memory_space<hbm>> -> memref<2000xf32, #tpu.memory_space<hbm>>
        tpu.wait_dma2 semaphore(%arg62 : memref<!tpu.dma_semaphore, #tpu.memory_space<semaphore_mem>>) src(%dma_wait3A_147 : memref<2000xf32, #tpu.memory_space<hbm>>) dst(%arg44 : memref<2000xf32, #tpu.memory_space<vmem>>)
        %dma_wait3A_148 = arith.constant 0 : i32
        %dma_wait3A_149 = tpu.memref_slice %arg9[%dma_wait3A_148] : memref<1600000xf32, #tpu.memory_space<hbm>> -> memref<2000xf32, #tpu.memory_space<hbm>>
        %dma_wait3A_150 = arith.constant 0 : i32
        %dma_wait3A_151 = tpu.memref_slice %arg9[%dma_wait3A_150] : memref<1600000xf32, #tpu.memory_space<hbm>> -> memref<2000xf32, #tpu.memory_space<hbm>>
        tpu.wait_dma2 semaphore(%arg62 : memref<!tpu.dma_semaphore, #tpu.memory_space<semaphore_mem>>) src(%dma_wait3A_151 : memref<2000xf32, #tpu.memory_space<hbm>>) dst(%arg45 : memref<2000xf32, #tpu.memory_space<vmem>>)
        %dma_wait3A_152 = arith.constant 0 : i32
        %dma_wait3A_153 = tpu.memref_slice %arg10[%dma_wait3A_152] : memref<1600000xf32, #tpu.memory_space<hbm>> -> memref<2000xf32, #tpu.memory_space<hbm>>
        %dma_wait3A_154 = arith.constant 0 : i32
        %dma_wait3A_155 = tpu.memref_slice %arg10[%dma_wait3A_154] : memref<1600000xf32, #tpu.memory_space<hbm>> -> memref<2000xf32, #tpu.memory_space<hbm>>
        tpu.wait_dma2 semaphore(%arg62 : memref<!tpu.dma_semaphore, #tpu.memory_space<semaphore_mem>>) src(%dma_wait3A_155 : memref<2000xf32, #tpu.memory_space<hbm>>) dst(%arg46 : memref<2000xf32, #tpu.memory_space<vmem>>)
        %dma_wait3A_156 = arith.constant 0 : i32
        %dma_wait3A_157 = tpu.memref_slice %arg11[%dma_wait3A_156] : memref<1600000xf32, #tpu.memory_space<hbm>> -> memref<2000xf32, #tpu.memory_space<hbm>>
        %dma_wait3A_158 = arith.constant 0 : i32
        %dma_wait3A_159 = tpu.memref_slice %arg11[%dma_wait3A_158] : memref<1600000xf32, #tpu.memory_space<hbm>> -> memref<2000xf32, #tpu.memory_space<hbm>>
        tpu.wait_dma2 semaphore(%arg62 : memref<!tpu.dma_semaphore, #tpu.memory_space<semaphore_mem>>) src(%dma_wait3A_159 : memref<2000xf32, #tpu.memory_space<hbm>>) dst(%arg47 : memref<2000xf32, #tpu.memory_space<vmem>>)
        %dma_wait3A_160 = arith.constant 0 : i32
        %dma_wait3A_161 = tpu.memref_slice %arg12[%dma_wait3A_160] : memref<1600000xf32, #tpu.memory_space<hbm>> -> memref<2000xf32, #tpu.memory_space<hbm>>
        %dma_wait3A_162 = arith.constant 0 : i32
        %dma_wait3A_163 = tpu.memref_slice %arg12[%dma_wait3A_162] : memref<1600000xf32, #tpu.memory_space<hbm>> -> memref<2000xf32, #tpu.memory_space<hbm>>
        tpu.wait_dma2 semaphore(%arg62 : memref<!tpu.dma_semaphore, #tpu.memory_space<semaphore_mem>>) src(%dma_wait3A_163 : memref<2000xf32, #tpu.memory_space<hbm>>) dst(%arg48 : memref<2000xf32, #tpu.memory_space<vmem>>)
        %dma_wait3A_164 = arith.constant 0 : i32
        %dma_wait3A_165 = tpu.memref_slice %arg2[%dma_wait3A_164] : memref<100000xf32, #tpu.memory_space<hbm>> -> memref<100000xf32, #tpu.memory_space<hbm>>
        tpu.wait_indirect_dma semaphore(%arg63 : memref<!tpu.dma_semaphore, #tpu.memory_space<semaphore_mem>>) src(%dma_wait3A_165 : memref<100000xf32, #tpu.memory_space<hbm>>) dst(%arg49 : memref<2000xf32, #tpu.memory_space<vmem>>)
        %dma_wait3A_166 = arith.constant 0 : i32
        %dma_wait3A_167 = tpu.memref_slice %arg3[%dma_wait3A_166] : memref<100000xf32, #tpu.memory_space<hbm>> -> memref<100000xf32, #tpu.memory_space<hbm>>
        tpu.wait_indirect_dma semaphore(%arg63 : memref<!tpu.dma_semaphore, #tpu.memory_space<semaphore_mem>>) src(%dma_wait3A_167 : memref<100000xf32, #tpu.memory_space<hbm>>) dst(%arg50 : memref<2000xf32, #tpu.memory_space<vmem>>)
        %dma_wait3A_168 = arith.constant 0 : i32
        %dma_wait3A_169 = tpu.memref_slice %arg4[%dma_wait3A_168] : memref<100000xf32, #tpu.memory_space<hbm>> -> memref<100000xf32, #tpu.memory_space<hbm>>
        tpu.wait_indirect_dma semaphore(%arg63 : memref<!tpu.dma_semaphore, #tpu.memory_space<semaphore_mem>>) src(%dma_wait3A_169 : memref<100000xf32, #tpu.memory_space<hbm>>) dst(%arg51 : memref<2000xf32, #tpu.memory_space<vmem>>)
        %dma_wait3A_170 = arith.constant 0 : i32
        %dma_wait3A_171 = tpu.memref_slice %arg2[%dma_wait3A_170] : memref<100000xf32, #tpu.memory_space<hbm>> -> memref<100000xf32, #tpu.memory_space<hbm>>
        tpu.wait_indirect_dma semaphore(%arg63 : memref<!tpu.dma_semaphore, #tpu.memory_space<semaphore_mem>>) src(%dma_wait3A_171 : memref<100000xf32, #tpu.memory_space<hbm>>) dst(%arg52 : memref<2000xf32, #tpu.memory_space<vmem>>)
        %dma_wait3A_172 = arith.constant 0 : i32
        %dma_wait3A_173 = tpu.memref_slice %arg3[%dma_wait3A_172] : memref<100000xf32, #tpu.memory_space<hbm>> -> memref<100000xf32, #tpu.memory_space<hbm>>
        tpu.wait_indirect_dma semaphore(%arg63 : memref<!tpu.dma_semaphore, #tpu.memory_space<semaphore_mem>>) src(%dma_wait3A_173 : memref<100000xf32, #tpu.memory_space<hbm>>) dst(%arg53 : memref<2000xf32, #tpu.memory_space<vmem>>)
        %dma_wait3A_174 = arith.constant 0 : i32
        %dma_wait3A_175 = tpu.memref_slice %arg4[%dma_wait3A_174] : memref<100000xf32, #tpu.memory_space<hbm>> -> memref<100000xf32, #tpu.memory_space<hbm>>
        tpu.wait_indirect_dma semaphore(%arg63 : memref<!tpu.dma_semaphore, #tpu.memory_space<semaphore_mem>>) src(%dma_wait3A_175 : memref<100000xf32, #tpu.memory_space<hbm>>) dst(%arg54 : memref<2000xf32, #tpu.memory_space<vmem>>)
        %add3A_176 = arith.constant 1 : i32
        %add3A_177 = arith.addi %while3A_102, %add3A_176 : i32
        %lt3A_178 = arith.constant 25 : i32
        %lt3A_179 = arith.cmpi slt, %add3A_177, %lt3A_178 : i32
        %convert_element_type3A_180 = arith.extui %lt3A_179 : i1 to i32
        %cond3A_181 = arith.constant 0 : i32
        %cond3A_182 = arith.cmpi ne, %convert_element_type3A_180, %cond3A_181 : i32
        scf.if %cond3A_182 {
          %ge3A = arith.constant 1 : i32
          %ge3A_197 = arith.cmpi sge, %while3A_102, %ge3A : i32
          %convert_element_type3A_198 = arith.extui %ge3A_197 : i1 to i32
          %cond3A_199 = arith.constant 0 : i32
          %cond3A_200 = arith.cmpi ne, %convert_element_type3A_198, %cond3A_199 : i32
          scf.if %cond3A_200 {
            %dma_wait3A_251 = arith.constant 0 : i32
            %dma_wait3A_252 = tpu.memref_slice %arg68[%dma_wait3A_251] : memref<100352xf32, #tpu.memory_space<vmem_shared>> -> memref<100352xf32, #tpu.memory_space<vmem_shared>>
            tpu.wait_indirect_dma semaphore(%arg40 : memref<!tpu.dma_semaphore, #tpu.memory_space<semaphore_mem>>) src(%arg31 : memref<2000xf32, #tpu.memory_space<vmem>>) dst(%dma_wait3A_252 : memref<100352xf32, #tpu.memory_space<vmem_shared>>)
            %dma_wait3A_253 = arith.constant 0 : i32
            %dma_wait3A_254 = tpu.memref_slice %arg69[%dma_wait3A_253] : memref<100352xf32, #tpu.memory_space<vmem_shared>> -> memref<100352xf32, #tpu.memory_space<vmem_shared>>
            tpu.wait_indirect_dma semaphore(%arg40 : memref<!tpu.dma_semaphore, #tpu.memory_space<semaphore_mem>>) src(%arg32 : memref<2000xf32, #tpu.memory_space<vmem>>) dst(%dma_wait3A_254 : memref<100352xf32, #tpu.memory_space<vmem_shared>>)
            %dma_wait3A_255 = arith.constant 0 : i32
            %dma_wait3A_256 = tpu.memref_slice %arg70[%dma_wait3A_255] : memref<100352xf32, #tpu.memory_space<vmem_shared>> -> memref<100352xf32, #tpu.memory_space<vmem_shared>>
            tpu.wait_indirect_dma semaphore(%arg40 : memref<!tpu.dma_semaphore, #tpu.memory_space<semaphore_mem>>) src(%arg33 : memref<2000xf32, #tpu.memory_space<vmem>>) dst(%dma_wait3A_256 : memref<100352xf32, #tpu.memory_space<vmem_shared>>)
            %dma_wait3A_257 = arith.constant 0 : i32
            %dma_wait3A_258 = tpu.memref_slice %arg68[%dma_wait3A_257] : memref<100352xf32, #tpu.memory_space<vmem_shared>> -> memref<100352xf32, #tpu.memory_space<vmem_shared>>
            tpu.wait_indirect_dma semaphore(%arg40 : memref<!tpu.dma_semaphore, #tpu.memory_space<semaphore_mem>>) src(%arg34 : memref<2000xf32, #tpu.memory_space<vmem>>) dst(%dma_wait3A_258 : memref<100352xf32, #tpu.memory_space<vmem_shared>>)
            %dma_wait3A_259 = arith.constant 0 : i32
            %dma_wait3A_260 = tpu.memref_slice %arg69[%dma_wait3A_259] : memref<100352xf32, #tpu.memory_space<vmem_shared>> -> memref<100352xf32, #tpu.memory_space<vmem_shared>>
            tpu.wait_indirect_dma semaphore(%arg40 : memref<!tpu.dma_semaphore, #tpu.memory_space<semaphore_mem>>) src(%arg35 : memref<2000xf32, #tpu.memory_space<vmem>>) dst(%dma_wait3A_260 : memref<100352xf32, #tpu.memory_space<vmem_shared>>)
            %dma_wait3A_261 = arith.constant 0 : i32
            %dma_wait3A_262 = tpu.memref_slice %arg70[%dma_wait3A_261] : memref<100352xf32, #tpu.memory_space<vmem_shared>> -> memref<100352xf32, #tpu.memory_space<vmem_shared>>
            tpu.wait_indirect_dma semaphore(%arg40 : memref<!tpu.dma_semaphore, #tpu.memory_space<semaphore_mem>>) src(%arg36 : memref<2000xf32, #tpu.memory_space<vmem>>) dst(%dma_wait3A_262 : memref<100352xf32, #tpu.memory_space<vmem_shared>>)
          } else {
          }
          %add3A_201 = arith.constant 1 : i32
          %add3A_202 = arith.addi %while3A_102, %add3A_201 : i32
          %mul3A_203 = arith.constant 50000 : i32
          %mul3A_204 = arith.muli %add3A, %mul3A_203 : i32
          %mul3A_205 = arith.constant 2000 : i32
          %mul3A_206 = arith.muli %add3A_202, %mul3A_205 : i32
          %add3A_207 = arith.addi %mul3A_204, %mul3A_206 : i32
          %dma_start3A_208 = tpu.memref_slice %arg5[%add3A_207] : memref<1600000xi32, #tpu.memory_space<hbm>> -> memref<2000xi32, #tpu.memory_space<hbm>>
          %dma_start3A_209 = tpu.memref_slice %arg5[%add3A_207] : memref<1600000xi32, #tpu.memory_space<hbm>> -> memref<2000xi32, #tpu.memory_space<hbm>>
          tpu.enqueue_dma source(%dma_start3A_209 : memref<2000xi32, #tpu.memory_space<hbm>>) target(%arg17 : memref<2000xi32, #tpu.memory_space<vmem>>) target_semaphore(%arg37 : memref<!tpu.dma_semaphore, #tpu.memory_space<semaphore_mem>>)
          %dma_start3A_210 = tpu.memref_slice %arg6[%add3A_207] : memref<1600000xi32, #tpu.memory_space<hbm>> -> memref<2000xi32, #tpu.memory_space<hbm>>
          %dma_start3A_211 = tpu.memref_slice %arg6[%add3A_207] : memref<1600000xi32, #tpu.memory_space<hbm>> -> memref<2000xi32, #tpu.memory_space<hbm>>
          tpu.enqueue_dma source(%dma_start3A_211 : memref<2000xi32, #tpu.memory_space<hbm>>) target(%arg18 : memref<2000xi32, #tpu.memory_space<vmem>>) target_semaphore(%arg37 : memref<!tpu.dma_semaphore, #tpu.memory_space<semaphore_mem>>)
          %add3A_212 = arith.constant 1 : i32
          %add3A_213 = arith.addi %while3A_102, %add3A_212 : i32
          %mul3A_214 = arith.constant 50000 : i32
          %mul3A_215 = arith.muli %add3A, %mul3A_214 : i32
          %mul3A_216 = arith.constant 2000 : i32
          %mul3A_217 = arith.muli %add3A_213, %mul3A_216 : i32
          %add3A_218 = arith.addi %mul3A_215, %mul3A_217 : i32
          %dma_start3A_219 = tpu.memref_slice %arg7[%add3A_218] : memref<1600000xf32, #tpu.memory_space<hbm>> -> memref<2000xf32, #tpu.memory_space<hbm>>
          %dma_start3A_220 = tpu.memref_slice %arg7[%add3A_218] : memref<1600000xf32, #tpu.memory_space<hbm>> -> memref<2000xf32, #tpu.memory_space<hbm>>
          tpu.enqueue_dma source(%dma_start3A_220 : memref<2000xf32, #tpu.memory_space<hbm>>) target(%arg19 : memref<2000xf32, #tpu.memory_space<vmem>>) target_semaphore(%arg38 : memref<!tpu.dma_semaphore, #tpu.memory_space<semaphore_mem>>)
          %dma_start3A_221 = tpu.memref_slice %arg8[%add3A_218] : memref<1600000xf32, #tpu.memory_space<hbm>> -> memref<2000xf32, #tpu.memory_space<hbm>>
          %dma_start3A_222 = tpu.memref_slice %arg8[%add3A_218] : memref<1600000xf32, #tpu.memory_space<hbm>> -> memref<2000xf32, #tpu.memory_space<hbm>>
          tpu.enqueue_dma source(%dma_start3A_222 : memref<2000xf32, #tpu.memory_space<hbm>>) target(%arg20 : memref<2000xf32, #tpu.memory_space<vmem>>) target_semaphore(%arg38 : memref<!tpu.dma_semaphore, #tpu.memory_space<semaphore_mem>>)
          %dma_start3A_223 = tpu.memref_slice %arg9[%add3A_218] : memref<1600000xf32, #tpu.memory_space<hbm>> -> memref<2000xf32, #tpu.memory_space<hbm>>
          %dma_start3A_224 = tpu.memref_slice %arg9[%add3A_218] : memref<1600000xf32, #tpu.memory_space<hbm>> -> memref<2000xf32, #tpu.memory_space<hbm>>
          tpu.enqueue_dma source(%dma_start3A_224 : memref<2000xf32, #tpu.memory_space<hbm>>) target(%arg21 : memref<2000xf32, #tpu.memory_space<vmem>>) target_semaphore(%arg38 : memref<!tpu.dma_semaphore, #tpu.memory_space<semaphore_mem>>)
          %dma_start3A_225 = tpu.memref_slice %arg10[%add3A_218] : memref<1600000xf32, #tpu.memory_space<hbm>> -> memref<2000xf32, #tpu.memory_space<hbm>>
          %dma_start3A_226 = tpu.memref_slice %arg10[%add3A_218] : memref<1600000xf32, #tpu.memory_space<hbm>> -> memref<2000xf32, #tpu.memory_space<hbm>>
          tpu.enqueue_dma source(%dma_start3A_226 : memref<2000xf32, #tpu.memory_space<hbm>>) target(%arg22 : memref<2000xf32, #tpu.memory_space<vmem>>) target_semaphore(%arg38 : memref<!tpu.dma_semaphore, #tpu.memory_space<semaphore_mem>>)
          %dma_start3A_227 = tpu.memref_slice %arg11[%add3A_218] : memref<1600000xf32, #tpu.memory_space<hbm>> -> memref<2000xf32, #tpu.memory_space<hbm>>
          %dma_start3A_228 = tpu.memref_slice %arg11[%add3A_218] : memref<1600000xf32, #tpu.memory_space<hbm>> -> memref<2000xf32, #tpu.memory_space<hbm>>
          tpu.enqueue_dma source(%dma_start3A_228 : memref<2000xf32, #tpu.memory_space<hbm>>) target(%arg23 : memref<2000xf32, #tpu.memory_space<vmem>>) target_semaphore(%arg38 : memref<!tpu.dma_semaphore, #tpu.memory_space<semaphore_mem>>)
          %dma_start3A_229 = tpu.memref_slice %arg12[%add3A_218] : memref<1600000xf32, #tpu.memory_space<hbm>> -> memref<2000xf32, #tpu.memory_space<hbm>>
          %dma_start3A_230 = tpu.memref_slice %arg12[%add3A_218] : memref<1600000xf32, #tpu.memory_space<hbm>> -> memref<2000xf32, #tpu.memory_space<hbm>>
          tpu.enqueue_dma source(%dma_start3A_230 : memref<2000xf32, #tpu.memory_space<hbm>>) target(%arg24 : memref<2000xf32, #tpu.memory_space<vmem>>) target_semaphore(%arg38 : memref<!tpu.dma_semaphore, #tpu.memory_space<semaphore_mem>>)
          %dma_wait3A_231 = arith.constant 0 : i32
          %dma_wait3A_232 = tpu.memref_slice %arg5[%dma_wait3A_231] : memref<1600000xi32, #tpu.memory_space<hbm>> -> memref<2000xi32, #tpu.memory_space<hbm>>
          %dma_wait3A_233 = arith.constant 0 : i32
          %dma_wait3A_234 = tpu.memref_slice %arg5[%dma_wait3A_233] : memref<1600000xi32, #tpu.memory_space<hbm>> -> memref<2000xi32, #tpu.memory_space<hbm>>
          tpu.wait_dma2 semaphore(%arg37 : memref<!tpu.dma_semaphore, #tpu.memory_space<semaphore_mem>>) src(%dma_wait3A_234 : memref<2000xi32, #tpu.memory_space<hbm>>) dst(%arg17 : memref<2000xi32, #tpu.memory_space<vmem>>)
          %dma_wait3A_235 = arith.constant 0 : i32
          %dma_wait3A_236 = tpu.memref_slice %arg6[%dma_wait3A_235] : memref<1600000xi32, #tpu.memory_space<hbm>> -> memref<2000xi32, #tpu.memory_space<hbm>>
          %dma_wait3A_237 = arith.constant 0 : i32
          %dma_wait3A_238 = tpu.memref_slice %arg6[%dma_wait3A_237] : memref<1600000xi32, #tpu.memory_space<hbm>> -> memref<2000xi32, #tpu.memory_space<hbm>>
          tpu.wait_dma2 semaphore(%arg37 : memref<!tpu.dma_semaphore, #tpu.memory_space<semaphore_mem>>) src(%dma_wait3A_238 : memref<2000xi32, #tpu.memory_space<hbm>>) dst(%arg18 : memref<2000xi32, #tpu.memory_space<vmem>>)
          %dma_start3A_239 = arith.constant 0 : i32
          %dma_start3A_240 = tpu.memref_slice %arg2[%dma_start3A_239] : memref<100000xf32, #tpu.memory_space<hbm>> -> memref<100000xf32, #tpu.memory_space<hbm>>
          tpu.enqueue_indirect_dma source(%dma_start3A_240 : memref<100000xf32, #tpu.memory_space<hbm>>) target(%arg25 : memref<2000xf32, #tpu.memory_space<vmem>>) offsets(%arg17 : memref<2000xi32, #tpu.memory_space<vmem>>) semaphore(%arg39 : memref<!tpu.dma_semaphore, #tpu.memory_space<semaphore_mem>>)
          %dma_start3A_241 = arith.constant 0 : i32
          %dma_start3A_242 = tpu.memref_slice %arg3[%dma_start3A_241] : memref<100000xf32, #tpu.memory_space<hbm>> -> memref<100000xf32, #tpu.memory_space<hbm>>
          tpu.enqueue_indirect_dma source(%dma_start3A_242 : memref<100000xf32, #tpu.memory_space<hbm>>) target(%arg26 : memref<2000xf32, #tpu.memory_space<vmem>>) offsets(%arg17 : memref<2000xi32, #tpu.memory_space<vmem>>) semaphore(%arg39 : memref<!tpu.dma_semaphore, #tpu.memory_space<semaphore_mem>>)
          %dma_start3A_243 = arith.constant 0 : i32
          %dma_start3A_244 = tpu.memref_slice %arg4[%dma_start3A_243] : memref<100000xf32, #tpu.memory_space<hbm>> -> memref<100000xf32, #tpu.memory_space<hbm>>
          tpu.enqueue_indirect_dma source(%dma_start3A_244 : memref<100000xf32, #tpu.memory_space<hbm>>) target(%arg27 : memref<2000xf32, #tpu.memory_space<vmem>>) offsets(%arg17 : memref<2000xi32, #tpu.memory_space<vmem>>) semaphore(%arg39 : memref<!tpu.dma_semaphore, #tpu.memory_space<semaphore_mem>>)
          %dma_start3A_245 = arith.constant 0 : i32
          %dma_start3A_246 = tpu.memref_slice %arg2[%dma_start3A_245] : memref<100000xf32, #tpu.memory_space<hbm>> -> memref<100000xf32, #tpu.memory_space<hbm>>
          tpu.enqueue_indirect_dma source(%dma_start3A_246 : memref<100000xf32, #tpu.memory_space<hbm>>) target(%arg28 : memref<2000xf32, #tpu.memory_space<vmem>>) offsets(%arg18 : memref<2000xi32, #tpu.memory_space<vmem>>) semaphore(%arg39 : memref<!tpu.dma_semaphore, #tpu.memory_space<semaphore_mem>>)
          %dma_start3A_247 = arith.constant 0 : i32
          %dma_start3A_248 = tpu.memref_slice %arg3[%dma_start3A_247] : memref<100000xf32, #tpu.memory_space<hbm>> -> memref<100000xf32, #tpu.memory_space<hbm>>
          tpu.enqueue_indirect_dma source(%dma_start3A_248 : memref<100000xf32, #tpu.memory_space<hbm>>) target(%arg29 : memref<2000xf32, #tpu.memory_space<vmem>>) offsets(%arg18 : memref<2000xi32, #tpu.memory_space<vmem>>) semaphore(%arg39 : memref<!tpu.dma_semaphore, #tpu.memory_space<semaphore_mem>>)
          %dma_start3A_249 = arith.constant 0 : i32
          %dma_start3A_250 = tpu.memref_slice %arg4[%dma_start3A_249] : memref<100000xf32, #tpu.memory_space<hbm>> -> memref<100000xf32, #tpu.memory_space<hbm>>
          tpu.enqueue_indirect_dma source(%dma_start3A_250 : memref<100000xf32, #tpu.memory_space<hbm>>) target(%arg30 : memref<2000xf32, #tpu.memory_space<vmem>>) offsets(%arg18 : memref<2000xi32, #tpu.memory_space<vmem>>) semaphore(%arg39 : memref<!tpu.dma_semaphore, #tpu.memory_space<semaphore_mem>>)
        } else {
        }
        %parallel_loop3A = arith.constant 0 : i32
        %parallel_loop3A_183 = arith.constant 125 : i32
        %parallel_loop3A_184 = arith.constant 1 : i32
        scf.for %parallel_loop3A_197 = %parallel_loop3A to %parallel_loop3A_183 step %parallel_loop3A_184  : i32 {
          %parallel_loop3A_198 = arith.constant 16 : i32
          %parallel_loop3A_199 = arith.muli %parallel_loop3A_197, %parallel_loop3A_198 : i32
          %parallel_loop3A_200 = arith.index_cast %parallel_loop3A_199 : i32 to index
          %parallel_loop3A_201 = tpu.vector_load %arg49[%parallel_loop3A_200] {strides = array<i32>} : memref<2000xf32, #tpu.memory_space<vmem>>, vector<16xf32>,
          %parallel_loop3A_202 = vector.shape_cast %parallel_loop3A_201 : vector<16xf32> to vector<16xf32>
          %parallel_loop3A_203 = arith.mulf %parallel_loop3A_202, %get3A_4 : vector<16xf32>
          %parallel_loop3A_204 = arith.index_cast %parallel_loop3A_199 : i32 to index
          %parallel_loop3A_205 = tpu.vector_load %arg50[%parallel_loop3A_204] {strides = array<i32>} : memref<2000xf32, #tpu.memory_space<vmem>>, vector<16xf32>,
          %parallel_loop3A_206 = vector.shape_cast %parallel_loop3A_205 : vector<16xf32> to vector<16xf32>
          %parallel_loop3A_207 = arith.mulf %parallel_loop3A_206, %get3A_4 : vector<16xf32>
          %parallel_loop3A_208 = arith.index_cast %parallel_loop3A_199 : i32 to index
          %parallel_loop3A_209 = tpu.vector_load %arg51[%parallel_loop3A_208] {strides = array<i32>} : memref<2000xf32, #tpu.memory_space<vmem>>, vector<16xf32>,
          %parallel_loop3A_210 = vector.shape_cast %parallel_loop3A_209 : vector<16xf32> to vector<16xf32>
          %parallel_loop3A_211 = arith.mulf %parallel_loop3A_210, %get3A_7 : vector<16xf32>
          %parallel_loop3A_212 = arith.index_cast %parallel_loop3A_199 : i32 to index
          %parallel_loop3A_213 = tpu.vector_load %arg52[%parallel_loop3A_212] {strides = array<i32>} : memref<2000xf32, #tpu.memory_space<vmem>>, vector<16xf32>,
          %parallel_loop3A_214 = vector.shape_cast %parallel_loop3A_213 : vector<16xf32> to vector<16xf32>
          %parallel_loop3A_215 = arith.mulf %parallel_loop3A_214, %get3A_4 : vector<16xf32>
          %parallel_loop3A_216 = arith.index_cast %parallel_loop3A_199 : i32 to index
          %parallel_loop3A_217 = tpu.vector_load %arg53[%parallel_loop3A_216] {strides = array<i32>} : memref<2000xf32, #tpu.memory_space<vmem>>, vector<16xf32>,
          %parallel_loop3A_218 = vector.shape_cast %parallel_loop3A_217 : vector<16xf32> to vector<16xf32>
          %parallel_loop3A_219 = arith.mulf %parallel_loop3A_218, %get3A_4 : vector<16xf32>
          %parallel_loop3A_220 = arith.index_cast %parallel_loop3A_199 : i32 to index
          %parallel_loop3A_221 = tpu.vector_load %arg54[%parallel_loop3A_220] {strides = array<i32>} : memref<2000xf32, #tpu.memory_space<vmem>>, vector<16xf32>,
          %parallel_loop3A_222 = vector.shape_cast %parallel_loop3A_221 : vector<16xf32> to vector<16xf32>
          %parallel_loop3A_223 = arith.mulf %parallel_loop3A_222, %get3A_7 : vector<16xf32>
          %parallel_loop3A_224 = arith.index_cast %parallel_loop3A_199 : i32 to index
          %parallel_loop3A_225 = tpu.vector_load %arg47[%parallel_loop3A_224] {strides = array<i32>} : memref<2000xf32, #tpu.memory_space<vmem>>, vector<16xf32>,
          %parallel_loop3A_226 = vector.shape_cast %parallel_loop3A_225 : vector<16xf32> to vector<16xf32>
          %parallel_loop3A_227 = arith.index_cast %parallel_loop3A_199 : i32 to index
          %parallel_loop3A_228 = tpu.vector_load %arg48[%parallel_loop3A_227] {strides = array<i32>} : memref<2000xf32, #tpu.memory_space<vmem>>, vector<16xf32>,
          %parallel_loop3A_229 = vector.shape_cast %parallel_loop3A_228 : vector<16xf32> to vector<16xf32>
          %parallel_loop3A_230 = arith.index_cast %parallel_loop3A_199 : i32 to index
          %parallel_loop3A_231 = tpu.vector_load %arg43[%parallel_loop3A_230] {strides = array<i32>} : memref<2000xf32, #tpu.memory_space<vmem>>, vector<16xf32>,
          %parallel_loop3A_232 = vector.shape_cast %parallel_loop3A_231 : vector<16xf32> to vector<16xf32>
          %parallel_loop3A_233 = arith.constant 1.000000e+00 : f32
          %parallel_loop3A_234 = vector.broadcast %parallel_loop3A_233 : f32 to vector<16xf32>
          %parallel_loop3A_235 = arith.divf %parallel_loop3A_234, %parallel_loop3A_232 : vector<16xf32>
          %parallel_loop3A_236 = arith.index_cast %parallel_loop3A_199 : i32 to index
          %parallel_loop3A_237 = tpu.vector_load %arg44[%parallel_loop3A_236] {strides = array<i32>} : memref<2000xf32, #tpu.memory_space<vmem>>, vector<16xf32>,
          %parallel_loop3A_238 = vector.shape_cast %parallel_loop3A_237 : vector<16xf32> to vector<16xf32>
          %parallel_loop3A_239 = arith.index_cast %parallel_loop3A_199 : i32 to index
          %parallel_loop3A_240 = tpu.vector_load %arg45[%parallel_loop3A_239] {strides = array<i32>} : memref<2000xf32, #tpu.memory_space<vmem>>, vector<16xf32>,
          %parallel_loop3A_241 = vector.shape_cast %parallel_loop3A_240 : vector<16xf32> to vector<16xf32>
          %parallel_loop3A_242 = arith.mulf %parallel_loop3A_238, %parallel_loop3A_241 : vector<16xf32>
          %parallel_loop3A_243 = arith.mulf %parallel_loop3A_242, %parallel_loop3A_235 : vector<16xf32>
          %parallel_loop3A_244 = arith.index_cast %parallel_loop3A_199 : i32 to index
          %parallel_loop3A_245 = tpu.vector_load %arg46[%parallel_loop3A_244] {strides = array<i32>} : memref<2000xf32, #tpu.memory_space<vmem>>, vector<16xf32>,
          %parallel_loop3A_246 = vector.shape_cast %parallel_loop3A_245 : vector<16xf32> to vector<16xf32>
          %parallel_loop3A_247 = arith.mulf %parallel_loop3A_238, %parallel_loop3A_246 : vector<16xf32>
          %parallel_loop3A_248 = arith.mulf %parallel_loop3A_247, %parallel_loop3A_235 : vector<16xf32>
          %parallel_loop3A_249 = arith.mulf %parallel_loop3A_248, %parallel_loop3A_235 : vector<16xf32>
          %parallel_loop3A_250 = arith.mulf %parallel_loop3A_249, %parallel_loop3A_235 : vector<16xf32>
          %parallel_loop3A_251 = arith.subf %parallel_loop3A_203, %parallel_loop3A_215 : vector<16xf32>
          %parallel_loop3A_252 = arith.subf %parallel_loop3A_207, %parallel_loop3A_219 : vector<16xf32>
          %parallel_loop3A_253 = arith.mulf %parallel_loop3A_226, %parallel_loop3A_251 : vector<16xf32>
          %parallel_loop3A_254 = arith.mulf %parallel_loop3A_229, %parallel_loop3A_252 : vector<16xf32>
          %parallel_loop3A_255 = arith.addf %parallel_loop3A_253, %parallel_loop3A_254 : vector<16xf32>
          %parallel_loop3A_256 = arith.mulf %parallel_loop3A_226, %parallel_loop3A_252 : vector<16xf32>
          %parallel_loop3A_257 = arith.mulf %parallel_loop3A_229, %parallel_loop3A_251 : vector<16xf32>
          %parallel_loop3A_258 = arith.subf %parallel_loop3A_256, %parallel_loop3A_257 : vector<16xf32>
          %parallel_loop3A_259 = arith.constant 0.000000e+00 : f32
          %parallel_loop3A_260 = vector.broadcast %parallel_loop3A_259 : f32 to vector<16xf32>
          %parallel_loop3A_261 = arith.subf %parallel_loop3A_260, %parallel_loop3A_211 : vector<16xf32>
          %parallel_loop3A_262 = arith.constant 0.000000e+00 : f32
          %parallel_loop3A_263 = vector.broadcast %parallel_loop3A_262 : f32 to vector<16xf32>
          %parallel_loop3A_264 = arith.subf %parallel_loop3A_263, %parallel_loop3A_223 : vector<16xf32>
          %parallel_loop3A_265 = arith.mulf %parallel_loop3A_243, %parallel_loop3A_255 : vector<16xf32>
          %parallel_loop3A_266 = arith.constant 1.200000e+01 : f32
          %parallel_loop3A_267 = vector.broadcast %parallel_loop3A_266 : f32 to vector<16xf32>
          %parallel_loop3A_268 = arith.mulf %parallel_loop3A_267, %parallel_loop3A_250 : vector<16xf32>
          %parallel_loop3A_269 = arith.mulf %parallel_loop3A_268, %parallel_loop3A_258 : vector<16xf32>
          %parallel_loop3A_270 = arith.constant 6.000000e+00 : f32
          %parallel_loop3A_271 = vector.broadcast %parallel_loop3A_270 : f32 to vector<16xf32>
          %parallel_loop3A_272 = arith.mulf %parallel_loop3A_271, %parallel_loop3A_249 : vector<16xf32>
          %parallel_loop3A_273 = arith.addf %parallel_loop3A_261, %parallel_loop3A_264 : vector<16xf32>
          %parallel_loop3A_274 = arith.mulf %parallel_loop3A_272, %parallel_loop3A_273 : vector<16xf32>
          %parallel_loop3A_275 = arith.addf %parallel_loop3A_269, %parallel_loop3A_274 : vector<16xf32>
          %parallel_loop3A_276 = arith.constant 6.000000e+00 : f32
          %parallel_loop3A_277 = vector.broadcast %parallel_loop3A_276 : f32 to vector<16xf32>
          %parallel_loop3A_278 = arith.mulf %parallel_loop3A_277, %parallel_loop3A_249 : vector<16xf32>
          %parallel_loop3A_279 = arith.mulf %parallel_loop3A_278, %parallel_loop3A_258 : vector<16xf32>
          %parallel_loop3A_280 = arith.constant 4.000000e+00 : f32
          %parallel_loop3A_281 = vector.broadcast %parallel_loop3A_280 : f32 to vector<16xf32>
          %parallel_loop3A_282 = arith.mulf %parallel_loop3A_281, %parallel_loop3A_261 : vector<16xf32>
          %parallel_loop3A_283 = arith.constant 2.000000e+00 : f32
          %parallel_loop3A_284 = vector.broadcast %parallel_loop3A_283 : f32 to vector<16xf32>
          %parallel_loop3A_285 = arith.mulf %parallel_loop3A_284, %parallel_loop3A_264 : vector<16xf32>
          %parallel_loop3A_286 = arith.addf %parallel_loop3A_282, %parallel_loop3A_285 : vector<16xf32>
          %parallel_loop3A_287 = arith.mulf %parallel_loop3A_248, %parallel_loop3A_286 : vector<16xf32>
          %parallel_loop3A_288 = arith.addf %parallel_loop3A_279, %parallel_loop3A_287 : vector<16xf32>
          %parallel_loop3A_289 = arith.constant 2.000000e+00 : f32
          %parallel_loop3A_290 = vector.broadcast %parallel_loop3A_289 : f32 to vector<16xf32>
          %parallel_loop3A_291 = arith.mulf %parallel_loop3A_290, %parallel_loop3A_261 : vector<16xf32>
          %parallel_loop3A_292 = arith.constant 4.000000e+00 : f32
          %parallel_loop3A_293 = vector.broadcast %parallel_loop3A_292 : f32 to vector<16xf32>
          %parallel_loop3A_294 = arith.mulf %parallel_loop3A_293, %parallel_loop3A_264 : vector<16xf32>
          %parallel_loop3A_295 = arith.addf %parallel_loop3A_291, %parallel_loop3A_294 : vector<16xf32>
          %parallel_loop3A_296 = arith.mulf %parallel_loop3A_248, %parallel_loop3A_295 : vector<16xf32>
          %parallel_loop3A_297 = arith.addf %parallel_loop3A_279, %parallel_loop3A_296 : vector<16xf32>
          %parallel_loop3A_298 = arith.mulf %parallel_loop3A_226, %parallel_loop3A_265 : vector<16xf32>
          %parallel_loop3A_299 = arith.mulf %parallel_loop3A_229, %parallel_loop3A_275 : vector<16xf32>
          %parallel_loop3A_300 = arith.subf %parallel_loop3A_298, %parallel_loop3A_299 : vector<16xf32>
          %parallel_loop3A_301 = arith.mulf %parallel_loop3A_229, %parallel_loop3A_265 : vector<16xf32>
          %parallel_loop3A_302 = arith.mulf %parallel_loop3A_226, %parallel_loop3A_275 : vector<16xf32>
          %parallel_loop3A_303 = arith.addf %parallel_loop3A_301, %parallel_loop3A_302 : vector<16xf32>
          %parallel_loop3A_304 = arith.index_cast %parallel_loop3A_199 : i32 to index
          %parallel_loop3A_305 = tpu.vector_load %arg55[%parallel_loop3A_304] {strides = array<i32>} : memref<2000xf32, #tpu.memory_space<vmem>>, vector<16xf32>,
          %parallel_loop3A_306 = vector.shape_cast %parallel_loop3A_305 : vector<16xf32> to vector<16xf32>
          %parallel_loop3A_307 = vector.shape_cast %parallel_loop3A_300 : vector<16xf32> to vector<16xf32>
          tpu.vector_store %arg55[%parallel_loop3A_304], %parallel_loop3A_307 {strides = array<i32>} : memref<2000xf32, #tpu.memory_space<vmem>>, vector<16xf32>,
          %parallel_loop3A_308 = arith.index_cast %parallel_loop3A_199 : i32 to index
          %parallel_loop3A_309 = tpu.vector_load %arg56[%parallel_loop3A_308] {strides = array<i32>} : memref<2000xf32, #tpu.memory_space<vmem>>, vector<16xf32>,
          %parallel_loop3A_310 = vector.shape_cast %parallel_loop3A_309 : vector<16xf32> to vector<16xf32>
          %parallel_loop3A_311 = vector.shape_cast %parallel_loop3A_303 : vector<16xf32> to vector<16xf32>
          tpu.vector_store %arg56[%parallel_loop3A_308], %parallel_loop3A_311 {strides = array<i32>} : memref<2000xf32, #tpu.memory_space<vmem>>, vector<16xf32>,
          %parallel_loop3A_312 = arith.constant 0.000000e+00 : f32
          %parallel_loop3A_313 = vector.broadcast %parallel_loop3A_312 : f32 to vector<16xf32>
          %parallel_loop3A_314 = arith.subf %parallel_loop3A_313, %parallel_loop3A_288 : vector<16xf32>
          %parallel_loop3A_315 = arith.index_cast %parallel_loop3A_199 : i32 to index
          %parallel_loop3A_316 = tpu.vector_load %arg57[%parallel_loop3A_315] {strides = array<i32>} : memref<2000xf32, #tpu.memory_space<vmem>>, vector<16xf32>,
          %parallel_loop3A_317 = vector.shape_cast %parallel_loop3A_316 : vector<16xf32> to vector<16xf32>
          %parallel_loop3A_318 = vector.shape_cast %parallel_loop3A_314 : vector<16xf32> to vector<16xf32>
          tpu.vector_store %arg57[%parallel_loop3A_315], %parallel_loop3A_318 {strides = array<i32>} : memref<2000xf32, #tpu.memory_space<vmem>>, vector<16xf32>,
          %parallel_loop3A_319 = arith.constant 0.000000e+00 : f32
          %parallel_loop3A_320 = vector.broadcast %parallel_loop3A_319 : f32 to vector<16xf32>
          %parallel_loop3A_321 = arith.subf %parallel_loop3A_320, %parallel_loop3A_300 : vector<16xf32>
          %parallel_loop3A_322 = arith.index_cast %parallel_loop3A_199 : i32 to index
          %parallel_loop3A_323 = tpu.vector_load %arg58[%parallel_loop3A_322] {strides = array<i32>} : memref<2000xf32, #tpu.memory_space<vmem>>, vector<16xf32>,
          %parallel_loop3A_324 = vector.shape_cast %parallel_loop3A_323 : vector<16xf32> to vector<16xf32>
          %parallel_loop3A_325 = vector.shape_cast %parallel_loop3A_321 : vector<16xf32> to vector<16xf32>
          tpu.vector_store %arg58[%parallel_loop3A_322], %parallel_loop3A_325 {strides = array<i32>} : memref<2000xf32, #tpu.memory_space<vmem>>, vector<16xf32>,
          %parallel_loop3A_326 = arith.constant 0.000000e+00 : f32
          %parallel_loop3A_327 = vector.broadcast %parallel_loop3A_326 : f32 to vector<16xf32>
          %parallel_loop3A_328 = arith.subf %parallel_loop3A_327, %parallel_loop3A_303 : vector<16xf32>
          %parallel_loop3A_329 = arith.index_cast %parallel_loop3A_199 : i32 to index
          %parallel_loop3A_330 = tpu.vector_load %arg59[%parallel_loop3A_329] {strides = array<i32>} : memref<2000xf32, #tpu.memory_space<vmem>>, vector<16xf32>,
          %parallel_loop3A_331 = vector.shape_cast %parallel_loop3A_330 : vector<16xf32> to vector<16xf32>
          %parallel_loop3A_332 = vector.shape_cast %parallel_loop3A_328 : vector<16xf32> to vector<16xf32>
          tpu.vector_store %arg59[%parallel_loop3A_329], %parallel_loop3A_332 {strides = array<i32>} : memref<2000xf32, #tpu.memory_space<vmem>>, vector<16xf32>,
          %parallel_loop3A_333 = arith.constant 0.000000e+00 : f32
          %parallel_loop3A_334 = vector.broadcast %parallel_loop3A_333 : f32 to vector<16xf32>
          %parallel_loop3A_335 = arith.subf %parallel_loop3A_334, %parallel_loop3A_297 : vector<16xf32>
          %parallel_loop3A_336 = arith.index_cast %parallel_loop3A_199 : i32 to index
          %parallel_loop3A_337 = tpu.vector_load %arg60[%parallel_loop3A_336] {strides = array<i32>} : memref<2000xf32, #tpu.memory_space<vmem>>, vector<16xf32>,
          %parallel_loop3A_338 = vector.shape_cast %parallel_loop3A_337 : vector<16xf32> to vector<16xf32>
          %parallel_loop3A_339 = vector.shape_cast %parallel_loop3A_335 : vector<16xf32> to vector<16xf32>
          tpu.vector_store %arg60[%parallel_loop3A_336], %parallel_loop3A_339 {strides = array<i32>} : memref<2000xf32, #tpu.memory_space<vmem>>, vector<16xf32>,
        } {sc.loop_unroll_factor = 2 : i64, sc.parallel_access}
        %dma_start3A_185 = arith.constant 0 : i32
        %dma_start3A_186 = tpu.memref_slice %arg68[%dma_start3A_185] : memref<100352xf32, #tpu.memory_space<vmem_shared>> -> memref<100352xf32, #tpu.memory_space<vmem_shared>>
        tpu.enqueue_indirect_dma source(%arg55 : memref<2000xf32, #tpu.memory_space<vmem>>) target(%dma_start3A_186 : memref<100352xf32, #tpu.memory_space<vmem_shared>>) offsets(%arg41 : memref<2000xi32, #tpu.memory_space<vmem>>) semaphore(%arg64 : memref<!tpu.dma_semaphore, #tpu.memory_space<semaphore_mem>>) {add = true}
        %dma_start3A_187 = arith.constant 0 : i32
        %dma_start3A_188 = tpu.memref_slice %arg69[%dma_start3A_187] : memref<100352xf32, #tpu.memory_space<vmem_shared>> -> memref<100352xf32, #tpu.memory_space<vmem_shared>>
        tpu.enqueue_indirect_dma source(%arg56 : memref<2000xf32, #tpu.memory_space<vmem>>) target(%dma_start3A_188 : memref<100352xf32, #tpu.memory_space<vmem_shared>>) offsets(%arg41 : memref<2000xi32, #tpu.memory_space<vmem>>) semaphore(%arg64 : memref<!tpu.dma_semaphore, #tpu.memory_space<semaphore_mem>>) {add = true}
        %dma_start3A_189 = arith.constant 0 : i32
        %dma_start3A_190 = tpu.memref_slice %arg70[%dma_start3A_189] : memref<100352xf32, #tpu.memory_space<vmem_shared>> -> memref<100352xf32, #tpu.memory_space<vmem_shared>>
        tpu.enqueue_indirect_dma source(%arg57 : memref<2000xf32, #tpu.memory_space<vmem>>) target(%dma_start3A_190 : memref<100352xf32, #tpu.memory_space<vmem_shared>>) offsets(%arg41 : memref<2000xi32, #tpu.memory_space<vmem>>) semaphore(%arg64 : memref<!tpu.dma_semaphore, #tpu.memory_space<semaphore_mem>>) {add = true}
        %dma_start3A_191 = arith.constant 0 : i32
        %dma_start3A_192 = tpu.memref_slice %arg68[%dma_start3A_191] : memref<100352xf32, #tpu.memory_space<vmem_shared>> -> memref<100352xf32, #tpu.memory_space<vmem_shared>>
        tpu.enqueue_indirect_dma source(%arg58 : memref<2000xf32, #tpu.memory_space<vmem>>) target(%dma_start3A_192 : memref<100352xf32, #tpu.memory_space<vmem_shared>>) offsets(%arg42 : memref<2000xi32, #tpu.memory_space<vmem>>) semaphore(%arg64 : memref<!tpu.dma_semaphore, #tpu.memory_space<semaphore_mem>>) {add = true}
        %dma_start3A_193 = arith.constant 0 : i32
        %dma_start3A_194 = tpu.memref_slice %arg69[%dma_start3A_193] : memref<100352xf32, #tpu.memory_space<vmem_shared>> -> memref<100352xf32, #tpu.memory_space<vmem_shared>>
        tpu.enqueue_indirect_dma source(%arg59 : memref<2000xf32, #tpu.memory_space<vmem>>) target(%dma_start3A_194 : memref<100352xf32, #tpu.memory_space<vmem_shared>>) offsets(%arg42 : memref<2000xi32, #tpu.memory_space<vmem>>) semaphore(%arg64 : memref<!tpu.dma_semaphore, #tpu.memory_space<semaphore_mem>>) {add = true}
        %dma_start3A_195 = arith.constant 0 : i32
        %dma_start3A_196 = tpu.memref_slice %arg70[%dma_start3A_195] : memref<100352xf32, #tpu.memory_space<vmem_shared>> -> memref<100352xf32, #tpu.memory_space<vmem_shared>>
        tpu.enqueue_indirect_dma source(%arg60 : memref<2000xf32, #tpu.memory_space<vmem>>) target(%dma_start3A_196 : memref<100352xf32, #tpu.memory_space<vmem_shared>>) offsets(%arg42 : memref<2000xi32, #tpu.memory_space<vmem>>) semaphore(%arg64 : memref<!tpu.dma_semaphore, #tpu.memory_space<semaphore_mem>>) {add = true}
      } else {
      }
      %while3A_139 = arith.constant 0 : i64
      scf.yield %while3A_139 : i64
    }
    %dma_wait3A_66 = arith.constant 0 : i32
    %dma_wait3A_67 = tpu.memref_slice %arg68[%dma_wait3A_66] : memref<100352xf32, #tpu.memory_space<vmem_shared>> -> memref<100352xf32, #tpu.memory_space<vmem_shared>>
    tpu.wait_indirect_dma semaphore(%arg40 : memref<!tpu.dma_semaphore, #tpu.memory_space<semaphore_mem>>) src(%arg31 : memref<2000xf32, #tpu.memory_space<vmem>>) dst(%dma_wait3A_67 : memref<100352xf32, #tpu.memory_space<vmem_shared>>)
    %dma_wait3A_68 = arith.constant 0 : i32
    %dma_wait3A_69 = tpu.memref_slice %arg69[%dma_wait3A_68] : memref<100352xf32, #tpu.memory_space<vmem_shared>> -> memref<100352xf32, #tpu.memory_space<vmem_shared>>
    tpu.wait_indirect_dma semaphore(%arg40 : memref<!tpu.dma_semaphore, #tpu.memory_space<semaphore_mem>>) src(%arg32 : memref<2000xf32, #tpu.memory_space<vmem>>) dst(%dma_wait3A_69 : memref<100352xf32, #tpu.memory_space<vmem_shared>>)
    %dma_wait3A_70 = arith.constant 0 : i32
    %dma_wait3A_71 = tpu.memref_slice %arg70[%dma_wait3A_70] : memref<100352xf32, #tpu.memory_space<vmem_shared>> -> memref<100352xf32, #tpu.memory_space<vmem_shared>>
    tpu.wait_indirect_dma semaphore(%arg40 : memref<!tpu.dma_semaphore, #tpu.memory_space<semaphore_mem>>) src(%arg33 : memref<2000xf32, #tpu.memory_space<vmem>>) dst(%dma_wait3A_71 : memref<100352xf32, #tpu.memory_space<vmem_shared>>)
    %dma_wait3A_72 = arith.constant 0 : i32
    %dma_wait3A_73 = tpu.memref_slice %arg68[%dma_wait3A_72] : memref<100352xf32, #tpu.memory_space<vmem_shared>> -> memref<100352xf32, #tpu.memory_space<vmem_shared>>
    tpu.wait_indirect_dma semaphore(%arg40 : memref<!tpu.dma_semaphore, #tpu.memory_space<semaphore_mem>>) src(%arg34 : memref<2000xf32, #tpu.memory_space<vmem>>) dst(%dma_wait3A_73 : memref<100352xf32, #tpu.memory_space<vmem_shared>>)
    %dma_wait3A_74 = arith.constant 0 : i32
    %dma_wait3A_75 = tpu.memref_slice %arg69[%dma_wait3A_74] : memref<100352xf32, #tpu.memory_space<vmem_shared>> -> memref<100352xf32, #tpu.memory_space<vmem_shared>>
    tpu.wait_indirect_dma semaphore(%arg40 : memref<!tpu.dma_semaphore, #tpu.memory_space<semaphore_mem>>) src(%arg35 : memref<2000xf32, #tpu.memory_space<vmem>>) dst(%dma_wait3A_75 : memref<100352xf32, #tpu.memory_space<vmem_shared>>)
    %dma_wait3A_76 = arith.constant 0 : i32
    %dma_wait3A_77 = tpu.memref_slice %arg70[%dma_wait3A_76] : memref<100352xf32, #tpu.memory_space<vmem_shared>> -> memref<100352xf32, #tpu.memory_space<vmem_shared>>
    tpu.wait_indirect_dma semaphore(%arg40 : memref<!tpu.dma_semaphore, #tpu.memory_space<semaphore_mem>>) src(%arg36 : memref<2000xf32, #tpu.memory_space<vmem>>) dst(%dma_wait3A_77 : memref<100352xf32, #tpu.memory_space<vmem_shared>>)
    %dma_wait3A_78 = arith.constant 0 : i32
    %dma_wait3A_79 = tpu.memref_slice %arg68[%dma_wait3A_78] : memref<100352xf32, #tpu.memory_space<vmem_shared>> -> memref<100352xf32, #tpu.memory_space<vmem_shared>>
    tpu.wait_indirect_dma semaphore(%arg64 : memref<!tpu.dma_semaphore, #tpu.memory_space<semaphore_mem>>) src(%arg55 : memref<2000xf32, #tpu.memory_space<vmem>>) dst(%dma_wait3A_79 : memref<100352xf32, #tpu.memory_space<vmem_shared>>)
    %dma_wait3A_80 = arith.constant 0 : i32
    %dma_wait3A_81 = tpu.memref_slice %arg69[%dma_wait3A_80] : memref<100352xf32, #tpu.memory_space<vmem_shared>> -> memref<100352xf32, #tpu.memory_space<vmem_shared>>
    tpu.wait_indirect_dma semaphore(%arg64 : memref<!tpu.dma_semaphore, #tpu.memory_space<semaphore_mem>>) src(%arg56 : memref<2000xf32, #tpu.memory_space<vmem>>) dst(%dma_wait3A_81 : memref<100352xf32, #tpu.memory_space<vmem_shared>>)
    %dma_wait3A_82 = arith.constant 0 : i32
    %dma_wait3A_83 = tpu.memref_slice %arg70[%dma_wait3A_82] : memref<100352xf32, #tpu.memory_space<vmem_shared>> -> memref<100352xf32, #tpu.memory_space<vmem_shared>>
    tpu.wait_indirect_dma semaphore(%arg64 : memref<!tpu.dma_semaphore, #tpu.memory_space<semaphore_mem>>) src(%arg57 : memref<2000xf32, #tpu.memory_space<vmem>>) dst(%dma_wait3A_83 : memref<100352xf32, #tpu.memory_space<vmem_shared>>)
    %dma_wait3A_84 = arith.constant 0 : i32
    %dma_wait3A_85 = tpu.memref_slice %arg68[%dma_wait3A_84] : memref<100352xf32, #tpu.memory_space<vmem_shared>> -> memref<100352xf32, #tpu.memory_space<vmem_shared>>
    tpu.wait_indirect_dma semaphore(%arg64 : memref<!tpu.dma_semaphore, #tpu.memory_space<semaphore_mem>>) src(%arg58 : memref<2000xf32, #tpu.memory_space<vmem>>) dst(%dma_wait3A_85 : memref<100352xf32, #tpu.memory_space<vmem_shared>>)
    %dma_wait3A_86 = arith.constant 0 : i32
    %dma_wait3A_87 = tpu.memref_slice %arg69[%dma_wait3A_86] : memref<100352xf32, #tpu.memory_space<vmem_shared>> -> memref<100352xf32, #tpu.memory_space<vmem_shared>>
    tpu.wait_indirect_dma semaphore(%arg64 : memref<!tpu.dma_semaphore, #tpu.memory_space<semaphore_mem>>) src(%arg59 : memref<2000xf32, #tpu.memory_space<vmem>>) dst(%dma_wait3A_87 : memref<100352xf32, #tpu.memory_space<vmem_shared>>)
    %dma_wait3A_88 = arith.constant 0 : i32
    %dma_wait3A_89 = tpu.memref_slice %arg70[%dma_wait3A_88] : memref<100352xf32, #tpu.memory_space<vmem_shared>> -> memref<100352xf32, #tpu.memory_space<vmem_shared>>
    tpu.wait_indirect_dma semaphore(%arg64 : memref<!tpu.dma_semaphore, #tpu.memory_space<semaphore_mem>>) src(%arg60 : memref<2000xf32, #tpu.memory_space<vmem>>) dst(%dma_wait3A_89 : memref<100352xf32, #tpu.memory_space<vmem_shared>>)
    %barrier3A_90 = arith.constant 0 : index
    tpu.barrier barrier_id(%barrier3A_90)
    %mul3A_91 = arith.constant 301056 : i32
    %mul3A_92 = arith.muli %arg0, %mul3A_91 : i32
    %mul3A_93 = arith.constant 6272 : i32
    %mul3A_94 = arith.muli %arg1, %mul3A_93 : i32
    %add3A_95 = arith.addi %mul3A_92, %mul3A_94 : i32
    "tpu.region"() ({
      %run_scoped3A = tpu.sem_alloc : memref<!tpu.dma_semaphore, #tpu.memory_space<semaphore_mem>>
      %dma_start3A_102 = tpu.memref_slice %arg68[%mul3A_2] : memref<100352xf32, #tpu.memory_space<vmem_shared>> -> memref<6272xf32, #tpu.memory_space<vmem_shared>>
      %dma_start3A_103 = tpu.memref_slice %arg68[%mul3A_2] : memref<100352xf32, #tpu.memory_space<vmem_shared>> -> memref<6272xf32, #tpu.memory_space<vmem_shared>>
      tpu.enqueue_dma source(%dma_start3A_103 : memref<6272xf32, #tpu.memory_space<vmem_shared>>) target(%arg67 : memref<6272xf32, #tpu.memory_space<vmem>>) target_semaphore(%run_scoped3A : memref<!tpu.dma_semaphore, #tpu.memory_space<semaphore_mem>>)
      %dma_wait3A_104 = tpu.memref_slice %arg68[%mul3A_2] : memref<100352xf32, #tpu.memory_space<vmem_shared>> -> memref<6272xf32, #tpu.memory_space<vmem_shared>>
      %dma_wait3A_105 = tpu.memref_slice %arg68[%mul3A_2] : memref<100352xf32, #tpu.memory_space<vmem_shared>> -> memref<6272xf32, #tpu.memory_space<vmem_shared>>
      tpu.wait_dma2 semaphore(%run_scoped3A : memref<!tpu.dma_semaphore, #tpu.memory_space<semaphore_mem>>) src(%dma_wait3A_105 : memref<6272xf32, #tpu.memory_space<vmem_shared>>) dst(%arg67 : memref<6272xf32, #tpu.memory_space<vmem>>)
      tpu.yield
    }) : () -> ()
    %add3A_96 = arith.constant 0 : i32
    %add3A_97 = arith.addi %add3A_95, %add3A_96 : i32
    "tpu.region"() ({
      %run_scoped3A = tpu.sem_alloc : memref<!tpu.dma_semaphore, #tpu.memory_space<semaphore_mem>>
      %dma_start3A_102 = tpu.memref_slice %arg16[%add3A_97] : memref<602112xf32, #tpu.memory_space<hbm>> -> memref<6272xf32, #tpu.memory_space<hbm>>
      %dma_start3A_103 = tpu.memref_slice %arg16[%add3A_97] : memref<602112xf32, #tpu.memory_space<hbm>> -> memref<6272xf32, #tpu.memory_space<hbm>>
      tpu.enqueue_dma source(%arg67 : memref<6272xf32, #tpu.memory_space<vmem>>) target(%dma_start3A_103 : memref<6272xf32, #tpu.memory_space<hbm>>) target_semaphore(%run_scoped3A : memref<!tpu.dma_semaphore, #tpu.memory_space<semaphore_mem>>)
      %dma_wait3A_104 = tpu.memref_slice %arg16[%add3A_97] : memref<602112xf32, #tpu.memory_space<hbm>> -> memref<6272xf32, #tpu.memory_space<hbm>>
      %dma_wait3A_105 = tpu.memref_slice %arg16[%add3A_97] : memref<602112xf32, #tpu.memory_space<hbm>> -> memref<6272xf32, #tpu.memory_space<hbm>>
      tpu.wait_dma2 semaphore(%run_scoped3A : memref<!tpu.dma_semaphore, #tpu.memory_space<semaphore_mem>>) src(%arg67 : memref<6272xf32, #tpu.memory_space<vmem>>) dst(%dma_wait3A_105 : memref<6272xf32, #tpu.memory_space<hbm>>)
      tpu.yield
    }) : () -> ()
    "tpu.region"() ({
      %run_scoped3A = tpu.sem_alloc : memref<!tpu.dma_semaphore, #tpu.memory_space<semaphore_mem>>
      %dma_start3A_102 = tpu.memref_slice %arg69[%mul3A_2] : memref<100352xf32, #tpu.memory_space<vmem_shared>> -> memref<6272xf32, #tpu.memory_space<vmem_shared>>
      %dma_start3A_103 = tpu.memref_slice %arg69[%mul3A_2] : memref<100352xf32, #tpu.memory_space<vmem_shared>> -> memref<6272xf32, #tpu.memory_space<vmem_shared>>
      tpu.enqueue_dma source(%dma_start3A_103 : memref<6272xf32, #tpu.memory_space<vmem_shared>>) target(%arg67 : memref<6272xf32, #tpu.memory_space<vmem>>) target_semaphore(%run_scoped3A : memref<!tpu.dma_semaphore, #tpu.memory_space<semaphore_mem>>)
      %dma_wait3A_104 = tpu.memref_slice %arg69[%mul3A_2] : memref<100352xf32, #tpu.memory_space<vmem_shared>> -> memref<6272xf32, #tpu.memory_space<vmem_shared>>
      %dma_wait3A_105 = tpu.memref_slice %arg69[%mul3A_2] : memref<100352xf32, #tpu.memory_space<vmem_shared>> -> memref<6272xf32, #tpu.memory_space<vmem_shared>>
      tpu.wait_dma2 semaphore(%run_scoped3A : memref<!tpu.dma_semaphore, #tpu.memory_space<semaphore_mem>>) src(%dma_wait3A_105 : memref<6272xf32, #tpu.memory_space<vmem_shared>>) dst(%arg67 : memref<6272xf32, #tpu.memory_space<vmem>>)
      tpu.yield
    }) : () -> ()
    %add3A_98 = arith.constant 100352 : i32
    %add3A_99 = arith.addi %add3A_95, %add3A_98 : i32
    "tpu.region"() ({
      %run_scoped3A = tpu.sem_alloc : memref<!tpu.dma_semaphore, #tpu.memory_space<semaphore_mem>>
      %dma_start3A_102 = tpu.memref_slice %arg16[%add3A_99] : memref<602112xf32, #tpu.memory_space<hbm>> -> memref<6272xf32, #tpu.memory_space<hbm>>
      %dma_start3A_103 = tpu.memref_slice %arg16[%add3A_99] : memref<602112xf32, #tpu.memory_space<hbm>> -> memref<6272xf32, #tpu.memory_space<hbm>>
      tpu.enqueue_dma source(%arg67 : memref<6272xf32, #tpu.memory_space<vmem>>) target(%dma_start3A_103 : memref<6272xf32, #tpu.memory_space<hbm>>) target_semaphore(%run_scoped3A : memref<!tpu.dma_semaphore, #tpu.memory_space<semaphore_mem>>)
      %dma_wait3A_104 = tpu.memref_slice %arg16[%add3A_99] : memref<602112xf32, #tpu.memory_space<hbm>> -> memref<6272xf32, #tpu.memory_space<hbm>>
      %dma_wait3A_105 = tpu.memref_slice %arg16[%add3A_99] : memref<602112xf32, #tpu.memory_space<hbm>> -> memref<6272xf32, #tpu.memory_space<hbm>>
      tpu.wait_dma2 semaphore(%run_scoped3A : memref<!tpu.dma_semaphore, #tpu.memory_space<semaphore_mem>>) src(%arg67 : memref<6272xf32, #tpu.memory_space<vmem>>) dst(%dma_wait3A_105 : memref<6272xf32, #tpu.memory_space<hbm>>)
      tpu.yield
    }) : () -> ()
    "tpu.region"() ({
      %run_scoped3A = tpu.sem_alloc : memref<!tpu.dma_semaphore, #tpu.memory_space<semaphore_mem>>
      %dma_start3A_102 = tpu.memref_slice %arg70[%mul3A_2] : memref<100352xf32, #tpu.memory_space<vmem_shared>> -> memref<6272xf32, #tpu.memory_space<vmem_shared>>
      %dma_start3A_103 = tpu.memref_slice %arg70[%mul3A_2] : memref<100352xf32, #tpu.memory_space<vmem_shared>> -> memref<6272xf32, #tpu.memory_space<vmem_shared>>
      tpu.enqueue_dma source(%dma_start3A_103 : memref<6272xf32, #tpu.memory_space<vmem_shared>>) target(%arg67 : memref<6272xf32, #tpu.memory_space<vmem>>) target_semaphore(%run_scoped3A : memref<!tpu.dma_semaphore, #tpu.memory_space<semaphore_mem>>)
      %dma_wait3A_104 = tpu.memref_slice %arg70[%mul3A_2] : memref<100352xf32, #tpu.memory_space<vmem_shared>> -> memref<6272xf32, #tpu.memory_space<vmem_shared>>
      %dma_wait3A_105 = tpu.memref_slice %arg70[%mul3A_2] : memref<100352xf32, #tpu.memory_space<vmem_shared>> -> memref<6272xf32, #tpu.memory_space<vmem_shared>>
      tpu.wait_dma2 semaphore(%run_scoped3A : memref<!tpu.dma_semaphore, #tpu.memory_space<semaphore_mem>>) src(%dma_wait3A_105 : memref<6272xf32, #tpu.memory_space<vmem_shared>>) dst(%arg67 : memref<6272xf32, #tpu.memory_space<vmem>>)
      tpu.yield
    }) : () -> ()
    %add3A_100 = arith.constant 200704 : i32
    %add3A_101 = arith.addi %add3A_95, %add3A_100 : i32
    "tpu.region"() ({
      %run_scoped3A = tpu.sem_alloc : memref<!tpu.dma_semaphore, #tpu.memory_space<semaphore_mem>>
      %dma_start3A_102 = tpu.memref_slice %arg16[%add3A_101] : memref<602112xf32, #tpu.memory_space<hbm>> -> memref<6272xf32, #tpu.memory_space<hbm>>
      %dma_start3A_103 = tpu.memref_slice %arg16[%add3A_101] : memref<602112xf32, #tpu.memory_space<hbm>> -> memref<6272xf32, #tpu.memory_space<hbm>>
      tpu.enqueue_dma source(%arg67 : memref<6272xf32, #tpu.memory_space<vmem>>) target(%dma_start3A_103 : memref<6272xf32, #tpu.memory_space<hbm>>) target_semaphore(%run_scoped3A : memref<!tpu.dma_semaphore, #tpu.memory_space<semaphore_mem>>)
      %dma_wait3A_104 = tpu.memref_slice %arg16[%add3A_101] : memref<602112xf32, #tpu.memory_space<hbm>> -> memref<6272xf32, #tpu.memory_space<hbm>>
      %dma_wait3A_105 = tpu.memref_slice %arg16[%add3A_101] : memref<602112xf32, #tpu.memory_space<hbm>> -> memref<6272xf32, #tpu.memory_space<hbm>>
      tpu.wait_dma2 semaphore(%run_scoped3A : memref<!tpu.dma_semaphore, #tpu.memory_space<semaphore_mem>>) src(%arg67 : memref<6272xf32, #tpu.memory_space<vmem>>) dst(%dma_wait3A_105 : memref<6272xf32, #tpu.memory_space<hbm>>)
      tpu.yield
    }) : () -> ()
    return
  }
}

module attributes {stable_mosaic.version = 14 : i64} {
  func.func @body(%arg0: memref<4704x128xf32, #tpu.memory_space<vmem>>, %arg1: memref<2352x128xf32, #tpu.memory_space<vmem>>, %arg2: memref<2352x128xf32, #tpu.memory_space<vmem>>, %arg3: memref<1x1xf32, #tpu.memory_space<vmem>>) attributes {dimension_semantics = [], scalar_prefetch = 0 : i64, scratch_operands = 0 : i64, tpu.core_type = #tpu.core_type<tc>} {
    %get3A = arith.constant 0 : index
    %get3A_0 = arith.constant 0 : index
    %get3A_1 = vector.load %arg0[%get3A, %get3A_0] : memref<4704x128xf32, #tpu.memory_space<vmem>>, vector<2352x128xf32>
    %get3A_2 = arith.constant 2352 : index
    %get3A_3 = arith.constant 0 : index
    %get3A_4 = vector.load %arg0[%get3A_2, %get3A_3] : memref<4704x128xf32, #tpu.memory_space<vmem>>, vector<2352x128xf32>
    %add3A = arith.addf %get3A_1, %get3A_4 : vector<2352x128xf32>
    %get3A_5 = arith.constant 0 : index
    %get3A_6 = arith.constant 0 : index
    %get3A_7 = vector.load %arg1[%get3A_5, %get3A_6] : memref<2352x128xf32, #tpu.memory_space<vmem>>, vector<2352x128xf32>
    %get3A_8 = arith.constant 0 : index
    %get3A_9 = arith.constant 0 : index
    %get3A_10 = vector.load %arg2[%get3A_8, %get3A_9] : memref<2352x128xf32, #tpu.memory_space<vmem>>, vector<2352x128xf32>
    %sub3A = arith.subf %add3A, %get3A_7 : vector<2352x128xf32>
    %mul3A = arith.mulf %sub3A, %get3A_10 : vector<2352x128xf32>
    %mul3A_11 = arith.mulf %get3A_7, %get3A_10 : vector<2352x128xf32>
    %mul3A_12 = arith.mulf %mul3A, %mul3A : vector<2352x128xf32>
    %reduce_sum3A = vector.shape_cast %mul3A_12 : vector<2352x128xf32> to vector<1x2352x128xf32>
    %reduce_sum3A_13 = arith.constant dense<0.000000e+00> : vector<1xf32>
    %reduce_sum3A_14 = vector.multi_reduction <add>, %reduce_sum3A, %reduce_sum3A_13 [1, 2] : vector<1x2352x128xf32> to vector<1xf32>
    %reduce_sum3A_15 = vector.shape_cast %reduce_sum3A_14 : vector<1xf32> to vector<1x1x1xf32>
    %reduce_sum3A_16 = vector.extract %reduce_sum3A_15[0, 0, 0] : f32 from vector<1x1x1xf32>
    %mul3A_17 = arith.mulf %mul3A_11, %mul3A_11 : vector<2352x128xf32>
    %reduce_sum3A_18 = vector.shape_cast %mul3A_17 : vector<2352x128xf32> to vector<1x2352x128xf32>
    %reduce_sum3A_19 = arith.constant dense<0.000000e+00> : vector<1xf32>
    %reduce_sum3A_20 = vector.multi_reduction <add>, %reduce_sum3A_18, %reduce_sum3A_19 [1, 2] : vector<1x2352x128xf32> to vector<1xf32>
    %reduce_sum3A_21 = vector.shape_cast %reduce_sum3A_20 : vector<1xf32> to vector<1x1x1xf32>
    %reduce_sum3A_22 = vector.extract %reduce_sum3A_21[0, 0, 0] : f32 from vector<1x1x1xf32>
    %max3A = arith.constant 1.000000e-30 : f32
    %max3A_23 = arith.maximumf %reduce_sum3A_22, %max3A : f32
    %div3A = arith.divf %reduce_sum3A_16, %max3A_23 : f32
    %reshape3A = vector.broadcast %div3A : f32 to vector<1x1xf32>
    %swap3A = arith.constant 0 : index
    %swap3A_24 = arith.constant 0 : index
    %swap3A_25 = vector.load %arg3[%swap3A, %swap3A_24] : memref<1x1xf32, #tpu.memory_space<vmem>>, vector<1x1xf32>
    tpu.vector_store %arg3[%swap3A, %swap3A_24], %reshape3A {strides = array<i32>} : memref<1x1xf32, #tpu.memory_space<vmem>>, vector<1x1xf32>,
    return
  }
}

</mosaic_0001>

<sc_bundles>
// kernel: kernel.4.cloned.1.call-start
scs
__scs_entry_jumppad:
0x0: {  	(pc) =	sbr.rel $0x88, $3  }
0x1: {  	(tag) =	ssettag $0x0;
	lr =	simm.s32 $0x1  }
0x2: {  	[smem:$0x3F95] =	sst lr;
	_ =	strace $0xD0000000  }
0x3: {  	_ = 	snop  }
0x4: {  	_ = 	snop  }
0x5: {  	_ = 	snop  }
0x6: {  	_ = 	snop  }
0x7: {  	_ = 	snop  }
__scs_overlays_trampoline_lowered:
0x8: {  	[smem:$0x3FA4] =	sst s0  }
0x9: {  	[smem:$0x3FA5] =	sst s1  }
0xa: {  	[smem:$0x3FA6] =	sst s2  }
0xb: {  	[smem:$0x3FA7] =	sst s3  }
0xc: {  	[smem:$0x3FA8] =	sst s4  }
0xd: {  	[smem:$0x3FA9] =	sst s5  }
0xe: {  	[smem:$0x3FAA] =	sst s6  }
0xf: {  	[smem:$0x3FAB] =	sst s7  }
0x10: {  	[smem:$0x3FAC] =	sst s8  }
0x11: {  	[smem:$0x3FAD] =	sst s9;
	s0 =	simm.s32 @!p0 $0x0  }
0x12: {  	s1 =	sld [smem:$0x3F93];
	s0 =	simm.s32 @p0 $0x1  }
0x13: {  	[smem:$0x3FAE] =	sst s0;
	s0 =	simm.s32 @!p1 $0x0  }
0x14: {  	s2 =	sld [smem:$0x3F92];
	s0 =	simm.s32 @p1 $0x1  }
0x15: {  	[smem:$0x3FAF] =	sst s0;
	s0 =	simm.s32 @!p2 $0x0  }
0x16: {  	s3 =	sld [smem:$0x3FDB];
	s0 =	simm.s32 @p2 $0x1  }
0x17: {  	s4 =	simm.s32 $0x1BF5;
	[smem:$0x3FB1] =	sst s0  }
0x18: {  	s0 =	sld [smem:$0x3F94];
	_ =	swait.ge [sflag:s4], $0x0  }
0x19: {  	s7 =	sld [smem:$0x3F95]  }
0x1a: {  	s8 =	sadd.s32 $0xFFFFE003, lr  }
0x1b: {  	s9 =	sadd.s32 $0xFFFFFEF7, lr;
	s5 =	simm.s32 $0xFFFFFFFF;
	p2 =	slt.u32 s8, $0xFFFFF086  }
0x1c: {  	p1 =	slt.u32 s9, $0xF7A;
	s5 =	simm.s32 @!p2 $0x0  }
0x1d: {  	s5 =	simm.s32 @p1 $0x1;
	p0 =	seq.s32 s7, s2  }
0x1e: {  	s7 =	smul.u32 @!p0 $0xF7A, s2;
	p2 =	seq.s32 @!p0 s5, $0x0  }
0x1f: {  	s9 =	smul.u32 $0xF7A, s1;
	s8 =	simm.s32 @!p0 $0x1BF5;
	p2 =	por !p2, p0  }
0x20: {  	[sflag:s8] =	ssyncset.s32 @!p0 $0xFFFFF086;
	s6 =	sadd.s32 @!p0 s3, s7;
	s7 =	simm.s32 @!p0 $0x108  }
0x21: {  	s3 =	sadd.s32 s3, s9;
	s6 =	sadd.s32 @!p0 $0x88, s6;
	s7 =	simm.s32 @p2 $0x1082  }
0x22: {  	[simem:s7], [sflag:s8] =	dma.local @!p0 [hbm:s6], $0xF7A  }
0x23: {  	s9 =	sor.u32 $0xD0000000, s2;
	s6 =	simm.s32 $0x108;
	_ =	swait.ge @!p0 [sflag:s8], $0x0  }
0x24: {  	s3 =	sadd.s32 $0x88, s3;
	s6 =	simm.s32 @!p1 $0x1082;
	[sflag:s4] =	ssyncset.s32 $0xFFFFF086  }
0x25: {  	[simem:s6], [sflag:s4] =	dma.local [hbm:s3], $0xF7A  }
0x26: {  	[smem:$0x3F95] =	sst s1;
	(tag) =	ssettag s2;
	_ =	strace s9  }
0x27: {  	s1 =	sld [smem:$0x3FA5]  }
0x28: {  	s2 =	sld [smem:$0x3FA6]  }
0x29: {  	s4 =	sld [smem:$0x3FA8]  }
0x2a: {  	p0 =	seq.s32 s5, $0x0;
	s5 =	sld [smem:$0x3FA9]  }
0x2b: {  	s6 =	sld [smem:$0x3FAA]  }
0x2c: {  	s7 =	sld [smem:$0x3FAB]  }
0x2d: {  	s3 =	simm.s32 $0x108;
	s8 =	sld [smem:$0x3FAC]  }
0x2e: {  	s3 =	simm.s32 @!p0 $0x1082;
	s9 =	sld [smem:$0x3FAD]  }
0x2f: {  	lr =	sadd.s32 s0, s3;
	s0 =	sld [smem:$0x3FA4]  }
0x30: {  	s3 =	sld [smem:$0x3FA7]  }
0x31: {  	[smem:$0x3FB0] =	sst s10  }
0x32: {  	s10 =	sld [smem:$0x3FAE];
	_ =	sdelay $0x3  }
0x33: {  	p0 =	seq.s32 s10, $0x1;
	s10 =	sld [smem:$0x3FB0];
	_ =	sdelay $0x3  }
0x34: {  	[smem:$0x3FB0] =	sst s10  }
0x35: {  	s10 =	sld [smem:$0x3FAF];
	_ =	sdelay $0x3  }
0x36: {  	p1 =	seq.s32 s10, $0x1;
	s10 =	sld [smem:$0x3FB0];
	_ =	sdelay $0x3  }
0x37: {  	[smem:$0x3FB0] =	sst s10  }
0x38: {  	s10 =	sld [smem:$0x3FB1]  }
0x39: {  	_ = 	snop;
	(pc) =	sbr.ind lr, $3  }
0x3a: {  	_ = 	snop  }
0x3b: {  	_ = 	snop  }
0x3c: {  	p2 =	seq.s32 s10, $0x1;
	s10 =	sld [smem:$0x3FB0]  }
0x3d: {  	_ =	shalt  }
0x3e: {  	_ =	shalt  }
0x3f: {  	_ =	shalt  }
0x40: {  	_ =	shalt  }
0x41: {  	_ =	shalt  }
0x42: {  	_ =	shalt  }
0x43: {  	_ =	shalt  }
0x44: {  	_ =	shalt  }
0x45: {  	_ =	shalt  }
0x46: {  	_ =	shalt  }
0x47: {  	_ =	shalt  }
0x48: {  	_ =	shalt  }
0x49: {  	_ =	shalt  }
0x4a: {  	_ =	shalt  }
0x4b: {  	_ =	shalt  }
0x4c: {  	_ =	shalt  }
0x4d: {  	_ =	shalt  }
0x4e: {  	_ =	shalt  }
0x4f: {  	_ =	shalt  }
0x50: {  	_ =	shalt  }
0x51: {  	_ =	shalt  }
0x52: {  	_ =	shalt  }
0x53: {  	_ =	shalt  }
0x54: {  	_ =	shalt  }
0x55: {  	_ =	shalt  }
0x56: {  	_ =	shalt  }
0x57: {  	_ =	shalt  }
0x58: {  	_ =	shalt  }
0x59: {  	_ =	shalt  }
0x5a: {  	_ =	shalt  }
0x5b: {  	_ =	shalt  }
0x5c: {  	_ =	shalt  }
0x5d: {  	_ =	shalt  }
0x5e: {  	_ =	shalt  }
0x5f: {  	_ =	shalt  }
0x60: {  	_ =	shalt  }
0x61: {  	_ =	shalt  }
0x62: {  	_ =	shalt  }
0x63: {  	_ =	shalt  }
0x64: {  	_ =	shalt  }
0x65: {  	_ =	shalt  }
0x66: {  	_ =	shalt  }
0x67: {  	_ =	shalt  }
0x68: {  	_ =	shalt  }
0x69: {  	_ =	shalt  }
0x6a: {  	_ =	shalt  }
0x6b: {  	_ =	shalt  }
0x6c: {  	_ =	shalt  }
0x6d: {  	_ =	shalt  }
0x6e: {  	_ =	shalt  }
0x6f: {  	_ =	shalt  }
0x70: {  	_ =	shalt  }
0x71: {  	_ =	shalt  }
0x72: {  	_ =	shalt  }
0x73: {  	_ =	shalt  }
0x74: {  	_ =	shalt  }
0x75: {  	_ =	shalt  }
0x76: {  	_ =	shalt  }
0x77: {  	_ =	shalt  }
0x78: {  	_ =	shalt  }
0x79: {  	_ =	shalt  }
0x7a: {  	_ =	shalt  }
0x7b: {  	_ =	shalt  }
0x7c: {  	_ =	shalt  }
0x7d: {  	_ =	shalt  }
0x7e: {  	_ =	shalt  }
0x7f: {  	_ =	shalt  }
0x80: {  	_ =	shalt  }
0x81: {  	_ =	shalt  }
0x82: {  	_ =	shalt  }
0x83: {  	_ =	shalt  }
0x84: {  	_ =	shalt  }
0x85: {  	_ =	shalt  }
0x86: {  	_ =	shalt  }
0x87: {  	_ =	shalt  }
.Lfunc_end0:
.L_simem_size_0:
called_computation_lowered:
.L_overlay_start_0:
0x88: {  	s2 =	sld [smem:$0x3FD9]  }
0x89: {  	s3 =	sld [smem:$0x3FFE];
	_ =	sdelay $0x1  }
0x8a: {  	s1 =	srdreg.scid  }
0x8b: {  	s0 =	sand.u32 $0x1, s1  }
0x8c: {  	s17 =	sshll.u32 s0, $0xA;
	s2 =	sadd.s32 s3, s2  }
0x8d: {  	s2 =	sadd.s32 s2, s17  }
0x8e: {  	[smem:$0x3FBC] =	sst s2  }
0x8f: {  	_ = 	snop  }
0x90: {  	s2 =	sld [smem:$0x3FC5]  }
0x91: {  	s18 =	sld [smem:$0x3FC4]  }
0x92: {  	s4 =	sld [smem:$0x3FC3]  }
0x93: {  	s5 =	sld [smem:$0x3FC2]  }
0x94: {  	s6 =	sld [smem:$0x3FD0];
	(tm) =	ssettm $0x1  }
0x95: {  	s7 =	sld [smem:$0x3FFB];
	_ =	sdelay $0x3  }
0x96: {  	_ =	strace s7  }
0x97: {  	s7 =	sld [smem:$0x3FFC];
	_ =	sdelay $0x3  }
0x98: {  	_ =	strace s7  }
0x99: {  	s7 =	sld [smem:$0x3FFD];
	_ =	sdelay $0x3  }
0x9a: {  	_ =	strace s7  }
0x9b: {  	_ =	strace $0x8FFFFFFF  }
0x9c: {  	s19 =	sld [smem:$0x3FDB];
	_ =	sdelay $0x1  }
0x9d: {  	s8 =	simm.s32 $_scs_section_size  }
0x9e: {  	s9 =	simm.s32 $_size__tile_overlayer_lowered;
	s10 =	simm.s32 $_tile_overlayer_lowered  }
0x9f: {  	s22 =	simm.s32 $0x1BFF;
	s21 =	sshll.u32 s10, $0x1;
	s7 =	sadd.s32 s8, s19  }
0xa0: {  	s11 =	simm.s32 $0x0;
	s20 =	sshll.u32 s9, $0x1;
	s9 =	sadd.s32 s21, s7  }
0xa1: {  	[timem:s11], [sflag:s22] =	dma.local [hbm:s9], s20  }
0xa2: {  	_ =	swait.ge [sflag:s22], s20  }
0xa3: {  	s8 =	ssub.s32 $0x0, s20;
	[sflag:s22] =	ssyncset.done $0x0  }
0xa4: {  	[sflag:s22] =	ssyncadd.s32 s8;
	_ =	sdelay $0x1  }
0xa5: {  	s23 =	simm.s32 $0x1B8B  }
0xa6: {  	_ =	swait.ge [sflag:s23], $0x1  }
0xa7: {  	[sflag:s23] =	ssyncset.done $0x0  }
0xa8: {  	s25 =	simm.s32 $0x1B8E;
	s24 =	sld [smem:$0x3FFE];
	[sflag:s23] =	ssyncadd.s32 $0xFFFFFFFF  }
0xa9: {  	s26 =	simm.s32 $execute0_lowered;
	[smem:$0x3FD2] =	sst s25  }
0xaa: {  	s9 =	sshll.u32 s26, $0x1;
	_ =	strace $0x80000046;
	[dreg:$0x1] =	wrdreg $0xFFFFFFFF  }
0xab: {  	s28 =	simm.s32 $_size_execute0_lowered;
	s7 =	sadd.s32 s7, s9;
	[dreg:$0x0] =	wrdreg $0x0  }
0xac: {  	s9 =	sshll.u32 s28, $0x1;
	[dreg:$0x2] =	wrdreg s7  }
0xad: {  	[dreg:$0x3] =	wrdreg s9  }
0xae: {  	[dreg:$0x4] =	wrdreg $0xC0  }
0xaf: {  	_ =	task [dreg:s11], $0x5FFFF  }
0xb0: {  	[dreg:$0x1] =	wrdreg $0xFFFFFFFF  }
0xb1: {  	[dreg:$0x0] =	wrdreg $0x60  }
0xb2: {  	[dreg:$0x2] =	wrdreg s24  }
0xb3: {  	[dreg:$0x3] =	wrdreg s2  }
0xb4: {  	[dreg:$0x4] =	wrdreg s18  }
0xb5: {  	[dreg:$0x5] =	wrdreg s4  }
0xb6: {  	[dreg:$0x6] =	wrdreg s5  }
0xb7: {  	[dreg:$0x7] =	wrdreg s6  }
0xb8: {  	[dreg:$0x8] =	wrdreg $0x159800  }
0xb9: {  	[dreg:$0x9] =	wrdreg $0x172000  }
0xba: {  	[dreg:$0xa] =	wrdreg $0x18A800  }
0xbb: {  	[dreg:$0xb] =	wrdreg $0x9  }
0xbc: {  	_ =	task.clear_ibuf [dreg:s11], $0xCFFFF;
	_ =	strace $0x90000046  }
0xbd: {  	s29 =	simm.s32 $0x9;
	_ =	strace $0x80000048  }
0xbe: {  	_ =	swait.ge [sflag:s29], $0x1  }
0xbf: {  	[sflag:s29] =	ssyncadd.s32 $0xFFFFFFFF  }
0xc0: {  	_ =	strace $0x90000048  }
0xc1: {  	_ =	sfence  }
0xc2: {  	s30 =	sld [smem:$0x0];
	_ =	sdelay $0x2  }
0xc3: {  	s31 =	sshll.u32 s1, $0xD;
	s1 =	sshrl.u32 s1, $0x2  }
0xc4: {  	s3 =	sand.u32 $0x4000, s31;
	s1 =	sadd.s32 s1, s30  }
0xc5: {  	s0 =	sor.u32 s3, s0;
	s1 =	sshll.u32 s1, $0x11  }
0xc6: {  	s0 =	sor.u32 s1, s0  }
0xc7: {  	s0 =	sadd.s32 $0x8F2B, s0  }
0xc8: {  	[sflag:s0] =	ssyncadd.remote.s32 $0x1  }
0xc9: {  	_ =	sfence.sel $0xFFFF  }
0xca: {  	[dreg:$0x0] =	wrdreg $0xFFFFFFFF;
	(pc) =	sbr.abs _section_cstart, $3  }
0xcb: {  	[dreg:$0x1] =	wrdreg $0xFFFFFFFF  }
0xcc: {  	_ =	task.clear_ibuf [dreg:s11], $0x2FFFF;
	_ =	strace $0x9FFFFFFF  }
0xcd: {  	(tm) =	ssettm $0x7FFFFFFF  }
tec
execute0_lowered:
.L_overlay_start_1:
0x0: {  	(tag) =	ssettag $0x1  }
0x1: {  	s0 =	rddreg [dreg:$0x0]  }
0x2: {  	s6 =	rddreg [dreg:$0x1]  }
0x3: {  	s9 =	rddreg [dreg:$0x2]  }
0x4: {  	s16 =	rddreg [dreg:$0x3]  }
0x5: {  	s17 =	rddreg [dreg:$0x4]  }
0x6: {  	s7 =	rddreg [dreg:$0x6]  }
0x7: {  	s8 =	rddreg [dreg:$0x7]  }
0x8: {  	s10 =	rddreg [dreg:$0x8]  }
0x9: {  	s11 =	simm.s32 $0x0;
	s1 =	srdreg.scid;
	s5 =	stileid.u32  }
0xa: {  	s30 =	simm.s32 $0x9;
	s29 =	simm.s32 $0xA000;
	s31 =	simm.s32 $0x0  }
0xb: {  	[smem:$0x7FF] =	sst s11;
	s1 =	sand.u32 $0x1, s1;
	s2 =	smul.u32 $0x1880, s5  }
0xc: {  	s12 =	sadd.s32 $0x3A400, s0;
	s13 =	sadd.s32 $0x9600, s0;
	_ =	strace $0x80000047  }
0xd: {  	s3 =	smul.u32 $0x49800, s1;
	s4 =	sshll.u32 s1, $0x4;
	s1 =	ssub.s32 $0x2, s1  }
0xe: {  	s4 =	sor.u32 s5, s4;
	s22 =	sshrl.u32 s1, $0x1;
	s18 =	sadd.s32 s2, s7  }
0xf: {  	s20 =	sadd.s32 s2, s8;
	s4 =	smul.u32 $0xC350, s4;
	[dreg:$0xa] =	wrdreg s18  }
0x10: {  	s21 =	sadd.s32 s2, s10;
	s1 =	ssub.s32 s1, s22;
	[dreg:$0xb] =	wrdreg s20  }
0x11: {  	[dreg:$0xc] =	wrdreg s21;
	s1 =	smax.u32 s1, $0x1;
	s23 =	sshrl.u32 s4, $0x3  }
0x12: {  	s14 =	sadd.s32 $0x9C000, s0;
	[dreg:$0x18] =	wrdreg s1;
	s24 =	sadd.s32 s12, s23  }
0x13: {  	s15 =	sadd.s32 $0x6B200, s0;
	s25 =	sadd.s32 s13, s23;
	[dreg:$0xd] =	wrdreg s24  }
0x14: {  	s5 =	simm.s32 $0x5;
	s26 =	sadd.s32 s6, s23;
	[dreg:$0xe] =	wrdreg s25  }
0x15: {  	s3 =	sadd.s32 s2, s3;
	s6 =	sadd.s32 s9, s23;
	[dreg:$0xf] =	wrdreg s26  }
0x16: {  	s2 =	simm.s32 $0x2;
	s9 =	sadd.s32 s16, s23;
	[dreg:$0x10] =	wrdreg s6  }
0x17: {  	s3 =	sshrl.u32 s3, $0x3;
	s16 =	sadd.s32 s17, s23;
	[dreg:$0x11] =	wrdreg s9  }
0x18: {  	s3 =	sadd.s32 s3, s0;
	s17 =	sadd.s32 s14, s23;
	[dreg:$0x12] =	wrdreg s16  }
0x19: {  	s28 =	sadd.s32 $0x7D0, s4;
	s19 =	sadd.s32 s15, s23;
	[dreg:$0x13] =	wrdreg s17  }
0x1a: {  	s1 =	simm.s32 $0x8;
	s22 =	sadd.s32 $0xCD600, s3;
	[dreg:$0x14] =	wrdreg s19  }
0x1b: {  	s4 =	simm.s32 $0x3;
	s23 =	sadd.s32 $0xD0700, s3;
	[dreg:$0x15] =	wrdreg s22  }
0x1c: {  	[dreg:$0x16] =	wrdreg s23;
	s24 =	sadd.s32 $0xD3800, s3;
	s9 =	sadd.s32 $0x6400, s0  }
.Ltmp0:
0x1d: {  	s6 =	sadd.s32 $0x3200, s0;
	s25 =	sadd.s32 $0xCD000, s0;
	(pc) =	sbr.rel .LBB2_1-.Ltmp0, $4  }
0x1e: {  	s26 =	sadd.s32 $0xCD200, s0;
	s22 =	simm.s32 $0x14100;
	[dreg:$0x17] =	wrdreg s24  }
0x1f: {  	s23 =	simm.s32 $0x800;
	s3 =	simm.s32 $0x1;
	[dreg:$0x19] =	wrdreg s25  }
0x20: {  	s19 =	simm.s32 $0x7D0;
	s16 =	simm.s32 $0xA800;
	[dreg:$0x1a] =	wrdreg s26  }
0x21: {  	s25 =	simm.s32 $0x6;
	s26 =	simm.s32 $0x7;
	s24 =	simm.s32 $0x4  }
.LBB2_16:
0x22: {  	_ =	swait.ge [sflag:s24], $0x7D0  }
0x23: {  	[sflag:s24] =	ssyncset.done $0x0  }
0x24: {  	[sflag:s24] =	ssyncadd.s32 $0xFFFFF830  }
0x25: {  	_ =	swait.ge [sflag:s24], $0x7D0  }
0x26: {  	[sflag:s24] =	ssyncset.done $0x0  }
0x27: {  	[sflag:s24] =	ssyncadd.s32 $0xFFFFF830  }
0x28: {  	_ =	swait.ge [sflag:s24], $0x7D0  }
0x29: {  	[sflag:s24] =	ssyncset.done $0x0  }
0x2a: {  	[sflag:s24] =	ssyncadd.s32 $0xFFFFF830  }
0x2b: {  	_ =	swait.ge [sflag:s24], $0x7D0  }
0x2c: {  	[sflag:s24] =	ssyncset.done $0x0  }
0x2d: {  	[sflag:s24] =	ssyncadd.s32 $0xFFFFF830  }
0x2e: {  	_ =	swait.ge [sflag:s24], $0x7D0  }
0x2f: {  	[sflag:s24] =	ssyncset.done $0x0  }
0x30: {  	[sflag:s24] =	ssyncadd.s32 $0xFFFFF830  }
0x31: {  	_ =	swait.ge [sflag:s24], $0x7D0  }
0x32: {  	[sflag:s24] =	ssyncset.done $0x0  }
0x33: {  	[sflag:s24] =	ssyncadd.s32 $0xFFFFF830  }
0x34: {  	_ =	swait.ge [sflag:s1], $0x7D0  }
0x35: {  	[sflag:s1] =	ssyncset.done $0x0  }
0x36: {  	[sflag:s1] =	ssyncadd.s32 $0xFFFFF830  }
0x37: {  	_ =	swait.ge [sflag:s1], $0x7D0  }
0x38: {  	[sflag:s1] =	ssyncset.done $0x0  }
0x39: {  	[sflag:s1] =	ssyncadd.s32 $0xFFFFF830  }
0x3a: {  	_ =	swait.ge [sflag:s1], $0x7D0  }
0x3b: {  	[sflag:s1] =	ssyncset.done $0x0  }
0x3c: {  	[sflag:s1] =	ssyncadd.s32 $0xFFFFF830  }
0x3d: {  	_ =	swait.ge [sflag:s1], $0x7D0  }
0x3e: {  	[sflag:s1] =	ssyncset.done $0x0  }
0x3f: {  	[sflag:s1] =	ssyncadd.s32 $0xFFFFF830  }
0x40: {  	_ =	swait.ge [sflag:s1], $0x7D0  }
0x41: {  	[sflag:s1] =	ssyncset.done $0x0  }
0x42: {  	[sflag:s1] =	ssyncadd.s32 $0xFFFFF830  }
0x43: {  	_ =	swait.ge [sflag:s1], $0x7D0  }
0x44: {  	[sflag:s1] =	ssyncset.done $0x0  }
0x45: {  	[sflag:s1] =	ssyncadd.s32 $0xFFFFF830  }
0x46: {  	[bflag:$0x0] =	sbarrier.arrive $0xFFFF  }
0x47: {  	s22 =	simm.s32 $0x14100;
	s30 =	simm.s32 $0x9;
	s18 =	rddreg [dreg:$0xa]  }
0x48: {  	[tilespmem:s22], [sflag:$0x9] =	stream.linear.gather [spmem:s18], $0x1880, $0x38;
	[tilespmem:$0x1A300] =	vst v63  }
0x49: {  	_ =	swait.ge [sflag:s30], $0x1880  }
0x4a: {  	[sflag:s30] =	ssyncset.done $0x0  }
0x4b: {  	s17 =	rddreg [dreg:$0x15];
	[sflag:s30] =	ssyncadd.s32 $0xFFFFE780  }
0x4c: {  	[hbm4b:s17+s11] =	stream.linear.scatter [tilespmem:s22], [sflag:$0x9], $0x1880, $0x38;
	[tilespmem:$0x1A300] =	vst v63  }
0x4d: {  	_ =	swait.ge [sflag:s30], $0x1880  }
0x4e: {  	[sflag:s30] =	ssyncset.done $0x0  }
0x4f: {  	s20 =	rddreg [dreg:$0xb];
	[sflag:s30] =	ssyncadd.s32 $0xFFFFE780  }
0x50: {  	[tilespmem:s22], [sflag:$0x9] =	stream.linear.gather [spmem:s20], $0x1880, $0x38;
	[tilespmem:$0x1A300] =	vst v63  }
0x51: {  	_ =	swait.ge [sflag:s30], $0x1880  }
0x52: {  	[sflag:s30] =	ssyncset.done $0x0  }
0x53: {  	s21 =	rddreg [dreg:$0x16];
	[sflag:s30] =	ssyncadd.s32 $0xFFFFE780  }
0x54: {  	[hbm4b:s21+s11] =	stream.linear.scatter [tilespmem:s22], [sflag:$0x9], $0x1880, $0x38;
	[tilespmem:$0x1A300] =	vst v63  }
0x55: {  	_ =	swait.ge [sflag:s30], $0x1880  }
0x56: {  	[sflag:s30] =	ssyncset.done $0x0  }
0x57: {  	s21 =	rddreg [dreg:$0xc];
	[sflag:s30] =	ssyncadd.s32 $0xFFFFE780  }
0x58: {  	[tilespmem:s22], [sflag:$0x9] =	stream.linear.gather [spmem:s21], $0x1880, $0x38;
	[tilespmem:$0x1A300] =	vst v63  }
0x59: {  	_ =	swait.ge [sflag:s30], $0x1880  }
0x5a: {  	[sflag:s30] =	ssyncset.done $0x0  }
0x5b: {  	s17 =	rddreg [dreg:$0x17];
	[sflag:s30] =	ssyncadd.s32 $0xFFFFE780  }
0x5c: {  	[hbm4b:s17+s11] =	stream.linear.scatter [tilespmem:s22], [sflag:$0x9], $0x1880, $0x38;
	[tilespmem:$0x1A300] =	vst v63  }
0x5d: {  	_ =	swait.ge [sflag:s30], $0x1880  }
0x5e: {  	s31 =	rddreg [dreg:$0x1b]  }
0x5f: {  	s17 =	rddreg [dreg:$0x18];
	s31 =	sadd.s32 $0x1, s31  }
0x60: {  	p0 =	sne.s32 s31, s17  }
.Ltmp1:
0x61: {  	_ = 	snop;
	(pc) =	sbr.rel @!p0 .LBB2_17-.Ltmp1, $3  }
0x62: {  	_ =	sdelay $0x1  }
0x63: {  	[sflag:s30] =	ssyncset.done $0x0  }
0x64: {  	[sflag:s30] =	ssyncadd.s32 $0xFFFFE780  }
.LBB2_1:
0x65: {  	[dreg:$0x1b] =	wrdreg s31  }
0x66: {  	s17 =	rddreg [dreg:$0x1a]  }
0x67: {  	[tilespmem:s22], [sflag:$0x9] =	stream.linear.gather [hbm4b:s17+s11], $0x1880, $0x38;
	[tilespmem:$0x1A300] =	vst v63  }
0x68: {  	_ =	swait.ge [sflag:s30], $0x1880  }
0x69: {  	[sflag:s30] =	ssyncset.done $0x0  }
0x6a: {  	[sflag:s30] =	ssyncadd.s32 $0xFFFFE780  }
0x6b: {  	[spmem:s18] =	stream.linear.scatter [tilespmem:s22], [sflag:$0x9], $0x1880, $0x38;
	[tilespmem:$0x1A300] =	vst v63  }
0x6c: {  	_ =	swait.ge [sflag:s30], $0x1880  }
0x6d: {  	[sflag:s30] =	ssyncset.done $0x0  }
0x6e: {  	[sflag:s30] =	ssyncadd.s32 $0xFFFFE780  }
0x6f: {  	[spmem:s20] =	stream.linear.scatter [tilespmem:s22], [sflag:$0x9], $0x1880, $0x38;
	[tilespmem:$0x1A300] =	vst v63  }
0x70: {  	_ =	swait.ge [sflag:s30], $0x1880  }
0x71: {  	[sflag:s30] =	ssyncset.done $0x0  }
0x72: {  	[sflag:s30] =	ssyncadd.s32 $0xFFFFE780  }
0x73: {  	[spmem:s21] =	stream.linear.scatter [tilespmem:s22], [sflag:$0x9], $0x1880, $0x38;
	[tilespmem:$0x1A300] =	vst v63  }
0x74: {  	_ =	swait.ge [sflag:s30], $0x1880  }
0x75: {  	[sflag:s30] =	ssyncset.done $0x0  }
0x76: {  	s20 =	simm.s32 $0x14000;
	s18 =	rddreg [dreg:$0x19];
	[sflag:s30] =	ssyncadd.s32 $0xFFFFE780  }
0x77: {  	[tilespmem:s20], [sflag:$0x9] =	stream.linear.gather [hbm4b:s18+s11], $0x80, $0x38;
	[tilespmem:$0x1A300] =	vst v63  }
0x78: {  	_ =	swait.ge [sflag:s30], $0x80  }
0x79: {  	[sflag:s30] =	ssyncset.done $0x0  }
0x7a: {  	[sflag:s30] =	ssyncadd.s32 $0xFFFFFF80  }
0x7b: {  	s22 =	simm.s32 $0x14080;
	s21 =	rddreg [dreg:$0x5]  }
0x7c: {  	[tilespmem:s22], [sflag:$0x9] =	stream.linear.gather [hbm4b:s21+s11], $0x80, $0x38;
	[tilespmem:$0x1A300] =	vst v63  }
0x7d: {  	_ =	swait.ge [sflag:s30], $0x80  }
0x7e: {  	[sflag:s30] =	ssyncset.done $0x0  }
0x7f: {  	[sflag:s30] =	ssyncadd.s32 $0xFFFFFF80  }
0x80: {  	[bflag:$0x0] =	sbarrier.arrive $0xFFFF  }
0x81: {  	v0 =	vld [tilespmem:$0x14000];
	s31 =	rddreg [dreg:$0xd]  }
0x82: {  	v1 =	vld [tilespmem:$0x14080];
	[tilespmem:s11], [sflag:$0x1] =	stream.linear.gather [hbm4b:s31+s11], $0x7D0, $0x38  }
0x83: {  	s18 =	rddreg [dreg:$0xe]  }
0x84: {  	[tilespmem:s23], [sflag:$0x1] =	stream.linear.gather [hbm4b:s18+s11], $0x7D0, $0x38;
	[tilespmem:$0x1A300] =	vst v63  }
0x85: {  	s21 =	simm.s32 $0x1000;
	s20 =	rddreg [dreg:$0xf]  }
0x86: {  	[tilespmem:s21], [sflag:$0x2] =	stream.linear.gather [hbm4b:s20+s11], $0x7D0, $0x38;
	[tilespmem:$0x1A300] =	vst v63  }
0x87: {  	s22 =	rddreg [dreg:$0x10];
	s31 =	simm.s32 $0x1800  }
0x88: {  	[tilespmem:s31], [sflag:$0x2] =	stream.linear.gather [hbm4b:s22+s11], $0x7D0, $0x38;
	[tilespmem:$0x1A300] =	vst v63  }
0x89: {  	s20 =	rddreg [dreg:$0x11];
	s21 =	simm.s32 $0x2000  }
0x8a: {  	[tilespmem:s21], [sflag:$0x2] =	stream.linear.gather [hbm4b:s20+s11], $0x7D0, $0x38;
	[tilespmem:$0x1A300] =	vst v63  }
0x8b: {  	s22 =	rddreg [dreg:$0x12];
	s31 =	simm.s32 $0x2800  }
0x8c: {  	[tilespmem:s31], [sflag:$0x2] =	stream.linear.gather [hbm4b:s22+s11], $0x7D0, $0x38;
	[tilespmem:$0x1A300] =	vst v63  }
0x8d: {  	s18 =	rddreg [dreg:$0x13];
	s20 =	simm.s32 $0x3000  }
0x8e: {  	[tilespmem:s20], [sflag:$0x2] =	stream.linear.gather [hbm4b:s18+s11], $0x7D0, $0x38;
	[tilespmem:$0x1A300] =	vst v63  }
0x8f: {  	s21 =	rddreg [dreg:$0x14];
	s22 =	simm.s32 $0x3800  }
0x90: {  	[tilespmem:s22], [sflag:$0x2] =	stream.linear.gather [hbm4b:s21+s11], $0x7D0, $0x38;
	[tilespmem:$0x1A300] =	vst v63  }
0x91: {  	_ =	swait.ge [sflag:s3], $0x7D0  }
0x92: {  	[sflag:s3] =	ssyncset.done $0x0  }
0x93: {  	[sflag:s3] =	ssyncadd.s32 $0xFFFFF830  }
0x94: {  	_ =	swait.ge [sflag:s3], $0x7D0  }
0x95: {  	[sflag:s3] =	ssyncset.done $0x0  }
0x96: {  	s31 =	simm.s32 $0x4000;
	[sflag:s3] =	ssyncadd.s32 $0xFFFFF830  }
0x97: {  	[tilespmem:s31], [sflag:$0x3] =	stream.indirect.gather [hbm4b:s9+s19], $0x1, s11, s19, $0xb8;
	[tilespmem:$0x1A300] =	vst v63  }
0x98: {  	s18 =	simm.s32 $0x4800  }
0x99: {  	[tilespmem:s18], [sflag:$0x3] =	stream.indirect.gather [hbm4b:s6+s19], $0x1, s11, s19, $0xb8;
	[tilespmem:$0x1A300] =	vst v63  }
0x9a: {  	s20 =	simm.s32 $0x5000  }
0x9b: {  	[tilespmem:s20], [sflag:$0x3] =	stream.indirect.gather [hbm4b:s0+s19], $0x1, s11, s19, $0xb8;
	[tilespmem:$0x1A300] =	vst v63  }
0x9c: {  	s21 =	simm.s32 $0x5800  }
0x9d: {  	[tilespmem:s21], [sflag:$0x3] =	stream.indirect.gather [hbm4b:s9+s19], $0x1, s23, s19, $0xb8;
	[tilespmem:$0x1A300] =	vst v63  }
.Ltmp2:
0x9e: {  	_ = 	snop;
	(pc) =	sbr.rel .LBB2_2-.Ltmp2, $4  }
0x9f: {  	s22 =	simm.s32 $0x6000  }
0xa0: {  	[tilespmem:s22], [sflag:$0x3] =	stream.indirect.gather [hbm4b:s6+s19], $0x1, s23, s19, $0xb8;
	[tilespmem:$0x1A300] =	vst v63  }
0xa1: {  	s30 =	simm.s32 $0x0;
	s31 =	simm.s32 $0x6800  }
0xa2: {  	[tilespmem:s31], [sflag:$0x3] =	stream.indirect.gather [hbm4b:s0+s19], $0x1, s23, s19, $0xb8;
	[tilespmem:$0x1A300] =	vst v63  }
.LBB2_15:
0xa3: {  	s30 =	sadd.s32 $0x1, s30  }
0xa4: {  	p0 =	sne.s32 s30, $0x19  }
.Ltmp3:
0xa5: {  	_ = 	snop;
	(pc) =	sbr.rel @!p0 .LBB2_16-.Ltmp3, $1  }
0xa6: {  	_ =	sdelay $0x3  }
.LBB2_2:
0xa7: {  	s31 =	sand.u32 $0x1, s30  }
0xa8: {  	p0 =	seq.s32 s31, $0x1  }
.Ltmp4:
0xa9: {  	_ = 	snop;
	(pc) =	sbr.rel @p0 .LBB2_10-.Ltmp4, $1  }
0xaa: {  	_ =	sdelay $0x3  }
0xab: {  	_ =	swait.ge [sflag:s2], $0x7D0  }
0xac: {  	[sflag:s2] =	ssyncset.done $0x0  }
0xad: {  	[sflag:s2] =	ssyncadd.s32 $0xFFFFF830  }
0xae: {  	_ =	swait.ge [sflag:s2], $0x7D0  }
0xaf: {  	[sflag:s2] =	ssyncset.done $0x0  }
0xb0: {  	[sflag:s2] =	ssyncadd.s32 $0xFFFFF830  }
0xb1: {  	_ =	swait.ge [sflag:s2], $0x7D0  }
0xb2: {  	[sflag:s2] =	ssyncset.done $0x0  }
0xb3: {  	[sflag:s2] =	ssyncadd.s32 $0xFFFFF830  }
0xb4: {  	_ =	swait.ge [sflag:s2], $0x7D0  }
0xb5: {  	[sflag:s2] =	ssyncset.done $0x0  }
0xb6: {  	[sflag:s2] =	ssyncadd.s32 $0xFFFFF830  }
0xb7: {  	_ =	swait.ge [sflag:s2], $0x7D0  }
0xb8: {  	[sflag:s2] =	ssyncset.done $0x0  }
0xb9: {  	[sflag:s2] =	ssyncadd.s32 $0xFFFFF830  }
0xba: {  	_ =	swait.ge [sflag:s2], $0x7D0  }
0xbb: {  	[sflag:s2] =	ssyncset.done $0x0  }
0xbc: {  	[sflag:s2] =	ssyncadd.s32 $0xFFFFF830  }
0xbd: {  	_ =	swait.ge [sflag:s4], $0x7D0  }
0xbe: {  	[sflag:s4] =	ssyncset.done $0x0  }
0xbf: {  	[sflag:s4] =	ssyncadd.s32 $0xFFFFF830  }
0xc0: {  	_ =	swait.ge [sflag:s4], $0x7D0  }
0xc1: {  	[sflag:s4] =	ssyncset.done $0x0  }
0xc2: {  	[sflag:s4] =	ssyncadd.s32 $0xFFFFF830  }
0xc3: {  	_ =	swait.ge [sflag:s4], $0x7D0  }
0xc4: {  	[sflag:s4] =	ssyncset.done $0x0  }
0xc5: {  	[sflag:s4] =	ssyncadd.s32 $0xFFFFF830  }
0xc6: {  	_ =	swait.ge [sflag:s4], $0x7D0  }
0xc7: {  	[sflag:s4] =	ssyncset.done $0x0  }
0xc8: {  	[sflag:s4] =	ssyncadd.s32 $0xFFFFF830  }
0xc9: {  	p0 =	seq.s32 s30, $0x0;
	_ =	swait.ge [sflag:s4], $0x7D0  }
.Ltmp5:
0xca: {  	[sflag:s4] =	ssyncset.done $0x0;
	(pc) =	sbr.rel @p0 .LBB2_6-.Ltmp5, $4  }
0xcb: {  	[sflag:s4] =	ssyncadd.s32 $0xFFFFF830  }
0xcc: {  	_ =	swait.ge [sflag:s4], $0x7D0  }
0xcd: {  	[sflag:s4] =	ssyncset.done $0x0  }
0xce: {  	[sflag:s4] =	ssyncadd.s32 $0xFFFFF830  }
0xcf: {  	p0 =	seq.s32 s30, $0x18  }
.Ltmp6:
0xd0: {  	_ = 	snop;
	(pc) =	sbr.rel @p0 .LBB2_7-.Ltmp6, $1  }
0xd1: {  	_ =	sdelay $0x3  }
0xd2: {  	_ =	swait.ge [sflag:s1], $0x7D0  }
0xd3: {  	[sflag:s1] =	ssyncset.done $0x0  }
0xd4: {  	[sflag:s1] =	ssyncadd.s32 $0xFFFFF830  }
0xd5: {  	_ =	swait.ge [sflag:s1], $0x7D0  }
0xd6: {  	[sflag:s1] =	ssyncset.done $0x0  }
0xd7: {  	[sflag:s1] =	ssyncadd.s32 $0xFFFFF830  }
0xd8: {  	_ =	swait.ge [sflag:s1], $0x7D0  }
0xd9: {  	[sflag:s1] =	ssyncset.done $0x0  }
0xda: {  	[sflag:s1] =	ssyncadd.s32 $0xFFFFF830  }
0xdb: {  	_ =	swait.ge [sflag:s1], $0x7D0  }
0xdc: {  	[sflag:s1] =	ssyncset.done $0x0  }
0xdd: {  	[sflag:s1] =	ssyncadd.s32 $0xFFFFF830  }
0xde: {  	_ =	swait.ge [sflag:s1], $0x7D0  }
0xdf: {  	[sflag:s1] =	ssyncset.done $0x0  }
0xe0: {  	[sflag:s1] =	ssyncadd.s32 $0xFFFFF830  }
0xe1: {  	_ =	swait.ge [sflag:s1], $0x7D0  }
0xe2: {  	[sflag:s1] =	ssyncset.done $0x0  }
0xe3: {  	[sflag:s1] =	ssyncadd.s32 $0xFFFFF830  }
.LBB2_6:
0xe4: {  	s17 =	smul.u32 $0x7D0, s30;
	_ =	sdelay $0x1  }
0xe5: {  	s17 =	sadd.s32 s17, s28  }
0xe6: {  	s17 =	sshrl.u32 s17, $0x3  }
0xe7: {  	s18 =	sadd.s32 s12, s17  }
0xe8: {  	[tilespmem:s29], [sflag:$0x5] =	stream.linear.gather [hbm4b:s18+s11], $0x7D0, $0x38;
	[tilespmem:$0x1A300] =	vst v63  }
0xe9: {  	s20 =	rddreg [dreg:$0x1];
	s22 =	sadd.s32 s13, s17  }
0xea: {  	[tilespmem:s16], [sflag:$0x5] =	stream.linear.gather [hbm4b:s22+s11], $0x7D0, $0x38;
	[tilespmem:$0x1A300] =	vst v63  }
0xeb: {  	s21 =	rddreg [dreg:$0x2];
	s18 =	sadd.s32 s20, s17;
	s20 =	simm.s32 $0xB000  }
0xec: {  	[tilespmem:s20], [sflag:$0x6] =	stream.linear.gather [hbm4b:s18+s11], $0x7D0, $0x38;
	[tilespmem:$0x1A300] =	vst v63  }
0xed: {  	s22 =	simm.s32 $0xB800;
	s18 =	sadd.s32 s21, s17;
	s21 =	rddreg [dreg:$0x3]  }
0xee: {  	[tilespmem:s22], [sflag:$0x6] =	stream.linear.gather [hbm4b:s18+s11], $0x7D0, $0x38;
	[tilespmem:$0x1A300] =	vst v63  }
0xef: {  	s18 =	sadd.s32 s21, s17;
	s22 =	simm.s32 $0xC000;
	s21 =	rddreg [dreg:$0x4]  }
0xf0: {  	[tilespmem:s22], [sflag:$0x6] =	stream.linear.gather [hbm4b:s18+s11], $0x7D0, $0x38;
	[tilespmem:$0x1A300] =	vst v63  }
0xf1: {  	s18 =	sadd.s32 s21, s17;
	s22 =	simm.s32 $0xC800  }
0xf2: {  	[tilespmem:s22], [sflag:$0x6] =	stream.linear.gather [hbm4b:s18+s11], $0x7D0, $0x38;
	[tilespmem:$0x1A300] =	vst v63  }
0xf3: {  	s21 =	sadd.s32 s14, s17;
	s22 =	simm.s32 $0xD000  }
0xf4: {  	[tilespmem:s22], [sflag:$0x6] =	stream.linear.gather [hbm4b:s21+s11], $0x7D0, $0x38;
	[tilespmem:$0x1A300] =	vst v63  }
0xf5: {  	s20 =	simm.s32 $0xD800;
	s17 =	sadd.s32 s15, s17  }
0xf6: {  	[tilespmem:s20], [sflag:$0x6] =	stream.linear.gather [hbm4b:s17+s11], $0x7D0, $0x38;
	[tilespmem:$0x1A300] =	vst v63  }
0xf7: {  	_ =	swait.ge [sflag:s5], $0x7D0  }
0xf8: {  	[sflag:s5] =	ssyncset.done $0x0  }
0xf9: {  	[sflag:s5] =	ssyncadd.s32 $0xFFFFF830  }
0xfa: {  	_ =	swait.ge [sflag:s5], $0x7D0  }
0xfb: {  	[sflag:s5] =	ssyncset.done $0x0  }
0xfc: {  	s21 =	simm.s32 $0xE000;
	[sflag:s5] =	ssyncadd.s32 $0xFFFFF830  }
0xfd: {  	[tilespmem:s21], [sflag:$0x7] =	stream.indirect.gather [hbm4b:s9+s19], $0x1, s29, s19, $0xb8;
	[tilespmem:$0x1A300] =	vst v63  }
0xfe: {  	s22 =	simm.s32 $0xE800  }
0xff: {  	[tilespmem:s22], [sflag:$0x7] =	stream.indirect.gather [hbm4b:s6+s19], $0x1, s29, s19, $0xb8;
	[tilespmem:$0x1A300] =	vst v63  }
0x100: {  	s18 =	simm.s32 $0xF000  }
0x101: {  	[tilespmem:s18], [sflag:$0x7] =	stream.indirect.gather [hbm4b:s0+s19], $0x1, s29, s19, $0xb8;
	[tilespmem:$0x1A300] =	vst v63  }
0x102: {  	s20 =	simm.s32 $0xF800  }
0x103: {  	[tilespmem:s20], [sflag:$0x7] =	stream.indirect.gather [hbm4b:s9+s19], $0x1, s16, s19, $0xb8;
	[tilespmem:$0x1A300] =	vst v63  }
0x104: {  	s21 =	simm.s32 $0x10000  }
0x105: {  	[tilespmem:s21], [sflag:$0x7] =	stream.indirect.gather [hbm4b:s6+s19], $0x1, s16, s19, $0xb8;
	[tilespmem:$0x1A300] =	vst v63  }
0x106: {  	s22 =	simm.s32 $0x10800  }
0x107: {  	[tilespmem:s22], [sflag:$0x7] =	stream.indirect.gather [hbm4b:s0+s19], $0x1, s16, s19, $0xb8;
	[tilespmem:$0x1A300] =	vst v63  }
.LBB2_7:
0x108: {  	s20 =	simm.s32 $0x0  }
0x109: {  	v2 =	vld [tilespmem:s20+$0x1010]  }
0x10a: {  	v3 =	vld [tilespmem:s20+$0x1000]  }
0x10b: {  	v4 =	vld [tilespmem:s20+$0x1800]  }
0x10c: {  	v5 =	vld [tilespmem:s20+$0x2800]  }
0x10d: {  	v6 =	vld [tilespmem:s20+$0x5010]  }
0x10e: {  	v7 =	vld [tilespmem:s20+$0x4010]  }
0x10f: {  	v8 =	vld [tilespmem:s20+$0x1810]  }
0x110: {  	v9 =	vld [tilespmem:s20+$0x2810]  }
0x111: {  	v10 =	vld [tilespmem:s20+$0x6010]  }
0x112: {  	v11 =	vld [tilespmem:s20+$0x5810]  }
0x113: {  	v13 =	vld [tilespmem:s20+$0x3010]  }
0x114: {  	v14 =	vld [tilespmem:s20+$0x3810]  }
0x115: {  	(erf) = vrcp.f32 v2;
	v2 =	vld [tilespmem:s20+$0x4810]  }
0x116: {  	v19 =	vld [tilespmem:s20+$0x5800]  }
0x117: {  	v23 =	vld [tilespmem:s20+$0x6800];
	v7 =	vmul.f32 v7, v0  }
0x118: {  	v11 =	vmul.f32 v11, v0;
	(erf) = vrcp.f32 v3;
	v3 =	vld [tilespmem:s20+$0x2010]  }
0x119: {  	v12 =	vld [tilespmem:s20+$0x6810];
	v9 =	vmul.f32 v9, v8;
	v10 =	vmul.f32 v10, v0  }
0x11a: {  	v5 =	vmul.f32 v5, v4;
	v7 =	vsub.f32 v7, v11;
	v2 =	vmul.f32 v2, v0  }
0x11b: {  	v6 =	vmul.f32 v6, v1;
	v19 =	vmul.f32 v19, v0;
	v11 =	vld [tilespmem:s20+$0x4000]  }
0x11c: {  	v23 =	vmul.f32 v23, v1;
	v18 =	vmul.f32 v14, v7;
	v2 =	vsub.f32 v2, v10  }
0x11d: {  	v7 =	vmul.f32 v13, v7;
	v3 =	vmul.f32 v3, v8  }
0x11e: {  	v16 =	vld [tilespmem:s20+$0x4800];
	v6 =	vsub.f32 $0.0e+00, v6;
	v10 =	vmul.f32 v12, v1;
	v15 =	vpop (erf);
	v8 =	vmul.f32 v2, v13  }
0x11f: {  	v21 =	vld [tilespmem:s20+$0x6000];
	v2 =	vmul.f32 v14, v2;
	v9 =	vmul.f32 v9, v15  }
0x120: {  	v26 =	vadd.f32 v6, v6;
	v11 =	vmul.f32 v11, v0;
	v10 =	vsub.f32 $0.0e+00, v10  }
0x121: {  	v20 =	vpop (erf);
	v3 =	vmul.f32 v3, v15;
	v2 =	vadd.f32 v2, v7;
	v12 =	vmul.f32 v9, v15  }
0x122: {  	v22 =	vadd.f32 v10, v6;
	v5 =	vmul.f32 v5, v20;
	v6 =	vmul.f32 $4.000000000e+00, v6  }
0x123: {  	v8 =	vsub.f32 v8, v18;
	v18 =	vld [tilespmem:s20+$0x5000];
	v2 =	vmul.f32 v3, v2;
	v17 =	vmul.f32 v12, v15  }
0x124: {  	v3 =	vmul.f32 v16, v0;
	v16 =	vmul.f32 v21, v0;
	v21 =	vld [tilespmem:s20+$0x2000]  }
0x125: {  	v23 =	vsub.f32 $0.0e+00, v23;
	v12 =	vmul.f32 $6.000000000e+00, v12;
	v15 =	vld [tilespmem:s20+$0x3000];
	v17 =	vmul.f32 $1.200000000e+01, v17  }
0x126: {  	v3 =	vsub.f32 v3, v16;
	v16 =	vadd.f32 v10, v10;
	v10 =	vmul.f32 $4.000000000e+00, v10  }
0x127: {  	v11 =	vsub.f32 v11, v19;
	v7 =	vmul.f32 v17, v8;
	v17 =	vmul.f32 v12, v22;
	v22 =	vld [tilespmem:s20+$0x3800]  }
0x128: {  	v19 =	vmul.f32 v2, v14;
	v2 =	vmul.f32 v2, v13;
	v6 =	vadd.f32 v16, v6  }
0x129: {  	v18 =	vmul.f32 v18, v1;
	v10 =	vadd.f32 v10, v26;
	v4 =	vmul.f32 v21, v4  }
0x12a: {  	v28 =	vmul.f32 v3, v15;
	v6 =	vmul.f32 v9, v6;
	v7 =	vadd.f32 v7, v17  }
0x12b: {  	v18 =	vsub.f32 $0.0e+00, v18;
	v9 =	vmul.f32 v9, v10;
	v17 =	vmul.f32 v5, v20  }
0x12c: {  	v24 =	vmul.f32 v7, v13;
	v27 =	vmul.f32 v22, v11  }
0x12d: {  	s17 =	simm.s32 $0x20;
	v21 =	vadd.f32 v23, v18;
	v25 =	vmul.f32 v17, v20;
	v17 =	vmul.f32 $6.000000000e+00, v17  }
0x12e: {  	v11 =	vmul.f32 v15, v11;
	v3 =	vmul.f32 v22, v3;
	v27 =	vsub.f32 v28, v27;
	v28 =	vld [tilespmem:s17+$0x1010]  }
0x12f: {  	v29 =	vld [tilespmem:s17+$0x1000];
	v4 =	vmul.f32 v4, v20;
	v25 =	vmul.f32 $1.200000000e+01, v25;
	v19 =	vadd.f32 v24, v19  }
0x130: {  	v16 =	vld [tilespmem:s17+$0x6010];
	v24 =	vmul.f32 $4.000000000e+00, v18;
	v3 =	vadd.f32 v3, v11;
	v11 =	vmul.f32 v17, v21  }
0x131: {  	v10 =	vld [tilespmem:s17+$0x2010];
	v21 =	vmul.f32 $4.000000000e+00, v23;
	v23 =	vadd.f32 v23, v23;
	v25 =	vmul.f32 v25, v27  }
0x132: {  	v7 =	vmul.f32 v7, v14;
	v14 =	vld [tilespmem:s17+$0x4010];
	v18 =	vadd.f32 v18, v18;
	v3 =	vmul.f32 v4, v3  }
0x133: {  	v23 =	vadd.f32 v23, v24;
	v24 =	vld [tilespmem:s17+$0x1810];
	v4 =	vadd.f32 v25, v11;
	(erf) = vrcp.f32 v28  }
0x134: {  	v8 =	vmul.f32 v12, v8;
	v12 =	vmul.f32 v3, v15;
	v28 =	vld [tilespmem:s17+$0x4810]  }
0x135: {  	v18 =	vadd.f32 v21, v18;
	v25 =	vmul.f32 v4, v22;
	v4 =	vmul.f32 v4, v15;
	v15 =	vld [tilespmem:s17+$0x2810]  }
0x136: {  	v17 =	vmul.f32 v17, v27;
	v3 =	vmul.f32 v3, v22;
	v22 =	vld [tilespmem:s17+$0x5810]  }
0x137: {  	v11 =	vld [tilespmem:s17+$0x5010];
	v13 =	vmul.f32 v5, v23;
	v5 =	vmul.f32 v5, v18  }
0x138: {  	(erf) = vrcp.f32 v29;
	v18 =	vsub.f32 v12, v25;
	v23 =	vadd.f32 v4, v3;
	v12 =	vld [tilespmem:s17+$0x6810]  }
0x139: {  	v25 =	vadd.f32 v17, v13;
	v13 =	vmul.f32 v14, v0;
	v3 =	vld [tilespmem:s17+$0x3010];
	v14 =	vmul.f32 v28, v0  }
0x13a: {  	v26 =	vsub.f32 v2, v7;
	v7 =	vld [tilespmem:s17+$0x3810];
	v2 =	vmul.f32 v15, v24;
	v15 =	vmul.f32 v16, v0  }
0x13b: {  	v30 =	vld [tilespmem:s17+$0x1800];
	v4 =	vadd.f32 v17, v5;
	v5 =	vadd.f32 v8, v6;
	v6 =	vmul.f32 v22, v0  }
0x13c: {  	v31 =	vld [tilespmem:s17+$0x2800];
	v20 =	vsub.f32 $0.0e+00, v19;
	v11 =	vmul.f32 v11, v1;
	v14 =	vsub.f32 v14, v15;
	v16 =	vpop (erf)  }
0x13d: {  	v10 =	vmul.f32 v10, v24;
	v13 =	vsub.f32 v13, v6;
	v2 =	vmul.f32 v2, v16  }
0x13e: {  	v17 =	vmul.f32 v12, v1;
	v12 =	vsub.f32 $0.0e+00, v11;
	v24 =	vmul.f32 v14, v3  }
0x13f: {  	v27 =	vld [tilespmem:s17+$0x5800];
	v6 =	vadd.f32 v8, v9;
	v8 =	vmul.f32 v7, v13;
	v15 =	vmul.f32 v2, v16  }
0x140: {  	v29 =	vld [tilespmem:s17+$0x6000];
	v11 =	vsub.f32 $0.0e+00, v17;
	v13 =	vmul.f32 v3, v13;
	v14 =	vmul.f32 v7, v14  }
0x141: {  	v21 =	vmul.f32 v31, v30;
	v31 =	vsub.f32 $0.0e+00, v18;
	v22 =	vld [tilespmem:s17+$0x4000];
	v9 =	vmul.f32 v15, v16  }
0x142: {  	v17 =	vld [tilespmem:s17+$0x4800];
	v10 =	vmul.f32 v10, v16;
	v28 =	vadd.f32 v11, v12;
	v13 =	vadd.f32 v14, v13  }
0x143: {  	v8 =	vsub.f32 v24, v8;
	v16 =	vpop (erf);
	v24 =	vmul.f32 $1.200000000e+01, v9;
	v9 =	vmul.f32 $6.000000000e+00, v15  }
0x144: {  	v33 =	vld [tilespmem:s17+$0x5000];
	v32 =	vsub.f32 $0.0e+00, v23;
	v15 =	vmul.f32 v10, v13;
	v10 =	vmul.f32 v21, v16  }
0x145: {  	v34 =	vld [tilespmem:s17+$0x6800];
	[tilespmem:s20+$0x7810] =	vst v19;
	v25 =	vsub.f32 $0.0e+00, v25;
	v14 =	vmul.f32 v24, v8;
	v24 =	vmul.f32 v9, v28  }
0x146: {  	[tilespmem:s20+$0x7000] =	vst v18;
	v18 =	vadd.f32 v12, v12;
	v13 =	vld [tilespmem:s17+$0x3800];
	v21 =	vmul.f32 v22, v0;
	v22 =	vmul.f32 v27, v0  }
0x147: {  	[tilespmem:s20+$0x9010] =	vst v20;
	v17 =	vmul.f32 v17, v0;
	v20 =	vadd.f32 v14, v24;
	v14 =	vld [tilespmem:s17+$0x3000];
	v24 =	vmul.f32 v29, v0  }
0x148: {  	[tilespmem:s20+$0x7010] =	vst v26;
	v19 =	vadd.f32 v11, v11;
	v22 =	vsub.f32 v21, v22;
	v21 =	vmul.f32 v10, v16  }
0x149: {  	[tilespmem:s20+$0x7800] =	vst v23;
	v23 =	vmul.f32 v15, v7;
	v17 =	vsub.f32 v17, v24;
	v24 =	vmul.f32 v20, v3  }
0x14a: {  	[tilespmem:s20+$0x8800] =	vst v31;
	v27 =	vmul.f32 v33, v1;
	v28 =	vsub.f32 $0.0e+00, v26;
	v26 =	vld [tilespmem:s17+$0x2000];
	v29 =	vmul.f32 v34, v1  }
0x14b: {  	[tilespmem:s20+$0x9000] =	vst v32;
	v31 =	vmul.f32 v21, v16;
	v21 =	vmul.f32 $6.000000000e+00, v21;
	v61 =	vadd.f32 v24, v23  }
0x14c: {  	[tilespmem:s20+$0x8000] =	vst v25;
	v62 =	vmul.f32 v13, v22;
	v24 =	vsub.f32 $0.0e+00, v27;
	v63 =	vmul.f32 v17, v14  }
0x14d: {  	[tilespmem:s20+$0x8810] =	vst v28;
	v25 =	vmul.f32 $1.200000000e+01, v31;
	v23 =	vsub.f32 $0.0e+00, v29;
	v31 =	vsub.f32 $0.0e+00, v61  }
0x14e: {  	v29 =	vmul.f32 v13, v17;
	v28 =	vmul.f32 v14, v22;
	[tilespmem:s17+$0x7810] =	vst v61;
	v22 =	vsub.f32 v63, v62  }
0x14f: {  	s18 =	simm.s32 $0x2;
	s21 =	simm.s32 $0x100;
	v26 =	vmul.f32 v26, v30;
	v27 =	vadd.f32 v23, v24;
	v17 =	vmul.f32 $4.000000000e+00, v24;
	[tilespmem:s17+$0x9010] =	vst v31  }
.LBB2_8:
0x150: {  	s22 =	sshra.s32 s21, $0x2;
	s18 =	sadd.s32 $0x2, s18;
	v28 =	vadd.f32 v29, v28;
	v25 =	vmul.f32 v25, v22;
	v29 =	vadd.f32 v23, v23  }
0x151: {  	v24 =	vadd.f32 v24, v24;
	v30 =	vld [tilespmem:s22+$0x1010];
	p0 =	slt.u32 s18, $0x7A;
	v16 =	vmul.f32 v26, v16;
	v26 =	vmul.f32 v21, v27  }
0x152: {  	v23 =	vmul.f32 $4.000000000e+00, v23;
	v12 =	vmul.f32 $4.000000000e+00, v12;
	v27 =	vld [tilespmem:s22+$0x1000];
	v29 =	vadd.f32 v29, v17  }
0x153: {  	v11 =	vmul.f32 $4.000000000e+00, v11;
	v17 =	vld [tilespmem:s22+$0x1800];
	v16 =	vmul.f32 v16, v28;
	v25 =	vadd.f32 v25, v26  }
0x154: {  	v7 =	vmul.f32 v20, v7;
	v23 =	vadd.f32 v23, v24;
	v12 =	vadd.f32 v19, v12;
	v26 =	vld [tilespmem:s22+$0x2800]  }
0x155: {  	v11 =	vadd.f32 v11, v18;
	v19 =	vld [tilespmem:s22+$0x5010];
	v20 =	vmul.f32 v25, v13;
	v24 =	vmul.f32 v25, v14  }
0x156: {  	v4 =	vsub.f32 $0.0e+00, v4;
	v21 =	vmul.f32 v21, v22;
	v18 =	vld [tilespmem:s22+$0x4010];
	(erf) = vrcp.f32 v30  }
0x157: {  	v8 =	vmul.f32 v9, v8;
	v5 =	vsub.f32 $0.0e+00, v5;
	v22 =	vld [tilespmem:s22+$0x4810];
	(erf) = vrcp.f32 v27  }
0x158: {  	v14 =	vmul.f32 v16, v14;
	v13 =	vmul.f32 v16, v13;
	v9 =	vld [tilespmem:s22+$0x1810];
	[tilespmem:s20+$0x9800] =	vst v4;
	v4 =	vsub.f32 $0.0e+00, v6  }
0x159: {  	v3 =	vmul.f32 v15, v3;
	v25 =	vmul.f32 v26, v17;
	v6 =	vld [tilespmem:s22+$0x2810];
	[tilespmem:s20+$0x8010] =	vst v5  }
0x15a: {  	v14 =	vsub.f32 v14, v20;
	v5 =	vmul.f32 v10, v29;
	v10 =	vmul.f32 v10, v23;
	v15 =	vld [tilespmem:s22+$0x6010];
	[tilespmem:s20+$0x9810] =	vst v4;
	s20 =	smov.u32 s17;
	s17 =	smov.u32 s22  }
0x15b: {  	v12 =	vmul.f32 v2, v12;
	v2 =	vmul.f32 v2, v11;
	v13 =	vadd.f32 v24, v13;
	v16 =	vld [tilespmem:s17+$0x5810]  }
0x15c: {  	v20 =	vsub.f32 v3, v7;
	v23 =	vadd.f32 v21, v5;
	v11 =	vld [tilespmem:s17+$0x6810];
	[tilespmem:s20+$0x7000] =	vst v14  }
0x15d: {  	v4 =	vadd.f32 v21, v10;
	v5 =	vadd.f32 v8, v12;
	v24 =	vld [tilespmem:s17+$0x2010];
	[tilespmem:s20+$0x7800] =	vst v13  }
0x15e: {  	v10 =	vmul.f32 v18, v0;
	v3 =	vld [tilespmem:s17+$0x3010];
	v12 =	vmul.f32 v6, v9;
	v6 =	vadd.f32 v8, v2;
	[tilespmem:s20+$0x7010] =	vst v20  }
0x15f: {  	v14 =	vsub.f32 $0.0e+00, v14;
	v8 =	vmul.f32 v22, v0;
	v15 =	vmul.f32 v15, v0;
	v7 =	vld [tilespmem:s17+$0x3810];
	v18 =	vpop (erf)  }
0x160: {  	v21 =	vld [tilespmem:s17+$0x4000];
	v22 =	vmul.f32 v16, v0;
	v2 =	vmul.f32 v12, v18;
	v16 =	vpop (erf);
	v12 =	vsub.f32 $0.0e+00, v13  }
0x161: {  	v13 =	vmul.f32 v19, v1;
	v26 =	vld [tilespmem:s17+$0x4800];
	v11 =	vmul.f32 v11, v1;
	v8 =	vsub.f32 v8, v15;
	[tilespmem:s20+$0x8800] =	vst v14  }
0x162: {  	v15 =	vld [tilespmem:s17+$0x5800];
	v19 =	vmul.f32 v24, v9;
	v9 =	vmul.f32 v2, v18;
	v10 =	vsub.f32 v10, v22;
	[tilespmem:s20+$0x9000] =	vst v12  }
0x163: {  	v12 =	vsub.f32 $0.0e+00, v13;
	v22 =	vld [tilespmem:s17+$0x6000];
	v24 =	vmul.f32 v8, v3;
	v11 =	vsub.f32 $0.0e+00, v11  }
0x164: {  	v20 =	vsub.f32 $0.0e+00, v20;
	v27 =	vld [tilespmem:s17+$0x5000];
	v13 =	vmul.f32 v9, v18;
	v28 =	vmul.f32 v7, v10  }
0x165: {  	v30 =	vmul.f32 v3, v10;
	v31 =	vmul.f32 v7, v8;
	v29 =	vld [tilespmem:s17+$0x6800];
	v32 =	vadd.f32 v11, v12  }
0x166: {  	v9 =	vmul.f32 $6.000000000e+00, v9;
	v14 =	vld [tilespmem:s17+$0x3000];
	v8 =	vsub.f32 v24, v28;
	v24 =	vmul.f32 $1.200000000e+01, v13;
	[tilespmem:s20+$0x8810] =	vst v20  }
0x167: {  	v10 =	vmul.f32 v25, v16;
	v20 =	vmul.f32 v19, v18;
	v19 =	vadd.f32 v11, v11;
	v13 =	vld [tilespmem:s17+$0x3800]  }
0x168: {  	v25 =	vadd.f32 v31, v30;
	v28 =	vmul.f32 v9, v32;
	v33 =	vld [tilespmem:s17+$0x2000];
	v24 =	vmul.f32 v24, v8  }
0x169: {  	v21 =	vmul.f32 v21, v0;
	v26 =	vmul.f32 v26, v0;
	v18 =	vadd.f32 v12, v12  }
0x16a: {  	v30 =	vmul.f32 v15, v0;
	v15 =	vmul.f32 v20, v25;
	v20 =	vadd.f32 v24, v28  }
0x16b: {  	v23 =	vsub.f32 $0.0e+00, v23;
	v22 =	vmul.f32 v22, v0;
	v28 =	vmul.f32 v10, v16  }
0x16c: {  	v30 =	vsub.f32 v21, v30;
	v21 =	vmul.f32 v15, v7;
	v24 =	vmul.f32 v20, v3  }
0x16d: {  	v25 =	vmul.f32 v27, v1;
	v27 =	vmul.f32 v29, v1;
	v22 =	vsub.f32 v26, v22;
	[tilespmem:s20+$0x8000] =	vst v23  }
.Ltmp7:
0x16e: {  	v26 =	vmul.f32 v28, v16;
	v31 =	vmul.f32 v13, v30;
	v29 =	vadd.f32 v24, v21;
	(pc) =	sbr.rel @p0 .LBB2_8-.Ltmp7, $4  }
0x16f: {  	v32 =	vmul.f32 v22, v14;
	v23 =	vsub.f32 $0.0e+00, v27;
	v24 =	vsub.f32 $0.0e+00, v25  }
0x170: {  	v25 =	vmul.f32 $1.200000000e+01, v26;
	v21 =	vmul.f32 $6.000000000e+00, v28;
	[tilespmem:s17+$0x7810] =	vst v29;
	v34 =	vsub.f32 $0.0e+00, v29  }
0x171: {  	v28 =	vmul.f32 v14, v30;
	v29 =	vmul.f32 v13, v22;
	v22 =	vsub.f32 v32, v31  }
0x172: {  	s21 =	sadd.s32 $0x80, s21;
	v26 =	vmul.f32 v33, v17;
	v27 =	vadd.f32 v23, v24;
	v17 =	vmul.f32 $4.000000000e+00, v24;
	[tilespmem:s17+$0x9010] =	vst v34  }
0x173: {  	v28 =	vadd.f32 v29, v28;
	v25 =	vmul.f32 v25, v22;
	v58 =	vadd.f32 v23, v23  }
0x174: {  	v24 =	vadd.f32 v24, v24;
	v60 =	vmul.f32 $4.000000000e+00, v23;
	v12 =	vmul.f32 $4.000000000e+00, v12  }
0x175: {  	v11 =	vmul.f32 $4.000000000e+00, v11;
	v4 =	vsub.f32 $0.0e+00, v4;
	v3 =	vmul.f32 v15, v3  }
0x176: {  	v5 =	vsub.f32 $0.0e+00, v5;
	v30 =	vmul.f32 v21, v22;
	v59 =	vmul.f32 v21, v27  }
0x177: {  	v32 =	vmul.f32 v9, v8;
	v16 =	vmul.f32 v26, v16;
	v17 =	vadd.f32 v58, v17  }
0x178: {  	v26 =	vmul.f32 v20, v7;
	v23 =	vadd.f32 v60, v24;
	v25 =	vadd.f32 v25, v59  }
0x179: {  	v12 =	vadd.f32 v19, v12;
	v16 =	vmul.f32 v16, v28;
	v28 =	vadd.f32 v11, v18  }
0x17a: {  	[tilespmem:s20+$0x9800] =	vst v4;
	v3 =	vsub.f32 v3, v26;
	v31 =	vmul.f32 v10, v17;
	v61 =	vmul.f32 v25, v13  }
0x17b: {  	[tilespmem:s20+$0x8010] =	vst v5;
	v62 =	vmul.f32 v16, v14;
	v63 =	vmul.f32 v25, v14;
	v25 =	vsub.f32 $0.0e+00, v6  }
0x17c: {  	v33 =	vmul.f32 v10, v23;
	v16 =	vmul.f32 v16, v13;
	[tilespmem:s17+$0x7010] =	vst v3;
	v3 =	vsub.f32 $0.0e+00, v3  }
0x17d: {  	v34 =	vmul.f32 v2, v12;
	v35 =	vadd.f32 v30, v31;
	v27 =	vsub.f32 v62, v61;
	[tilespmem:s20+$0x9810] =	vst v25  }
0x17e: {  	v36 =	vadd.f32 v30, v33;
	v29 =	vadd.f32 v63, v16;
	[tilespmem:s17+$0x8810] =	vst v3  }
0x17f: {  	v37 =	vadd.f32 v32, v34;
	v38 =	vsub.f32 $0.0e+00, v35;
	[tilespmem:s17+$0x7000] =	vst v27  }
0x180: {  	v2 =	vmul.f32 v2, v28;
	v3 =	vsub.f32 $0.0e+00, v36;
	[tilespmem:s17+$0x7800] =	vst v29  }
0x181: {  	v39 =	vsub.f32 $0.0e+00, v37;
	[tilespmem:s17+$0x8000] =	vst v38  }
0x182: {  	v2 =	vadd.f32 v32, v2;
	v5 =	vsub.f32 $0.0e+00, v27;
	[tilespmem:s17+$0x9800] =	vst v3  }
0x183: {  	v4 =	vsub.f32 $0.0e+00, v29;
	[tilespmem:s17+$0x8010] =	vst v39  }
0x184: {  	v2 =	vsub.f32 $0.0e+00, v2;
	[tilespmem:s17+$0x8800] =	vst v5  }
0x185: {  	[tilespmem:s17+$0x9000] =	vst v4  }
0x186: {  	[tilespmem:s17+$0x9810] =	vst v2  }
0x187: {  	v2 =	vld [tilespmem:$0x17C0];
	_ =	sdelay $0x2  }
0x188: {  	v3 =	vld [tilespmem:$0x47C0]  }
0x189: {  	v4 =	vld [tilespmem:$0x4FC0]  }
0x18a: {  	v40 =	vld [tilespmem:$0x57C0];
	(erf) = vrcp.f32 v2  }
0x18b: {  	v41 =	vld [tilespmem:$0x1FC0]  }
0x18c: {  	v42 =	vld [tilespmem:$0x2FC0]  }
0x18d: {  	v43 =	vld [tilespmem:$0x67C0]  }
0x18e: {  	v2 =	vld [tilespmem:$0x5FC0];
	_ =	sdelay $0x1  }
0x18f: {  	v44 =	vld [tilespmem:$0x6FC0]  }
0x190: {  	v46 =	vld [tilespmem:$0x27C0];
	v3 =	vmul.f32 v3, v0;
	v4 =	vmul.f32 v4, v0  }
0x191: {  	v45 =	vld [tilespmem:$0x37C0];
	v7 =	vmul.f32 v42, v41;
	v5 =	vmul.f32 v40, v1  }
0x192: {  	v47 =	vld [tilespmem:$0x3FC0];
	v8 =	vmul.f32 v43, v0;
	v2 =	vmul.f32 v2, v0;
	v48 =	vpop (erf)  }
0x193: {  	v5 =	vsub.f32 $0.0e+00, v5;
	v7 =	vmul.f32 v7, v48  }
0x194: {  	v9 =	vmul.f32 v44, v1;
	v2 =	vsub.f32 v3, v2;
	v3 =	vsub.f32 v4, v8  }
0x195: {  	v49 =	vmul.f32 v46, v41;
	v50 =	vmul.f32 v7, v48  }
0x196: {  	v9 =	vsub.f32 $0.0e+00, v9;
	v55 =	vmul.f32 $4.000000000e+00, v5;
	v8 =	vmul.f32 v3, v45  }
0x197: {  	v51 =	vmul.f32 v47, v2;
	v52 =	vmul.f32 v50, v48  }
0x198: {  	v54 =	vadd.f32 v9, v5;
	v2 =	vmul.f32 v45, v2;
	v3 =	vmul.f32 v47, v3  }
0x199: {  	v8 =	vsub.f32 v8, v51;
	v6 =	vmul.f32 $6.000000000e+00, v50;
	v53 =	vmul.f32 $1.200000000e+01, v52  }
0x19a: {  	v56 =	vadd.f32 v9, v9;
	v4 =	vmul.f32 v49, v48;
	v2 =	vadd.f32 v3, v2  }
0x19b: {  	v57 =	vmul.f32 v6, v54;
	v3 =	vmul.f32 v53, v8  }
0x19c: {  	v13 =	vadd.f32 v56, v55;
	v2 =	vmul.f32 v4, v2  }
0x19d: {  	v60 =	vmul.f32 $4.000000000e+00, v9;
	v3 =	vadd.f32 v3, v57  }
0x19e: {  	v5 =	vadd.f32 v5, v5;
	v59 =	vmul.f32 v7, v13;
	v61 =	vmul.f32 v2, v45  }
0x19f: {  	v58 =	vmul.f32 v6, v8;
	v11 =	vmul.f32 v3, v47  }
0x1a0: {  	v5 =	vadd.f32 v60, v5;
	v2 =	vmul.f32 v2, v47;
	v3 =	vmul.f32 v3, v45  }
0x1a1: {  	v6 =	vadd.f32 v58, v59;
	v62 =	vsub.f32 v61, v11  }
0x1a2: {  	v5 =	vmul.f32 v7, v5;
	v2 =	vadd.f32 v3, v2  }
0x1a3: {  	v3 =	vsub.f32 $0.0e+00, v6;
	[tilespmem:$0x77C0] =	vst v62  }
0x1a4: {  	v4 =	vadd.f32 v58, v5;
	[tilespmem:$0x7FC0] =	vst v2;
	v63 =	vsub.f32 $0.0e+00, v62  }
0x1a5: {  	[tilespmem:$0x87C0] =	vst v3;
	v2 =	vsub.f32 $0.0e+00, v2  }
0x1a6: {  	v3 =	vsub.f32 $0.0e+00, v4;
	[tilespmem:$0x8FC0] =	vst v63  }
0x1a7: {  	[tilespmem:$0x97C0] =	vst v2  }
0x1a8: {  	s21 =	simm.s32 $0x7000;
	[tilespmem:$0x9FC0] =	vst v3  }
0x1a9: {  	[spmem:s7] =	stream.indirect.scatter.add.f32 [tilespmem:s21], [sflag:$0x4], $0x1, s11, s19, $0xb8;
	[tilespmem:$0x1A300] =	vst v63  }
0x1aa: {  	s22 =	simm.s32 $0x7800  }
0x1ab: {  	[spmem:s8] =	stream.indirect.scatter.add.f32 [tilespmem:s22], [sflag:$0x4], $0x1, s11, s19, $0xb8;
	[tilespmem:$0x1A300] =	vst v63  }
0x1ac: {  	s18 =	simm.s32 $0x8000  }
0x1ad: {  	[spmem:s10] =	stream.indirect.scatter.add.f32 [tilespmem:s18], [sflag:$0x4], $0x1, s11, s19, $0xb8;
	[tilespmem:$0x1A300] =	vst v63  }
0x1ae: {  	p0 =	seq.s32 s31, $0x0;
	s20 =	simm.s32 $0x8800  }
0x1af: {  	[spmem:s7] =	stream.indirect.scatter.add.f32 [tilespmem:s20], [sflag:$0x4], $0x1, s23, s19, $0xb8;
	[tilespmem:$0x1A300] =	vst v63  }
.Ltmp8:
0x1b0: {  	_ = 	snop;
	(pc) =	sbr.rel @p0 .LBB2_15-.Ltmp8, $4  }
0x1b1: {  	s21 =	simm.s32 $0x9000  }
0x1b2: {  	[spmem:s8] =	stream.indirect.scatter.add.f32 [tilespmem:s21], [sflag:$0x4], $0x1, s23, s19, $0xb8;
	[tilespmem:$0x1A300] =	vst v63  }
0x1b3: {  	s22 =	simm.s32 $0x9800  }
0x1b4: {  	[spmem:s10] =	stream.indirect.scatter.add.f32 [tilespmem:s22], [sflag:$0x4], $0x1, s23, s19, $0xb8;
	[tilespmem:$0x1A300] =	vst v63  }
.LBB2_10:
0x1b5: {  	_ =	swait.ge [sflag:s25], $0x7D0  }
0x1b6: {  	[sflag:s25] =	ssyncset.done $0x0  }
0x1b7: {  	[sflag:s25] =	ssyncadd.s32 $0xFFFFF830  }
0x1b8: {  	_ =	swait.ge [sflag:s25], $0x7D0  }
0x1b9: {  	[sflag:s25] =	ssyncset.done $0x0  }
0x1ba: {  	[sflag:s25] =	ssyncadd.s32 $0xFFFFF830  }
0x1bb: {  	_ =	swait.ge [sflag:s25], $0x7D0  }
0x1bc: {  	[sflag:s25] =	ssyncset.done $0x0  }
0x1bd: {  	[sflag:s25] =	ssyncadd.s32 $0xFFFFF830  }
0x1be: {  	_ =	swait.ge [sflag:s25], $0x7D0  }
0x1bf: {  	[sflag:s25] =	ssyncset.done $0x0  }
0x1c0: {  	[sflag:s25] =	ssyncadd.s32 $0xFFFFF830  }
0x1c1: {  	_ =	swait.ge [sflag:s25], $0x7D0  }
0x1c2: {  	[sflag:s25] =	ssyncset.done $0x0  }
0x1c3: {  	[sflag:s25] =	ssyncadd.s32 $0xFFFFF830  }
0x1c4: {  	_ =	swait.ge [sflag:s25], $0x7D0  }
0x1c5: {  	[sflag:s25] =	ssyncset.done $0x0  }
0x1c6: {  	[sflag:s25] =	ssyncadd.s32 $0xFFFFF830  }
0x1c7: {  	_ =	swait.ge [sflag:s26], $0x7D0  }
0x1c8: {  	[sflag:s26] =	ssyncset.done $0x0  }
0x1c9: {  	[sflag:s26] =	ssyncadd.s32 $0xFFFFF830  }
0x1ca: {  	_ =	swait.ge [sflag:s26], $0x7D0  }
0x1cb: {  	[sflag:s26] =	ssyncset.done $0x0  }
0x1cc: {  	[sflag:s26] =	ssyncadd.s32 $0xFFFFF830  }
0x1cd: {  	_ =	swait.ge [sflag:s26], $0x7D0  }
0x1ce: {  	[sflag:s26] =	ssyncset.done $0x0  }
0x1cf: {  	[sflag:s26] =	ssyncadd.s32 $0xFFFFF830  }
0x1d0: {  	_ =	swait.ge [sflag:s26], $0x7D0  }
0x1d1: {  	[sflag:s26] =	ssyncset.done $0x0  }
0x1d2: {  	[sflag:s26] =	ssyncadd.s32 $0xFFFFF830  }
0x1d3: {  	p0 =	seq.s32 s30, $0x18;
	_ =	swait.ge [sflag:s26], $0x7D0  }
.Ltmp9:
0x1d4: {  	[sflag:s26] =	ssyncset.done $0x0;
	(pc) =	sbr.rel @p0 .LBB2_12-.Ltmp9, $4  }
0x1d5: {  	[sflag:s26] =	ssyncadd.s32 $0xFFFFF830  }
0x1d6: {  	_ =	swait.ge [sflag:s26], $0x7D0  }
0x1d7: {  	[sflag:s26] =	ssyncset.done $0x0  }
0x1d8: {  	[sflag:s26] =	ssyncadd.s32 $0xFFFFF830  }
0x1d9: {  	_ =	swait.ge [sflag:s24], $0x7D0  }
0x1da: {  	[sflag:s24] =	ssyncset.done $0x0  }
0x1db: {  	[sflag:s24] =	ssyncadd.s32 $0xFFFFF830  }
0x1dc: {  	_ =	swait.ge [sflag:s24], $0x7D0  }
0x1dd: {  	[sflag:s24] =	ssyncset.done $0x0  }
0x1de: {  	[sflag:s24] =	ssyncadd.s32 $0xFFFFF830  }
0x1df: {  	_ =	swait.ge [sflag:s24], $0x7D0  }
0x1e0: {  	[sflag:s24] =	ssyncset.done $0x0  }
0x1e1: {  	[sflag:s24] =	ssyncadd.s32 $0xFFFFF830  }
0x1e2: {  	_ =	swait.ge [sflag:s24], $0x7D0  }
0x1e3: {  	[sflag:s24] =	ssyncset.done $0x0  }
0x1e4: {  	[sflag:s24] =	ssyncadd.s32 $0xFFFFF830  }
0x1e5: {  	_ =	swait.ge [sflag:s24], $0x7D0  }
0x1e6: {  	s17 =	smul.u32 $0x7D0, s30;
	[sflag:s24] =	ssyncset.done $0x0  }
0x1e7: {  	[sflag:s24] =	ssyncadd.s32 $0xFFFFF830  }
0x1e8: {  	s17 =	sadd.s32 s17, s28;
	_ =	swait.ge [sflag:s24], $0x7D0  }
0x1e9: {  	s17 =	sshrl.u32 s17, $0x3;
	[sflag:s24] =	ssyncset.done $0x0  }
0x1ea: {  	s18 =	sadd.s32 s12, s17;
	[sflag:s24] =	ssyncadd.s32 $0xFFFFF830  }
0x1eb: {  	[tilespmem:s11], [sflag:$0x1] =	stream.linear.gather [hbm4b:s18+s11], $0x7D0, $0x38;
	[tilespmem:$0x1A300] =	vst v63  }
0x1ec: {  	s20 =	sadd.s32 s13, s17;
	s21 =	rddreg [dreg:$0x1]  }
0x1ed: {  	[tilespmem:s23], [sflag:$0x1] =	stream.linear.gather [hbm4b:s20+s11], $0x7D0, $0x38;
	[tilespmem:$0x1A300] =	vst v63  }
0x1ee: {  	s22 =	rddreg [dreg:$0x2];
	s18 =	sadd.s32 s21, s17;
	s20 =	simm.s32 $0x1000  }
0x1ef: {  	[tilespmem:s20], [sflag:$0x2] =	stream.linear.gather [hbm4b:s18+s11], $0x7D0, $0x38;
	[tilespmem:$0x1A300] =	vst v63  }
0x1f0: {  	s31 =	simm.s32 $0x1800;
	s18 =	sadd.s32 s22, s17;
	s20 =	rddreg [dreg:$0x3]  }
0x1f1: {  	[tilespmem:s31], [sflag:$0x2] =	stream.linear.gather [hbm4b:s18+s11], $0x7D0, $0x38;
	[tilespmem:$0x1A300] =	vst v63  }
0x1f2: {  	s21 =	simm.s32 $0x2000;
	s22 =	rddreg [dreg:$0x4];
	s18 =	sadd.s32 s20, s17  }
0x1f3: {  	[tilespmem:s21], [sflag:$0x2] =	stream.linear.gather [hbm4b:s18+s11], $0x7D0, $0x38;
	[tilespmem:$0x1A300] =	vst v63  }
0x1f4: {  	s31 =	simm.s32 $0x2800;
	s18 =	sadd.s32 s22, s17  }
0x1f5: {  	[tilespmem:s31], [sflag:$0x2] =	stream.linear.gather [hbm4b:s18+s11], $0x7D0, $0x38;
	[tilespmem:$0x1A300] =	vst v63  }
0x1f6: {  	s20 =	sadd.s32 s14, s17;
	s21 =	simm.s32 $0x3000  }
0x1f7: {  	[tilespmem:s21], [sflag:$0x2] =	stream.linear.gather [hbm4b:s20+s11], $0x7D0, $0x38;
	[tilespmem:$0x1A300] =	vst v63  }
0x1f8: {  	s17 =	sadd.s32 s15, s17;
	s22 =	simm.s32 $0x3800  }
0x1f9: {  	[tilespmem:s22], [sflag:$0x2] =	stream.linear.gather [hbm4b:s17+s11], $0x7D0, $0x38;
	[tilespmem:$0x1A300] =	vst v63  }
0x1fa: {  	_ =	swait.ge [sflag:s3], $0x7D0  }
0x1fb: {  	[sflag:s3] =	ssyncset.done $0x0  }
0x1fc: {  	[sflag:s3] =	ssyncadd.s32 $0xFFFFF830  }
0x1fd: {  	_ =	swait.ge [sflag:s3], $0x7D0  }
0x1fe: {  	[sflag:s3] =	ssyncset.done $0x0  }
0x1ff: {  	s31 =	simm.s32 $0x4000;
	[sflag:s3] =	ssyncadd.s32 $0xFFFFF830  }
0x200: {  	[tilespmem:s31], [sflag:$0x3] =	stream.indirect.gather [hbm4b:s9+s19], $0x1, s11, s19, $0xb8;
	[tilespmem:$0x1A300] =	vst v63  }
0x201: {  	s18 =	simm.s32 $0x4800  }
0x202: {  	[tilespmem:s18], [sflag:$0x3] =	stream.indirect.gather [hbm4b:s6+s19], $0x1, s11, s19, $0xb8;
	[tilespmem:$0x1A300] =	vst v63  }
0x203: {  	s20 =	simm.s32 $0x5000  }
0x204: {  	[tilespmem:s20], [sflag:$0x3] =	stream.indirect.gather [hbm4b:s0+s19], $0x1, s11, s19, $0xb8;
	[tilespmem:$0x1A300] =	vst v63  }
0x205: {  	s21 =	simm.s32 $0x5800  }
0x206: {  	[tilespmem:s21], [sflag:$0x3] =	stream.indirect.gather [hbm4b:s9+s19], $0x1, s23, s19, $0xb8;
	[tilespmem:$0x1A300] =	vst v63  }
0x207: {  	s22 =	simm.s32 $0x6000  }
0x208: {  	[tilespmem:s22], [sflag:$0x3] =	stream.indirect.gather [hbm4b:s6+s19], $0x1, s23, s19, $0xb8;
	[tilespmem:$0x1A300] =	vst v63  }
0x209: {  	s31 =	simm.s32 $0x6800  }
0x20a: {  	[tilespmem:s31], [sflag:$0x3] =	stream.indirect.gather [hbm4b:s0+s19], $0x1, s23, s19, $0xb8;
	[tilespmem:$0x1A300] =	vst v63  }
.LBB2_12:
0x20b: {  	s20 =	simm.s32 $0x0  }
0x20c: {  	v2 =	vld [tilespmem:s20+$0xB010]  }
0x20d: {  	v3 =	vld [tilespmem:s20+$0xB000]  }
0x20e: {  	v4 =	vld [tilespmem:s20+$0xB800]  }
0x20f: {  	v5 =	vld [tilespmem:s20+$0xC800]  }
0x210: {  	v6 =	vld [tilespmem:s20+$0xF010]  }
0x211: {  	v7 =	vld [tilespmem:s20+$0xE010]  }
0x212: {  	v8 =	vld [tilespmem:s20+$0xB810]  }
0x213: {  	v9 =	vld [tilespmem:s20+$0xC810]  }
0x214: {  	v10 =	vld [tilespmem:s20+$0x10010]  }
0x215: {  	v11 =	vld [tilespmem:s20+$0xF810]  }
0x216: {  	v13 =	vld [tilespmem:s20+$0xD010]  }
0x217: {  	v14 =	vld [tilespmem:s20+$0xD810]  }
0x218: {  	(erf) = vrcp.f32 v2;
	v2 =	vld [tilespmem:s20+$0xE810]  }
0x219: {  	v19 =	vld [tilespmem:s20+$0xF800]  }
0x21a: {  	v23 =	vld [tilespmem:s20+$0x10800];
	v7 =	vmul.f32 v7, v0  }
0x21b: {  	v11 =	vmul.f32 v11, v0;
	(erf) = vrcp.f32 v3;
	v3 =	vld [tilespmem:s20+$0xC010]  }
0x21c: {  	v12 =	vld [tilespmem:s20+$0x10810];
	v9 =	vmul.f32 v9, v8;
	v10 =	vmul.f32 v10, v0  }
0x21d: {  	v5 =	vmul.f32 v5, v4;
	v7 =	vsub.f32 v7, v11;
	v2 =	vmul.f32 v2, v0  }
0x21e: {  	v6 =	vmul.f32 v6, v1;
	v19 =	vmul.f32 v19, v0;
	v11 =	vld [tilespmem:s20+$0xE000]  }
0x21f: {  	v23 =	vmul.f32 v23, v1;
	v18 =	vmul.f32 v14, v7;
	v2 =	vsub.f32 v2, v10  }
0x220: {  	v7 =	vmul.f32 v13, v7;
	v3 =	vmul.f32 v3, v8  }
0x221: {  	v16 =	vld [tilespmem:s20+$0xE800];
	v6 =	vsub.f32 $0.0e+00, v6;
	v10 =	vmul.f32 v12, v1;
	v15 =	vpop (erf);
	v8 =	vmul.f32 v2, v13  }
0x222: {  	v21 =	vld [tilespmem:s20+$0x10000];
	v2 =	vmul.f32 v14, v2;
	v9 =	vmul.f32 v9, v15  }
0x223: {  	v26 =	vadd.f32 v6, v6;
	v11 =	vmul.f32 v11, v0;
	v10 =	vsub.f32 $0.0e+00, v10  }
0x224: {  	v20 =	vpop (erf);
	v3 =	vmul.f32 v3, v15;
	v2 =	vadd.f32 v2, v7;
	v12 =	vmul.f32 v9, v15  }
0x225: {  	v22 =	vadd.f32 v10, v6;
	v5 =	vmul.f32 v5, v20;
	v6 =	vmul.f32 $4.000000000e+00, v6  }
0x226: {  	v8 =	vsub.f32 v8, v18;
	v18 =	vld [tilespmem:s20+$0xF000];
	v2 =	vmul.f32 v3, v2;
	v17 =	vmul.f32 v12, v15  }
0x227: {  	v3 =	vmul.f32 v16, v0;
	v16 =	vmul.f32 v21, v0;
	v21 =	vld [tilespmem:s20+$0xC000]  }
0x228: {  	v23 =	vsub.f32 $0.0e+00, v23;
	v12 =	vmul.f32 $6.000000000e+00, v12;
	v15 =	vld [tilespmem:s20+$0xD000];
	v17 =	vmul.f32 $1.200000000e+01, v17  }
0x229: {  	v3 =	vsub.f32 v3, v16;
	v16 =	vadd.f32 v10, v10;
	v10 =	vmul.f32 $4.000000000e+00, v10  }
0x22a: {  	v11 =	vsub.f32 v11, v19;
	v7 =	vmul.f32 v17, v8;
	v17 =	vmul.f32 v12, v22;
	v22 =	vld [tilespmem:s20+$0xD800]  }
0x22b: {  	v19 =	vmul.f32 v2, v14;
	v2 =	vmul.f32 v2, v13;
	v6 =	vadd.f32 v16, v6  }
0x22c: {  	v18 =	vmul.f32 v18, v1;
	v10 =	vadd.f32 v10, v26;
	v4 =	vmul.f32 v21, v4  }
0x22d: {  	v28 =	vmul.f32 v3, v15;
	v6 =	vmul.f32 v9, v6;
	v7 =	vadd.f32 v7, v17  }
0x22e: {  	v18 =	vsub.f32 $0.0e+00, v18;
	v9 =	vmul.f32 v9, v10;
	v17 =	vmul.f32 v5, v20  }
0x22f: {  	v24 =	vmul.f32 v7, v13;
	v27 =	vmul.f32 v22, v11  }
0x230: {  	s17 =	simm.s32 $0x20;
	v21 =	vadd.f32 v23, v18;
	v25 =	vmul.f32 v17, v20;
	v17 =	vmul.f32 $6.000000000e+00, v17  }
0x231: {  	v11 =	vmul.f32 v15, v11;
	v3 =	vmul.f32 v22, v3;
	v27 =	vsub.f32 v28, v27;
	v28 =	vld [tilespmem:s17+$0xB010]  }
0x232: {  	v29 =	vld [tilespmem:s17+$0xB000];
	v4 =	vmul.f32 v4, v20;
	v25 =	vmul.f32 $1.200000000e+01, v25;
	v19 =	vadd.f32 v24, v19  }
0x233: {  	v16 =	vld [tilespmem:s17+$0x10010];
	v24 =	vmul.f32 $4.000000000e+00, v18;
	v3 =	vadd.f32 v3, v11;
	v11 =	vmul.f32 v17, v21  }
0x234: {  	v10 =	vld [tilespmem:s17+$0xC010];
	v21 =	vmul.f32 $4.000000000e+00, v23;
	v23 =	vadd.f32 v23, v23;
	v25 =	vmul.f32 v25, v27  }
0x235: {  	v7 =	vmul.f32 v7, v14;
	v14 =	vld [tilespmem:s17+$0xE010];
	v18 =	vadd.f32 v18, v18;
	v3 =	vmul.f32 v4, v3  }
0x236: {  	v23 =	vadd.f32 v23, v24;
	v24 =	vld [tilespmem:s17+$0xB810];
	v4 =	vadd.f32 v25, v11;
	(erf) = vrcp.f32 v28  }
0x237: {  	v8 =	vmul.f32 v12, v8;
	v12 =	vmul.f32 v3, v15;
	v28 =	vld [tilespmem:s17+$0xE810]  }
0x238: {  	v18 =	vadd.f32 v21, v18;
	v25 =	vmul.f32 v4, v22;
	v4 =	vmul.f32 v4, v15;
	v15 =	vld [tilespmem:s17+$0xC810]  }
0x239: {  	v17 =	vmul.f32 v17, v27;
	v3 =	vmul.f32 v3, v22;
	v22 =	vld [tilespmem:s17+$0xF810]  }
0x23a: {  	v11 =	vld [tilespmem:s17+$0xF010];
	v13 =	vmul.f32 v5, v23;
	v5 =	vmul.f32 v5, v18  }
0x23b: {  	(erf) = vrcp.f32 v29;
	v18 =	vsub.f32 v12, v25;
	v23 =	vadd.f32 v4, v3;
	v12 =	vld [tilespmem:s17+$0x10810]  }
0x23c: {  	v25 =	vadd.f32 v17, v13;
	v13 =	vmul.f32 v14, v0;
	v3 =	vld [tilespmem:s17+$0xD010];
	v14 =	vmul.f32 v28, v0  }
0x23d: {  	v26 =	vsub.f32 v2, v7;
	v7 =	vld [tilespmem:s17+$0xD810];
	v2 =	vmul.f32 v15, v24;
	v15 =	vmul.f32 v16, v0  }
0x23e: {  	v30 =	vld [tilespmem:s17+$0xB800];
	v4 =	vadd.f32 v17, v5;
	v5 =	vadd.f32 v8, v6;
	v6 =	vmul.f32 v22, v0  }
0x23f: {  	v31 =	vld [tilespmem:s17+$0xC800];
	v20 =	vsub.f32 $0.0e+00, v19;
	v11 =	vmul.f32 v11, v1;
	v14 =	vsub.f32 v14, v15;
	v16 =	vpop (erf)  }
0x240: {  	v10 =	vmul.f32 v10, v24;
	v13 =	vsub.f32 v13, v6;
	v2 =	vmul.f32 v2, v16  }
0x241: {  	v17 =	vmul.f32 v12, v1;
	v12 =	vsub.f32 $0.0e+00, v11;
	v24 =	vmul.f32 v14, v3  }
0x242: {  	v27 =	vld [tilespmem:s17+$0xF800];
	v6 =	vadd.f32 v8, v9;
	v8 =	vmul.f32 v7, v13;
	v15 =	vmul.f32 v2, v16  }
0x243: {  	v29 =	vld [tilespmem:s17+$0x10000];
	v11 =	vsub.f32 $0.0e+00, v17;
	v13 =	vmul.f32 v3, v13;
	v14 =	vmul.f32 v7, v14  }
0x244: {  	v21 =	vmul.f32 v31, v30;
	v31 =	vsub.f32 $0.0e+00, v18;
	v22 =	vld [tilespmem:s17+$0xE000];
	v9 =	vmul.f32 v15, v16  }
0x245: {  	v17 =	vld [tilespmem:s17+$0xE800];
	v10 =	vmul.f32 v10, v16;
	v28 =	vadd.f32 v11, v12;
	v13 =	vadd.f32 v14, v13  }
0x246: {  	v8 =	vsub.f32 v24, v8;
	v16 =	vpop (erf);
	v24 =	vmul.f32 $1.200000000e+01, v9;
	v9 =	vmul.f32 $6.000000000e+00, v15  }
0x247: {  	v33 =	vld [tilespmem:s17+$0xF000];
	v32 =	vsub.f32 $0.0e+00, v23;
	v15 =	vmul.f32 v10, v13;
	v10 =	vmul.f32 v21, v16  }
0x248: {  	v34 =	vld [tilespmem:s17+$0x10800];
	[tilespmem:s20+$0x11810] =	vst v19;
	v25 =	vsub.f32 $0.0e+00, v25;
	v14 =	vmul.f32 v24, v8;
	v24 =	vmul.f32 v9, v28  }
0x249: {  	[tilespmem:s20+$0x11000] =	vst v18;
	v18 =	vadd.f32 v12, v12;
	v13 =	vld [tilespmem:s17+$0xD800];
	v21 =	vmul.f32 v22, v0;
	v22 =	vmul.f32 v27, v0  }
0x24a: {  	[tilespmem:s20+$0x13010] =	vst v20;
	v17 =	vmul.f32 v17, v0;
	v20 =	vadd.f32 v14, v24;
	v14 =	vld [tilespmem:s17+$0xD000];
	v24 =	vmul.f32 v29, v0  }
0x24b: {  	[tilespmem:s20+$0x11010] =	vst v26;
	v19 =	vadd.f32 v11, v11;
	v22 =	vsub.f32 v21, v22;
	v21 =	vmul.f32 v10, v16  }
0x24c: {  	[tilespmem:s20+$0x11800] =	vst v23;
	v23 =	vmul.f32 v15, v7;
	v17 =	vsub.f32 v17, v24;
	v24 =	vmul.f32 v20, v3  }
0x24d: {  	[tilespmem:s20+$0x12800] =	vst v31;
	v27 =	vmul.f32 v33, v1;
	v28 =	vsub.f32 $0.0e+00, v26;
	v26 =	vld [tilespmem:s17+$0xC000];
	v29 =	vmul.f32 v34, v1  }
0x24e: {  	[tilespmem:s20+$0x13000] =	vst v32;
	v31 =	vmul.f32 v21, v16;
	v21 =	vmul.f32 $6.000000000e+00, v21;
	v61 =	vadd.f32 v24, v23  }
0x24f: {  	[tilespmem:s20+$0x12000] =	vst v25;
	v62 =	vmul.f32 v13, v22;
	v24 =	vsub.f32 $0.0e+00, v27;
	v63 =	vmul.f32 v17, v14  }
0x250: {  	[tilespmem:s20+$0x12810] =	vst v28;
	v25 =	vmul.f32 $1.200000000e+01, v31;
	v23 =	vsub.f32 $0.0e+00, v29;
	v31 =	vsub.f32 $0.0e+00, v61  }
0x251: {  	v29 =	vmul.f32 v13, v17;
	v28 =	vmul.f32 v14, v22;
	[tilespmem:s17+$0x11810] =	vst v61;
	v22 =	vsub.f32 v63, v62  }
0x252: {  	s18 =	simm.s32 $0x2;
	s21 =	simm.s32 $0x100;
	v26 =	vmul.f32 v26, v30;
	v27 =	vadd.f32 v23, v24;
	v17 =	vmul.f32 $4.000000000e+00, v24;
	[tilespmem:s17+$0x13010] =	vst v31  }
.LBB2_13:
0x253: {  	s22 =	sshra.s32 s21, $0x2;
	s18 =	sadd.s32 $0x2, s18;
	v28 =	vadd.f32 v29, v28;
	v25 =	vmul.f32 v25, v22;
	v29 =	vadd.f32 v23, v23  }
0x254: {  	v24 =	vadd.f32 v24, v24;
	v30 =	vld [tilespmem:s22+$0xB010];
	p0 =	slt.u32 s18, $0x7A;
	v16 =	vmul.f32 v26, v16;
	v26 =	vmul.f32 v21, v27  }
0x255: {  	v23 =	vmul.f32 $4.000000000e+00, v23;
	v12 =	vmul.f32 $4.000000000e+00, v12;
	v27 =	vld [tilespmem:s22+$0xB000];
	v29 =	vadd.f32 v29, v17  }
0x256: {  	v11 =	vmul.f32 $4.000000000e+00, v11;
	v17 =	vld [tilespmem:s22+$0xB800];
	v16 =	vmul.f32 v16, v28;
	v25 =	vadd.f32 v25, v26  }
0x257: {  	v7 =	vmul.f32 v20, v7;
	v23 =	vadd.f32 v23, v24;
	v12 =	vadd.f32 v19, v12;
	v26 =	vld [tilespmem:s22+$0xC800]  }
0x258: {  	v11 =	vadd.f32 v11, v18;
	v19 =	vld [tilespmem:s22+$0xF010];
	v20 =	vmul.f32 v25, v13;
	v24 =	vmul.f32 v25, v14  }
0x259: {  	v4 =	vsub.f32 $0.0e+00, v4;
	v21 =	vmul.f32 v21, v22;
	v18 =	vld [tilespmem:s22+$0xE010];
	(erf) = vrcp.f32 v30  }
0x25a: {  	v8 =	vmul.f32 v9, v8;
	v5 =	vsub.f32 $0.0e+00, v5;
	v22 =	vld [tilespmem:s22+$0xE810];
	(erf) = vrcp.f32 v27  }
0x25b: {  	v14 =	vmul.f32 v16, v14;
	v13 =	vmul.f32 v16, v13;
	v9 =	vld [tilespmem:s22+$0xB810];
	[tilespmem:s20+$0x13800] =	vst v4;
	v4 =	vsub.f32 $0.0e+00, v6  }
0x25c: {  	v3 =	vmul.f32 v15, v3;
	v25 =	vmul.f32 v26, v17;
	v6 =	vld [tilespmem:s22+$0xC810];
	[tilespmem:s20+$0x12010] =	vst v5  }
0x25d: {  	v14 =	vsub.f32 v14, v20;
	v5 =	vmul.f32 v10, v29;
	v10 =	vmul.f32 v10, v23;
	v15 =	vld [tilespmem:s22+$0x10010];
	[tilespmem:s20+$0x13810] =	vst v4;
	s20 =	smov.u32 s17;
	s17 =	smov.u32 s22  }
0x25e: {  	v12 =	vmul.f32 v2, v12;
	v2 =	vmul.f32 v2, v11;
	v13 =	vadd.f32 v24, v13;
	v16 =	vld [tilespmem:s17+$0xF810]  }
0x25f: {  	v20 =	vsub.f32 v3, v7;
	v23 =	vadd.f32 v21, v5;
	v11 =	vld [tilespmem:s17+$0x10810];
	[tilespmem:s20+$0x11000] =	vst v14  }
0x260: {  	v4 =	vadd.f32 v21, v10;
	v5 =	vadd.f32 v8, v12;
	v24 =	vld [tilespmem:s17+$0xC010];
	[tilespmem:s20+$0x11800] =	vst v13  }
0x261: {  	v10 =	vmul.f32 v18, v0;
	v3 =	vld [tilespmem:s17+$0xD010];
	v12 =	vmul.f32 v6, v9;
	v6 =	vadd.f32 v8, v2;
	[tilespmem:s20+$0x11010] =	vst v20  }
0x262: {  	v14 =	vsub.f32 $0.0e+00, v14;
	v8 =	vmul.f32 v22, v0;
	v15 =	vmul.f32 v15, v0;
	v7 =	vld [tilespmem:s17+$0xD810];
	v18 =	vpop (erf)  }
0x263: {  	v21 =	vld [tilespmem:s17+$0xE000];
	v22 =	vmul.f32 v16, v0;
	v2 =	vmul.f32 v12, v18;
	v16 =	vpop (erf);
	v12 =	vsub.f32 $0.0e+00, v13  }
0x264: {  	v13 =	vmul.f32 v19, v1;
	v26 =	vld [tilespmem:s17+$0xE800];
	v11 =	vmul.f32 v11, v1;
	v8 =	vsub.f32 v8, v15;
	[tilespmem:s20+$0x12800] =	vst v14  }
0x265: {  	v15 =	vld [tilespmem:s17+$0xF800];
	v19 =	vmul.f32 v24, v9;
	v9 =	vmul.f32 v2, v18;
	v10 =	vsub.f32 v10, v22;
	[tilespmem:s20+$0x13000] =	vst v12  }
0x266: {  	v12 =	vsub.f32 $0.0e+00, v13;
	v22 =	vld [tilespmem:s17+$0x10000];
	v24 =	vmul.f32 v8, v3;
	v11 =	vsub.f32 $0.0e+00, v11  }
0x267: {  	v20 =	vsub.f32 $0.0e+00, v20;
	v27 =	vld [tilespmem:s17+$0xF000];
	v13 =	vmul.f32 v9, v18;
	v28 =	vmul.f32 v7, v10  }
0x268: {  	v30 =	vmul.f32 v3, v10;
	v31 =	vmul.f32 v7, v8;
	v29 =	vld [tilespmem:s17+$0x10800];
	v32 =	vadd.f32 v11, v12  }
0x269: {  	v9 =	vmul.f32 $6.000000000e+00, v9;
	v14 =	vld [tilespmem:s17+$0xD000];
	v8 =	vsub.f32 v24, v28;
	v24 =	vmul.f32 $1.200000000e+01, v13;
	[tilespmem:s20+$0x12810] =	vst v20  }
0x26a: {  	v10 =	vmul.f32 v25, v16;
	v20 =	vmul.f32 v19, v18;
	v19 =	vadd.f32 v11, v11;
	v13 =	vld [tilespmem:s17+$0xD800]  }
0x26b: {  	v25 =	vadd.f32 v31, v30;
	v28 =	vmul.f32 v9, v32;
	v33 =	vld [tilespmem:s17+$0xC000];
	v24 =	vmul.f32 v24, v8  }
0x26c: {  	v21 =	vmul.f32 v21, v0;
	v26 =	vmul.f32 v26, v0;
	v18 =	vadd.f32 v12, v12  }
0x26d: {  	v30 =	vmul.f32 v15, v0;
	v15 =	vmul.f32 v20, v25;
	v20 =	vadd.f32 v24, v28  }
0x26e: {  	v23 =	vsub.f32 $0.0e+00, v23;
	v22 =	vmul.f32 v22, v0;
	v28 =	vmul.f32 v10, v16  }
0x26f: {  	v30 =	vsub.f32 v21, v30;
	v21 =	vmul.f32 v15, v7;
	v24 =	vmul.f32 v20, v3  }
0x270: {  	v25 =	vmul.f32 v27, v1;
	v27 =	vmul.f32 v29, v1;
	v22 =	vsub.f32 v26, v22;
	[tilespmem:s20+$0x12000] =	vst v23  }
.Ltmp10:
0x271: {  	v26 =	vmul.f32 v28, v16;
	v31 =	vmul.f32 v13, v30;
	v29 =	vadd.f32 v24, v21;
	(pc) =	sbr.rel @p0 .LBB2_13-.Ltmp10, $4  }
0x272: {  	v32 =	vmul.f32 v22, v14;
	v23 =	vsub.f32 $0.0e+00, v27;
	v24 =	vsub.f32 $0.0e+00, v25  }
0x273: {  	v25 =	vmul.f32 $1.200000000e+01, v26;
	v21 =	vmul.f32 $6.000000000e+00, v28;
	[tilespmem:s17+$0x11810] =	vst v29;
	v34 =	vsub.f32 $0.0e+00, v29  }
0x274: {  	v28 =	vmul.f32 v14, v30;
	v29 =	vmul.f32 v13, v22;
	v22 =	vsub.f32 v32, v31  }
0x275: {  	s21 =	sadd.s32 $0x80, s21;
	v26 =	vmul.f32 v33, v17;
	v27 =	vadd.f32 v23, v24;
	v17 =	vmul.f32 $4.000000000e+00, v24;
	[tilespmem:s17+$0x13010] =	vst v34  }
0x276: {  	v28 =	vadd.f32 v29, v28;
	v25 =	vmul.f32 v25, v22;
	v58 =	vadd.f32 v23, v23  }
0x277: {  	v24 =	vadd.f32 v24, v24;
	v60 =	vmul.f32 $4.000000000e+00, v23;
	v12 =	vmul.f32 $4.000000000e+00, v12  }
0x278: {  	v11 =	vmul.f32 $4.000000000e+00, v11;
	v4 =	vsub.f32 $0.0e+00, v4;
	v3 =	vmul.f32 v15, v3  }
0x279: {  	v5 =	vsub.f32 $0.0e+00, v5;
	v30 =	vmul.f32 v21, v22;
	v59 =	vmul.f32 v21, v27  }
0x27a: {  	v32 =	vmul.f32 v9, v8;
	v16 =	vmul.f32 v26, v16;
	v17 =	vadd.f32 v58, v17  }
0x27b: {  	v26 =	vmul.f32 v20, v7;
	v23 =	vadd.f32 v60, v24;
	v25 =	vadd.f32 v25, v59  }
0x27c: {  	v12 =	vadd.f32 v19, v12;
	v16 =	vmul.f32 v16, v28;
	v28 =	vadd.f32 v11, v18  }
0x27d: {  	[tilespmem:s20+$0x13800] =	vst v4;
	v3 =	vsub.f32 v3, v26;
	v31 =	vmul.f32 v10, v17;
	v61 =	vmul.f32 v25, v13  }
0x27e: {  	[tilespmem:s20+$0x12010] =	vst v5;
	v62 =	vmul.f32 v16, v14;
	v63 =	vmul.f32 v25, v14;
	v25 =	vsub.f32 $0.0e+00, v6  }
0x27f: {  	v33 =	vmul.f32 v10, v23;
	v16 =	vmul.f32 v16, v13;
	[tilespmem:s17+$0x11010] =	vst v3;
	v3 =	vsub.f32 $0.0e+00, v3  }
0x280: {  	v34 =	vmul.f32 v2, v12;
	v35 =	vadd.f32 v30, v31;
	v27 =	vsub.f32 v62, v61;
	[tilespmem:s20+$0x13810] =	vst v25  }
0x281: {  	v36 =	vadd.f32 v30, v33;
	v29 =	vadd.f32 v63, v16;
	[tilespmem:s17+$0x12810] =	vst v3  }
0x282: {  	v37 =	vadd.f32 v32, v34;
	v38 =	vsub.f32 $0.0e+00, v35;
	[tilespmem:s17+$0x11000] =	vst v27  }
0x283: {  	v2 =	vmul.f32 v2, v28;
	v3 =	vsub.f32 $0.0e+00, v36;
	[tilespmem:s17+$0x11800] =	vst v29  }
0x284: {  	v39 =	vsub.f32 $0.0e+00, v37;
	[tilespmem:s17+$0x12000] =	vst v38  }
0x285: {  	v2 =	vadd.f32 v32, v2;
	v5 =	vsub.f32 $0.0e+00, v27;
	[tilespmem:s17+$0x13800] =	vst v3  }
0x286: {  	v4 =	vsub.f32 $0.0e+00, v29;
	[tilespmem:s17+$0x12010] =	vst v39  }
0x287: {  	v2 =	vsub.f32 $0.0e+00, v2;
	[tilespmem:s17+$0x12800] =	vst v5  }
0x288: {  	[tilespmem:s17+$0x13000] =	vst v4  }
0x289: {  	[tilespmem:s17+$0x13810] =	vst v2  }
0x28a: {  	v2 =	vld [tilespmem:$0xB7C0];
	_ =	sdelay $0x2  }
0x28b: {  	v3 =	vld [tilespmem:$0xE7C0]  }
0x28c: {  	v4 =	vld [tilespmem:$0xEFC0]  }
0x28d: {  	v40 =	vld [tilespmem:$0xF7C0];
	(erf) = vrcp.f32 v2  }
0x28e: {  	v41 =	vld [tilespmem:$0xBFC0]  }
0x28f: {  	v42 =	vld [tilespmem:$0xCFC0]  }
0x290: {  	v43 =	vld [tilespmem:$0x107C0]  }
0x291: {  	v2 =	vld [tilespmem:$0xFFC0];
	_ =	sdelay $0x1  }
0x292: {  	v44 =	vld [tilespmem:$0x10FC0]  }
0x293: {  	v46 =	vld [tilespmem:$0xC7C0];
	v3 =	vmul.f32 v3, v0;
	v4 =	vmul.f32 v4, v0  }
0x294: {  	v45 =	vld [tilespmem:$0xD7C0];
	v7 =	vmul.f32 v42, v41;
	v5 =	vmul.f32 v40, v1  }
0x295: {  	v47 =	vld [tilespmem:$0xDFC0];
	v8 =	vmul.f32 v43, v0;
	v2 =	vmul.f32 v2, v0;
	v48 =	vpop (erf)  }
0x296: {  	v5 =	vsub.f32 $0.0e+00, v5;
	v7 =	vmul.f32 v7, v48  }
0x297: {  	v9 =	vmul.f32 v44, v1;
	v2 =	vsub.f32 v3, v2;
	v3 =	vsub.f32 v4, v8  }
0x298: {  	v49 =	vmul.f32 v46, v41;
	v50 =	vmul.f32 v7, v48  }
0x299: {  	v9 =	vsub.f32 $0.0e+00, v9;
	v55 =	vmul.f32 $4.000000000e+00, v5;
	v8 =	vmul.f32 v3, v45  }
0x29a: {  	v51 =	vmul.f32 v47, v2;
	v52 =	vmul.f32 v50, v48  }
0x29b: {  	v54 =	vadd.f32 v9, v5;
	v2 =	vmul.f32 v45, v2;
	v3 =	vmul.f32 v47, v3  }
0x29c: {  	v8 =	vsub.f32 v8, v51;
	v6 =	vmul.f32 $6.000000000e+00, v50;
	v53 =	vmul.f32 $1.200000000e+01, v52  }
0x29d: {  	v56 =	vadd.f32 v9, v9;
	v4 =	vmul.f32 v49, v48;
	v2 =	vadd.f32 v3, v2  }
0x29e: {  	v57 =	vmul.f32 v6, v54;
	v3 =	vmul.f32 v53, v8  }
0x29f: {  	v13 =	vadd.f32 v56, v55;
	v2 =	vmul.f32 v4, v2  }
0x2a0: {  	v60 =	vmul.f32 $4.000000000e+00, v9;
	v3 =	vadd.f32 v3, v57  }
0x2a1: {  	v5 =	vadd.f32 v5, v5;
	v59 =	vmul.f32 v7, v13;
	v61 =	vmul.f32 v2, v45  }
0x2a2: {  	v58 =	vmul.f32 v6, v8;
	v11 =	vmul.f32 v3, v47  }
0x2a3: {  	v5 =	vadd.f32 v60, v5;
	v2 =	vmul.f32 v2, v47;
	v3 =	vmul.f32 v3, v45  }
0x2a4: {  	v6 =	vadd.f32 v58, v59;
	v62 =	vsub.f32 v61, v11  }
0x2a5: {  	v5 =	vmul.f32 v7, v5;
	v2 =	vadd.f32 v3, v2  }
0x2a6: {  	v3 =	vsub.f32 $0.0e+00, v6;
	[tilespmem:$0x117C0] =	vst v62  }
0x2a7: {  	v4 =	vadd.f32 v58, v5;
	[tilespmem:$0x11FC0] =	vst v2;
	v63 =	vsub.f32 $0.0e+00, v62  }
0x2a8: {  	[tilespmem:$0x127C0] =	vst v3;
	v2 =	vsub.f32 $0.0e+00, v2  }
0x2a9: {  	v3 =	vsub.f32 $0.0e+00, v4;
	[tilespmem:$0x12FC0] =	vst v63  }
0x2aa: {  	[tilespmem:$0x137C0] =	vst v2  }
0x2ab: {  	s31 =	simm.s32 $0x11000;
	[tilespmem:$0x13FC0] =	vst v3  }
0x2ac: {  	[spmem:s7] =	stream.indirect.scatter.add.f32 [tilespmem:s31], [sflag:$0x8], $0x1, s29, s19, $0xb8;
	[tilespmem:$0x1A300] =	vst v63  }
0x2ad: {  	s18 =	simm.s32 $0x11800  }
0x2ae: {  	[spmem:s8] =	stream.indirect.scatter.add.f32 [tilespmem:s18], [sflag:$0x8], $0x1, s29, s19, $0xb8;
	[tilespmem:$0x1A300] =	vst v63  }
0x2af: {  	s20 =	simm.s32 $0x12000  }
0x2b0: {  	[spmem:s10] =	stream.indirect.scatter.add.f32 [tilespmem:s20], [sflag:$0x8], $0x1, s29, s19, $0xb8;
	[tilespmem:$0x1A300] =	vst v63  }
0x2b1: {  	s21 =	simm.s32 $0x12800  }
0x2b2: {  	[spmem:s7] =	stream.indirect.scatter.add.f32 [tilespmem:s21], [sflag:$0x8], $0x1, s16, s19, $0xb8;
	[tilespmem:$0x1A300] =	vst v63  }
.Ltmp11:
0x2b3: {  	_ = 	snop;
	(pc) =	sbr.rel .LBB2_15-.Ltmp11, $4  }
0x2b4: {  	s22 =	simm.s32 $0x13000  }
0x2b5: {  	[spmem:s8] =	stream.indirect.scatter.add.f32 [tilespmem:s22], [sflag:$0x8], $0x1, s16, s19, $0xb8;
	[tilespmem:$0x1A300] =	vst v63  }
0x2b6: {  	s31 =	simm.s32 $0x13800  }
0x2b7: {  	[spmem:s10] =	stream.indirect.scatter.add.f32 [tilespmem:s31], [sflag:$0x8], $0x1, s16, s19, $0xb8;
	[tilespmem:$0x1A300] =	vst v63  }
.LBB2_17:
0x2b8: {  	_ =	sfence.sel $0x180000  }
0x2b9: {  	[bflag:$0x0] =	sbarrier.arrive $0xFFFF  }
0x2ba: {  	_ =	strace $0x90000047  }
0x2bb: {  	s0 =	stileid.u32;
	[bflag:$0x2] =	sbarrier.arrive $0xFFFF  }
0x2bc: {  	p0 =	sne.s32 s0, $0x0;
	s0 =	rddreg [dreg:$0x9]  }
0x2bd: {  	s0 =	sadd.s32 @!p0 $0x100000, s0  }
0x2be: {  	[sflag:s0] =	ssyncadd.tile.s32 @!p0 $0x1;
	_ =	shalt  }
.Lfunc_end2:
_tile_overlayer_lowered:
.L_overlay_start_2:
0x2bf: {  	(tag) =	ssettag $0x2  }
0x2c0: {  	s0 =	rddreg [dreg:$0x0];
	s2 =	stileid.u32  }
0x2c1: {  	s1 =	rddreg [dreg:$0x1];
	p0 =	sne.s32 s2, $0x0  }
0x2c2: {  	s3 =	rddreg [dreg:$0x2];
	[bflag:$0x3] =	sbarrier.arrive $0xFFFF;
	s2 =	simm.s32 @!p0 $0x1C09  }
0x2c3: {  	[timem:s3], [sflag:s2] =	dma.local @!p0 [hbm:s0], s1  }
0x2c4: {  	s0 =	simm.s32 @!p0 $0x9  }
0x2c5: {  	_ =	swait.ge @!p0 [sflag:s0], s1  }
0x2c6: {  	s1 =	ssub.s32 @!p0 $0x0, s1;
	[sflag:s0] =	ssyncset.done @!p0 $0x0  }
0x2c7: {  	[sflag:s0] =	ssyncadd.s32 @!p0 s1  }
0x2c8: {  	[bflag:$0x3] =	sbarrier.arrive $0xFFFF  }
0x2c9: {  	_ =	shalt  }

</sc_bundles>
